<compile_context>
chip_gen: v7x
topology: tpu7x:2x2x1
jax: 0.10.2.dev20260603
libtpu: 0.0.44.dev20260713+nightly
codegen_flags: <defaults>
</compile_context>

<pallas_src>
import functools

import jax
import jax.numpy as jnp
from jax import lax
from jax.experimental import pallas as pl
from jax.experimental.pallas import tpu as pltpu
from jax.experimental.pallas import tpu_sc as plsc

_NC = 2
_NS = 16
_NW = _NC * _NS
_L = 16

_GW = 80


def _build(n_rows, seqlen, d_model):
  assert n_rows % (_NW * seqlen) == 0
  rows_w = n_rows // _NW
  seqs_chunk = 2
  rows_chunk = seqs_chunk * seqlen
  n_chunks = rows_w // rows_chunk
  n_gathers = rows_chunk // _GW
  vpr = d_model // _L

  mesh = plsc.VectorSubcoreMesh(
      core_axis_name="c", subcore_axis_name="s",
      num_cores=_NC, num_subcores=_NS)

  @functools.partial(
      pl.kernel,
      out_type=jax.ShapeDtypeStruct((n_rows, d_model), jnp.float32),
      mesh=mesh,
      scratch_types=(
          [
              pltpu.VMEM((rows_chunk,), jnp.int32),
              pltpu.VMEM((rows_chunk,), jnp.int32),
              pltpu.VMEM((n_gathers, _GW), jnp.int32),
              pltpu.VMEM((n_gathers, _GW), jnp.int32),
              pltpu.VMEM((rows_chunk, 2 * d_model), jnp.float32),
              pltpu.VMEM((rows_chunk, d_model), jnp.float32),
              pltpu.VMEM((seqlen, d_model), jnp.float32),
          ]
          + [pltpu.SemaphoreType.DMA] * 2
          + [pltpu.SemaphoreType.DMA] * n_gathers
      ),
  )
  def embed(idxf_hbm, tab2_hbm, pos_hbm, out_hbm, *scr):
    idx_v = scr[0:2]
    pidx_v = scr[2:4]
    rows_v, out_v, pos_v = scr[4:7]
    si = scr[7:9]
    sg = scr[9:9 + n_gathers]
    wid = lax.axis_index("s") * _NC + lax.axis_index("c")
    base = wid * rows_w
    pltpu.sync_copy(pos_hbm, pos_v)

    def stage_pidx(b):
      for j in range(rows_chunk // _L):
        iv = idx_v[b][pl.ds(j * _L, _L)]
        g, l = divmod(j, _GW // _L)
        pidx_v[b][g, pl.ds(l * _L, _L)] = iv

    def fire_gather(b, g):
      pltpu.async_copy(tab2_hbm.at[pidx_v[b].at[g]],
                       rows_v.at[pl.ds(g * _GW, _GW)], sg[g])

    def drain(sem, src, dst):
      pltpu.make_async_copy(src, dst, sem).wait()

    def add_block(g):
      spans = []
      r0 = g * _GW
      p0 = r0 % seqlen
      if p0 + _GW <= seqlen:
        spans.append((r0, p0, _GW))
      else:
        first = seqlen - p0
        spans.append((r0, p0, first))
        spans.append((r0 + first, 0, _GW - first))
      for (rb0, pb0, ln) in spans:
        def body(i, pc):
          r = rb0 + i
          p = pb0 + i
          for v in range(vpr):
            sl = pl.ds(v * _L, _L)
            out_v[r, sl] = rows_v[r, sl] + pos_v[p, sl]
          return pc
        lax.fori_loop(0, ln, body, 0)

    pltpu.sync_copy(idxf_hbm.at[pl.ds(base, rows_chunk)], idx_v[0])
    stage_pidx(0)
    for g in range(n_gathers):
      fire_gather(0, g)
    pltpu.async_copy(idxf_hbm.at[pl.ds(base + rows_chunk, rows_chunk)],
                     idx_v[1], si[1])

    def pair_body(c2, carry):
      for k in range(2):
        c = 2 * c2 + k
        b = k
        nb = 1 - k
        rb = base + c * rows_chunk

        @pl.when(c + 1 < n_chunks)
        def _():
          drain(si[nb], idxf_hbm.at[pl.ds(base, rows_chunk)], idx_v[nb])
          stage_pidx(nb)

        @pl.when(c + 2 < n_chunks)
        def _():
          pltpu.async_copy(
              idxf_hbm.at[pl.ds(rb + 2 * rows_chunk, rows_chunk)],
              idx_v[b], si[b])

        for g in range(n_gathers):
          drain(sg[g], tab2_hbm.at[pl.ds(0, _GW)],
                rows_v.at[pl.ds(g * _GW, _GW)])
          add_block(g)
          @pl.when(c + 1 < n_chunks)
          def _():
            fire_gather(nb, g)

        pltpu.sync_copy(out_v, out_hbm.at[pl.ds(rb, rows_chunk)])
      return carry

    lax.fori_loop(0, n_chunks // 2, pair_body, 0)

  return embed


def kernel(tgt, embedding_tgt, embedding_pos):
  batch, seqlen = tgt.shape
  d_model = embedding_tgt.shape[1]
  n_rows = batch * seqlen
  idx_flat = tgt.reshape(n_rows)
  tab2 = jnp.pad(embedding_tgt, ((0, 0), (0, d_model)))
  embed = _build(n_rows, seqlen, d_model)
  out = embed(idx_flat, tab2, embedding_pos)
  mask = jnp.where(tgt == 0, -jnp.inf, 0.0).astype(jnp.float32)
  return out.reshape(batch, seqlen, d_model), mask

# --- scband reference (transcript-rebuilt; emitter-appended) ---
"""Pipeline reference for scband-gflow-net-shared-embedding-53437983096933 (READ-ONLY COPY).

The authoritative reference and input builder live on the scoring server;
editing this copy changes nothing except your own understanding.
"""

import jax, jax.numpy as jnp
import numpy as np

N_VOCAB = 1000000
N_NTS = 0
D_MODEL = 64
SEQLEN = 200
BATCH = 4096


def setup_inputs(seed: int = 0) -> dict:
    key = jax.random.key(seed)
    k1, k2, k3 = jax.random.split(key, 3)
    tgt = jax.random.randint(k1, (BATCH, SEQLEN), 0, N_VOCAB, dtype=jnp.int32)
    std = 1.0 / (128.0 ** 0.5)
    embedding_tgt = jax.random.normal(k2, (N_VOCAB + N_NTS, D_MODEL), dtype=jnp.float32) * std
    embedding_pos = jax.random.normal(k3, (SEQLEN, D_MODEL), dtype=jnp.float32) * std
    return {"tgt": tgt, "embedding_tgt": embedding_tgt, "embedding_pos": embedding_pos}


def reference(tgt, embedding_tgt, embedding_pos):
    # token embedding lookup (gather)
    encoded_tgt = jnp.take(embedding_tgt, tgt, axis=0)  # [B, L, D]
    # position ids: arange(L) broadcast to [B, L]
    seq_length = tgt.shape[-1]
    pos_ids = jnp.arange(seq_length, dtype=jnp.int32)
    pos_emb = jnp.take(embedding_pos, pos_ids, axis=0)  # [L, D]
    encoded_tgt = encoded_tgt + pos_emb[None, :, :]
    # key padding mask: -inf where token id == 0, else 0
    tgt_key_padding_mask = jnp.where(tgt == 0, -jnp.inf, 0.0).astype(encoded_tgt.dtype)
    return (encoded_tgt, tgt_key_padding_mask)

if __name__ == "__main__":
    import jax
    _d = setup_inputs()
    print(jax.jit(kernel)(*tuple(_d.values())))

</pallas_src>

<mosaic_0001>
#map = affine_map<(d0, d1) -> (0)>
#map1 = affine_map<(d0, d1) -> (0, 0)>
module attributes {stable_mosaic.version = 14 : i64} {
  func.func @embed(%arg0: i32, %arg1: i32, %arg2: memref<819200xi32, #tpu.memory_space<hbm>>, %arg3: memref<1000000x128xf32, #tpu.memory_space<hbm>>, %arg4: memref<200x64xf32, #tpu.memory_space<hbm>>, %arg5: memref<819200x64xf32, #tpu.memory_space<hbm>>, %arg6: memref<400xi32, #tpu.memory_space<vmem>>, %arg7: memref<400xi32, #tpu.memory_space<vmem>>, %arg8: memref<5x80xi32, #tpu.memory_space<vmem>>, %arg9: memref<5x80xi32, #tpu.memory_space<vmem>>, %arg10: memref<400x128xf32, #tpu.memory_space<vmem>>, %arg11: memref<400x64xf32, #tpu.memory_space<vmem>>, %arg12: memref<200x64xf32, #tpu.memory_space<vmem>>, %arg13: memref<!tpu.dma_semaphore, #tpu.memory_space<semaphore_mem>>, %arg14: memref<!tpu.dma_semaphore, #tpu.memory_space<semaphore_mem>>, %arg15: memref<!tpu.dma_semaphore, #tpu.memory_space<semaphore_mem>>, %arg16: memref<!tpu.dma_semaphore, #tpu.memory_space<semaphore_mem>>, %arg17: memref<!tpu.dma_semaphore, #tpu.memory_space<semaphore_mem>>, %arg18: memref<!tpu.dma_semaphore, #tpu.memory_space<semaphore_mem>>, %arg19: memref<!tpu.dma_semaphore, #tpu.memory_space<semaphore_mem>>) attributes {dimension_semantics = [#tpu.dimension_semantics<core_parallel>, #tpu.dimension_semantics<subcore_parallel>], iteration_bounds = array<i64: 2, 16>, scalar_prefetch = 0 : i64, scratch_operands = 14 : i64, tpu.core_type = #tpu.core_type<sc_vector_subcore>, window_params = [{transform_indices = #map}, {transform_indices = #map1}, {transform_indices = #map1}, {transform_indices = #map1}]} {
    %mul3A = arith.constant 2 : i32
    %mul3A_0 = arith.muli %arg1, %mul3A : i32
    %add3A = arith.addi %mul3A_0, %arg0 : i32
    %mul3A_1 = arith.constant 25600 : i32
    %mul3A_2 = arith.muli %add3A, %mul3A_1 : i32
    "tpu.region"() ({
      %run_scoped3A = tpu.sem_alloc : memref<!tpu.dma_semaphore, #tpu.memory_space<semaphore_mem>>
      tpu.enqueue_dma source(%arg4 : memref<200x64xf32, #tpu.memory_space<hbm>>) target(%arg12 : memref<200x64xf32, #tpu.memory_space<vmem>>) target_semaphore(%run_scoped3A : memref<!tpu.dma_semaphore, #tpu.memory_space<semaphore_mem>>)
      tpu.wait_dma2 semaphore(%run_scoped3A : memref<!tpu.dma_semaphore, #tpu.memory_space<semaphore_mem>>) src(%arg4 : memref<200x64xf32, #tpu.memory_space<hbm>>) dst(%arg12 : memref<200x64xf32, #tpu.memory_space<vmem>>)
      tpu.yield
    }) : () -> ()
    "tpu.region"() ({
      %run_scoped3A = tpu.sem_alloc : memref<!tpu.dma_semaphore, #tpu.memory_space<semaphore_mem>>
      %dma_start3A_284 = tpu.memref_slice %arg2[%mul3A_2] : memref<819200xi32, #tpu.memory_space<hbm>> -> memref<400xi32, #tpu.memory_space<hbm>>
      %dma_start3A_285 = tpu.memref_slice %arg2[%mul3A_2] : memref<819200xi32, #tpu.memory_space<hbm>> -> memref<400xi32, #tpu.memory_space<hbm>>
      tpu.enqueue_dma source(%dma_start3A_285 : memref<400xi32, #tpu.memory_space<hbm>>) target(%arg6 : memref<400xi32, #tpu.memory_space<vmem>>) target_semaphore(%run_scoped3A : memref<!tpu.dma_semaphore, #tpu.memory_space<semaphore_mem>>)
      %dma_wait3A = tpu.memref_slice %arg2[%mul3A_2] : memref<819200xi32, #tpu.memory_space<hbm>> -> memref<400xi32, #tpu.memory_space<hbm>>
      %dma_wait3A_286 = tpu.memref_slice %arg2[%mul3A_2] : memref<819200xi32, #tpu.memory_space<hbm>> -> memref<400xi32, #tpu.memory_space<hbm>>
      tpu.wait_dma2 semaphore(%run_scoped3A : memref<!tpu.dma_semaphore, #tpu.memory_space<semaphore_mem>>) src(%dma_wait3A_286 : memref<400xi32, #tpu.memory_space<hbm>>) dst(%arg6 : memref<400xi32, #tpu.memory_space<vmem>>)
      tpu.yield
    }) : () -> ()
    %get3A = arith.constant 0 : index
    %get3A_3 = tpu.vector_load %arg6[%get3A] {strides = array<i32>} : memref<400xi32, #tpu.memory_space<vmem>>, vector<16xi32>,
    %get3A_4 = vector.shape_cast %get3A_3 : vector<16xi32> to vector<16xi32>
    %swap3A = arith.constant 0 : i32
    %swap3A_5 = arith.index_cast %swap3A : i32 to index
    %swap3A_6 = arith.constant 0 : index
    %swap3A_7 = tpu.vector_load %arg8[%swap3A_5, %swap3A_6] {strides = array<i32>} : memref<5x80xi32, #tpu.memory_space<vmem>>, vector<1x16xi32>,
    %swap3A_8 = vector.shape_cast %swap3A_7 : vector<1x16xi32> to vector<16xi32>
    %swap3A_9 = vector.shape_cast %get3A_4 : vector<16xi32> to vector<1x16xi32>
    tpu.vector_store %arg8[%swap3A_5, %swap3A_6], %swap3A_9 {strides = array<i32>} : memref<5x80xi32, #tpu.memory_space<vmem>>, vector<1x16xi32>,
    %get3A_10 = arith.constant 16 : index
    %get3A_11 = tpu.vector_load %arg6[%get3A_10] {strides = array<i32>} : memref<400xi32, #tpu.memory_space<vmem>>, vector<16xi32>,
    %get3A_12 = vector.shape_cast %get3A_11 : vector<16xi32> to vector<16xi32>
    %swap3A_13 = arith.constant 0 : i32
    %swap3A_14 = arith.index_cast %swap3A_13 : i32 to index
    %swap3A_15 = arith.constant 16 : index
    %swap3A_16 = tpu.vector_load %arg8[%swap3A_14, %swap3A_15] {strides = array<i32>} : memref<5x80xi32, #tpu.memory_space<vmem>>, vector<1x16xi32>,
    %swap3A_17 = vector.shape_cast %swap3A_16 : vector<1x16xi32> to vector<16xi32>
    %swap3A_18 = vector.shape_cast %get3A_12 : vector<16xi32> to vector<1x16xi32>
    tpu.vector_store %arg8[%swap3A_14, %swap3A_15], %swap3A_18 {strides = array<i32>} : memref<5x80xi32, #tpu.memory_space<vmem>>, vector<1x16xi32>,
    %get3A_19 = arith.constant 32 : index
    %get3A_20 = tpu.vector_load %arg6[%get3A_19] {strides = array<i32>} : memref<400xi32, #tpu.memory_space<vmem>>, vector<16xi32>,
    %get3A_21 = vector.shape_cast %get3A_20 : vector<16xi32> to vector<16xi32>
    %swap3A_22 = arith.constant 0 : i32
    %swap3A_23 = arith.index_cast %swap3A_22 : i32 to index
    %swap3A_24 = arith.constant 32 : index
    %swap3A_25 = tpu.vector_load %arg8[%swap3A_23, %swap3A_24] {strides = array<i32>} : memref<5x80xi32, #tpu.memory_space<vmem>>, vector<1x16xi32>,
    %swap3A_26 = vector.shape_cast %swap3A_25 : vector<1x16xi32> to vector<16xi32>
    %swap3A_27 = vector.shape_cast %get3A_21 : vector<16xi32> to vector<1x16xi32>
    tpu.vector_store %arg8[%swap3A_23, %swap3A_24], %swap3A_27 {strides = array<i32>} : memref<5x80xi32, #tpu.memory_space<vmem>>, vector<1x16xi32>,
    %get3A_28 = arith.constant 48 : index
    %get3A_29 = tpu.vector_load %arg6[%get3A_28] {strides = array<i32>} : memref<400xi32, #tpu.memory_space<vmem>>, vector<16xi32>,
    %get3A_30 = vector.shape_cast %get3A_29 : vector<16xi32> to vector<16xi32>
    %swap3A_31 = arith.constant 0 : i32
    %swap3A_32 = arith.index_cast %swap3A_31 : i32 to index
    %swap3A_33 = arith.constant 48 : index
    %swap3A_34 = tpu.vector_load %arg8[%swap3A_32, %swap3A_33] {strides = array<i32>} : memref<5x80xi32, #tpu.memory_space<vmem>>, vector<1x16xi32>,
    %swap3A_35 = vector.shape_cast %swap3A_34 : vector<1x16xi32> to vector<16xi32>
    %swap3A_36 = vector.shape_cast %get3A_30 : vector<16xi32> to vector<1x16xi32>
    tpu.vector_store %arg8[%swap3A_32, %swap3A_33], %swap3A_36 {strides = array<i32>} : memref<5x80xi32, #tpu.memory_space<vmem>>, vector<1x16xi32>,
    %get3A_37 = arith.constant 64 : index
    %get3A_38 = tpu.vector_load %arg6[%get3A_37] {strides = array<i32>} : memref<400xi32, #tpu.memory_space<vmem>>, vector<16xi32>,
    %get3A_39 = vector.shape_cast %get3A_38 : vector<16xi32> to vector<16xi32>
    %swap3A_40 = arith.constant 0 : i32
    %swap3A_41 = arith.index_cast %swap3A_40 : i32 to index
    %swap3A_42 = arith.constant 64 : index
    %swap3A_43 = tpu.vector_load %arg8[%swap3A_41, %swap3A_42] {strides = array<i32>} : memref<5x80xi32, #tpu.memory_space<vmem>>, vector<1x16xi32>,
    %swap3A_44 = vector.shape_cast %swap3A_43 : vector<1x16xi32> to vector<16xi32>
    %swap3A_45 = vector.shape_cast %get3A_39 : vector<16xi32> to vector<1x16xi32>
    tpu.vector_store %arg8[%swap3A_41, %swap3A_42], %swap3A_45 {strides = array<i32>} : memref<5x80xi32, #tpu.memory_space<vmem>>, vector<1x16xi32>,
    %get3A_46 = arith.constant 80 : index
    %get3A_47 = tpu.vector_load %arg6[%get3A_46] {strides = array<i32>} : memref<400xi32, #tpu.memory_space<vmem>>, vector<16xi32>,
    %get3A_48 = vector.shape_cast %get3A_47 : vector<16xi32> to vector<16xi32>
    %swap3A_49 = arith.constant 1 : i32
    %swap3A_50 = arith.index_cast %swap3A_49 : i32 to index
    %swap3A_51 = arith.constant 0 : index
    %swap3A_52 = tpu.vector_load %arg8[%swap3A_50, %swap3A_51] {strides = array<i32>} : memref<5x80xi32, #tpu.memory_space<vmem>>, vector<1x16xi32>,
    %swap3A_53 = vector.shape_cast %swap3A_52 : vector<1x16xi32> to vector<16xi32>
    %swap3A_54 = vector.shape_cast %get3A_48 : vector<16xi32> to vector<1x16xi32>
    tpu.vector_store %arg8[%swap3A_50, %swap3A_51], %swap3A_54 {strides = array<i32>} : memref<5x80xi32, #tpu.memory_space<vmem>>, vector<1x16xi32>,
    %get3A_55 = arith.constant 96 : index
    %get3A_56 = tpu.vector_load %arg6[%get3A_55] {strides = array<i32>} : memref<400xi32, #tpu.memory_space<vmem>>, vector<16xi32>,
    %get3A_57 = vector.shape_cast %get3A_56 : vector<16xi32> to vector<16xi32>
    %swap3A_58 = arith.constant 1 : i32
    %swap3A_59 = arith.index_cast %swap3A_58 : i32 to index
    %swap3A_60 = arith.constant 16 : index
    %swap3A_61 = tpu.vector_load %arg8[%swap3A_59, %swap3A_60] {strides = array<i32>} : memref<5x80xi32, #tpu.memory_space<vmem>>, vector<1x16xi32>,
    %swap3A_62 = vector.shape_cast %swap3A_61 : vector<1x16xi32> to vector<16xi32>
    %swap3A_63 = vector.shape_cast %get3A_57 : vector<16xi32> to vector<1x16xi32>
    tpu.vector_store %arg8[%swap3A_59, %swap3A_60], %swap3A_63 {strides = array<i32>} : memref<5x80xi32, #tpu.memory_space<vmem>>, vector<1x16xi32>,
    %get3A_64 = arith.constant 112 : index
    %get3A_65 = tpu.vector_load %arg6[%get3A_64] {strides = array<i32>} : memref<400xi32, #tpu.memory_space<vmem>>, vector<16xi32>,
    %get3A_66 = vector.shape_cast %get3A_65 : vector<16xi32> to vector<16xi32>
    %swap3A_67 = arith.constant 1 : i32
    %swap3A_68 = arith.index_cast %swap3A_67 : i32 to index
    %swap3A_69 = arith.constant 32 : index
    %swap3A_70 = tpu.vector_load %arg8[%swap3A_68, %swap3A_69] {strides = array<i32>} : memref<5x80xi32, #tpu.memory_space<vmem>>, vector<1x16xi32>,
    %swap3A_71 = vector.shape_cast %swap3A_70 : vector<1x16xi32> to vector<16xi32>
    %swap3A_72 = vector.shape_cast %get3A_66 : vector<16xi32> to vector<1x16xi32>
    tpu.vector_store %arg8[%swap3A_68, %swap3A_69], %swap3A_72 {strides = array<i32>} : memref<5x80xi32, #tpu.memory_space<vmem>>, vector<1x16xi32>,
    %get3A_73 = arith.constant 128 : index
    %get3A_74 = tpu.vector_load %arg6[%get3A_73] {strides = array<i32>} : memref<400xi32, #tpu.memory_space<vmem>>, vector<16xi32>,
    %get3A_75 = vector.shape_cast %get3A_74 : vector<16xi32> to vector<16xi32>
    %swap3A_76 = arith.constant 1 : i32
    %swap3A_77 = arith.index_cast %swap3A_76 : i32 to index
    %swap3A_78 = arith.constant 48 : index
    %swap3A_79 = tpu.vector_load %arg8[%swap3A_77, %swap3A_78] {strides = array<i32>} : memref<5x80xi32, #tpu.memory_space<vmem>>, vector<1x16xi32>,
    %swap3A_80 = vector.shape_cast %swap3A_79 : vector<1x16xi32> to vector<16xi32>
    %swap3A_81 = vector.shape_cast %get3A_75 : vector<16xi32> to vector<1x16xi32>
    tpu.vector_store %arg8[%swap3A_77, %swap3A_78], %swap3A_81 {strides = array<i32>} : memref<5x80xi32, #tpu.memory_space<vmem>>, vector<1x16xi32>,
    %get3A_82 = arith.constant 144 : index
    %get3A_83 = tpu.vector_load %arg6[%get3A_82] {strides = array<i32>} : memref<400xi32, #tpu.memory_space<vmem>>, vector<16xi32>,
    %get3A_84 = vector.shape_cast %get3A_83 : vector<16xi32> to vector<16xi32>
    %swap3A_85 = arith.constant 1 : i32
    %swap3A_86 = arith.index_cast %swap3A_85 : i32 to index
    %swap3A_87 = arith.constant 64 : index
    %swap3A_88 = tpu.vector_load %arg8[%swap3A_86, %swap3A_87] {strides = array<i32>} : memref<5x80xi32, #tpu.memory_space<vmem>>, vector<1x16xi32>,
    %swap3A_89 = vector.shape_cast %swap3A_88 : vector<1x16xi32> to vector<16xi32>
    %swap3A_90 = vector.shape_cast %get3A_84 : vector<16xi32> to vector<1x16xi32>
    tpu.vector_store %arg8[%swap3A_86, %swap3A_87], %swap3A_90 {strides = array<i32>} : memref<5x80xi32, #tpu.memory_space<vmem>>, vector<1x16xi32>,
    %get3A_91 = arith.constant 160 : index
    %get3A_92 = tpu.vector_load %arg6[%get3A_91] {strides = array<i32>} : memref<400xi32, #tpu.memory_space<vmem>>, vector<16xi32>,
    %get3A_93 = vector.shape_cast %get3A_92 : vector<16xi32> to vector<16xi32>
    %swap3A_94 = arith.constant 2 : i32
    %swap3A_95 = arith.index_cast %swap3A_94 : i32 to index
    %swap3A_96 = arith.constant 0 : index
    %swap3A_97 = tpu.vector_load %arg8[%swap3A_95, %swap3A_96] {strides = array<i32>} : memref<5x80xi32, #tpu.memory_space<vmem>>, vector<1x16xi32>,
    %swap3A_98 = vector.shape_cast %swap3A_97 : vector<1x16xi32> to vector<16xi32>
    %swap3A_99 = vector.shape_cast %get3A_93 : vector<16xi32> to vector<1x16xi32>
    tpu.vector_store %arg8[%swap3A_95, %swap3A_96], %swap3A_99 {strides = array<i32>} : memref<5x80xi32, #tpu.memory_space<vmem>>, vector<1x16xi32>,
    %get3A_100 = arith.constant 176 : index
    %get3A_101 = tpu.vector_load %arg6[%get3A_100] {strides = array<i32>} : memref<400xi32, #tpu.memory_space<vmem>>, vector<16xi32>,
    %get3A_102 = vector.shape_cast %get3A_101 : vector<16xi32> to vector<16xi32>
    %swap3A_103 = arith.constant 2 : i32
    %swap3A_104 = arith.index_cast %swap3A_103 : i32 to index
    %swap3A_105 = arith.constant 16 : index
    %swap3A_106 = tpu.vector_load %arg8[%swap3A_104, %swap3A_105] {strides = array<i32>} : memref<5x80xi32, #tpu.memory_space<vmem>>, vector<1x16xi32>,
    %swap3A_107 = vector.shape_cast %swap3A_106 : vector<1x16xi32> to vector<16xi32>
    %swap3A_108 = vector.shape_cast %get3A_102 : vector<16xi32> to vector<1x16xi32>
    tpu.vector_store %arg8[%swap3A_104, %swap3A_105], %swap3A_108 {strides = array<i32>} : memref<5x80xi32, #tpu.memory_space<vmem>>, vector<1x16xi32>,
    %get3A_109 = arith.constant 192 : index
    %get3A_110 = tpu.vector_load %arg6[%get3A_109] {strides = array<i32>} : memref<400xi32, #tpu.memory_space<vmem>>, vector<16xi32>,
    %get3A_111 = vector.shape_cast %get3A_110 : vector<16xi32> to vector<16xi32>
    %swap3A_112 = arith.constant 2 : i32
    %swap3A_113 = arith.index_cast %swap3A_112 : i32 to index
    %swap3A_114 = arith.constant 32 : index
    %swap3A_115 = tpu.vector_load %arg8[%swap3A_113, %swap3A_114] {strides = array<i32>} : memref<5x80xi32, #tpu.memory_space<vmem>>, vector<1x16xi32>,
    %swap3A_116 = vector.shape_cast %swap3A_115 : vector<1x16xi32> to vector<16xi32>
    %swap3A_117 = vector.shape_cast %get3A_111 : vector<16xi32> to vector<1x16xi32>
    tpu.vector_store %arg8[%swap3A_113, %swap3A_114], %swap3A_117 {strides = array<i32>} : memref<5x80xi32, #tpu.memory_space<vmem>>, vector<1x16xi32>,
    %get3A_118 = arith.constant 208 : index
    %get3A_119 = tpu.vector_load %arg6[%get3A_118] {strides = array<i32>} : memref<400xi32, #tpu.memory_space<vmem>>, vector<16xi32>,
    %get3A_120 = vector.shape_cast %get3A_119 : vector<16xi32> to vector<16xi32>
    %swap3A_121 = arith.constant 2 : i32
    %swap3A_122 = arith.index_cast %swap3A_121 : i32 to index
    %swap3A_123 = arith.constant 48 : index
    %swap3A_124 = tpu.vector_load %arg8[%swap3A_122, %swap3A_123] {strides = array<i32>} : memref<5x80xi32, #tpu.memory_space<vmem>>, vector<1x16xi32>,
    %swap3A_125 = vector.shape_cast %swap3A_124 : vector<1x16xi32> to vector<16xi32>
    %swap3A_126 = vector.shape_cast %get3A_120 : vector<16xi32> to vector<1x16xi32>
    tpu.vector_store %arg8[%swap3A_122, %swap3A_123], %swap3A_126 {strides = array<i32>} : memref<5x80xi32, #tpu.memory_space<vmem>>, vector<1x16xi32>,
    %get3A_127 = arith.constant 224 : index
    %get3A_128 = tpu.vector_load %arg6[%get3A_127] {strides = array<i32>} : memref<400xi32, #tpu.memory_space<vmem>>, vector<16xi32>,
    %get3A_129 = vector.shape_cast %get3A_128 : vector<16xi32> to vector<16xi32>
    %swap3A_130 = arith.constant 2 : i32
    %swap3A_131 = arith.index_cast %swap3A_130 : i32 to index
    %swap3A_132 = arith.constant 64 : index
    %swap3A_133 = tpu.vector_load %arg8[%swap3A_131, %swap3A_132] {strides = array<i32>} : memref<5x80xi32, #tpu.memory_space<vmem>>, vector<1x16xi32>,
    %swap3A_134 = vector.shape_cast %swap3A_133 : vector<1x16xi32> to vector<16xi32>
    %swap3A_135 = vector.shape_cast %get3A_129 : vector<16xi32> to vector<1x16xi32>
    tpu.vector_store %arg8[%swap3A_131, %swap3A_132], %swap3A_135 {strides = array<i32>} : memref<5x80xi32, #tpu.memory_space<vmem>>, vector<1x16xi32>,
    %get3A_136 = arith.constant 240 : index
    %get3A_137 = tpu.vector_load %arg6[%get3A_136] {strides = array<i32>} : memref<400xi32, #tpu.memory_space<vmem>>, vector<16xi32>,
    %get3A_138 = vector.shape_cast %get3A_137 : vector<16xi32> to vector<16xi32>
    %swap3A_139 = arith.constant 3 : i32
    %swap3A_140 = arith.index_cast %swap3A_139 : i32 to index
    %swap3A_141 = arith.constant 0 : index
    %swap3A_142 = tpu.vector_load %arg8[%swap3A_140, %swap3A_141] {strides = array<i32>} : memref<5x80xi32, #tpu.memory_space<vmem>>, vector<1x16xi32>,
    %swap3A_143 = vector.shape_cast %swap3A_142 : vector<1x16xi32> to vector<16xi32>
    %swap3A_144 = vector.shape_cast %get3A_138 : vector<16xi32> to vector<1x16xi32>
    tpu.vector_store %arg8[%swap3A_140, %swap3A_141], %swap3A_144 {strides = array<i32>} : memref<5x80xi32, #tpu.memory_space<vmem>>, vector<1x16xi32>,
    %get3A_145 = arith.constant 256 : index
    %get3A_146 = tpu.vector_load %arg6[%get3A_145] {strides = array<i32>} : memref<400xi32, #tpu.memory_space<vmem>>, vector<16xi32>,
    %get3A_147 = vector.shape_cast %get3A_146 : vector<16xi32> to vector<16xi32>
    %swap3A_148 = arith.constant 3 : i32
    %swap3A_149 = arith.index_cast %swap3A_148 : i32 to index
    %swap3A_150 = arith.constant 16 : index
    %swap3A_151 = tpu.vector_load %arg8[%swap3A_149, %swap3A_150] {strides = array<i32>} : memref<5x80xi32, #tpu.memory_space<vmem>>, vector<1x16xi32>,
    %swap3A_152 = vector.shape_cast %swap3A_151 : vector<1x16xi32> to vector<16xi32>
    %swap3A_153 = vector.shape_cast %get3A_147 : vector<16xi32> to vector<1x16xi32>
    tpu.vector_store %arg8[%swap3A_149, %swap3A_150], %swap3A_153 {strides = array<i32>} : memref<5x80xi32, #tpu.memory_space<vmem>>, vector<1x16xi32>,
    %get3A_154 = arith.constant 272 : index
    %get3A_155 = tpu.vector_load %arg6[%get3A_154] {strides = array<i32>} : memref<400xi32, #tpu.memory_space<vmem>>, vector<16xi32>,
    %get3A_156 = vector.shape_cast %get3A_155 : vector<16xi32> to vector<16xi32>
    %swap3A_157 = arith.constant 3 : i32
    %swap3A_158 = arith.index_cast %swap3A_157 : i32 to index
    %swap3A_159 = arith.constant 32 : index
    %swap3A_160 = tpu.vector_load %arg8[%swap3A_158, %swap3A_159] {strides = array<i32>} : memref<5x80xi32, #tpu.memory_space<vmem>>, vector<1x16xi32>,
    %swap3A_161 = vector.shape_cast %swap3A_160 : vector<1x16xi32> to vector<16xi32>
    %swap3A_162 = vector.shape_cast %get3A_156 : vector<16xi32> to vector<1x16xi32>
    tpu.vector_store %arg8[%swap3A_158, %swap3A_159], %swap3A_162 {strides = array<i32>} : memref<5x80xi32, #tpu.memory_space<vmem>>, vector<1x16xi32>,
    %get3A_163 = arith.constant 288 : index
    %get3A_164 = tpu.vector_load %arg6[%get3A_163] {strides = array<i32>} : memref<400xi32, #tpu.memory_space<vmem>>, vector<16xi32>,
    %get3A_165 = vector.shape_cast %get3A_164 : vector<16xi32> to vector<16xi32>
    %swap3A_166 = arith.constant 3 : i32
    %swap3A_167 = arith.index_cast %swap3A_166 : i32 to index
    %swap3A_168 = arith.constant 48 : index
    %swap3A_169 = tpu.vector_load %arg8[%swap3A_167, %swap3A_168] {strides = array<i32>} : memref<5x80xi32, #tpu.memory_space<vmem>>, vector<1x16xi32>,
    %swap3A_170 = vector.shape_cast %swap3A_169 : vector<1x16xi32> to vector<16xi32>
    %swap3A_171 = vector.shape_cast %get3A_165 : vector<16xi32> to vector<1x16xi32>
    tpu.vector_store %arg8[%swap3A_167, %swap3A_168], %swap3A_171 {strides = array<i32>} : memref<5x80xi32, #tpu.memory_space<vmem>>, vector<1x16xi32>,
    %get3A_172 = arith.constant 304 : index
    %get3A_173 = tpu.vector_load %arg6[%get3A_172] {strides = array<i32>} : memref<400xi32, #tpu.memory_space<vmem>>, vector<16xi32>,
    %get3A_174 = vector.shape_cast %get3A_173 : vector<16xi32> to vector<16xi32>
    %swap3A_175 = arith.constant 3 : i32
    %swap3A_176 = arith.index_cast %swap3A_175 : i32 to index
    %swap3A_177 = arith.constant 64 : index
    %swap3A_178 = tpu.vector_load %arg8[%swap3A_176, %swap3A_177] {strides = array<i32>} : memref<5x80xi32, #tpu.memory_space<vmem>>, vector<1x16xi32>,
    %swap3A_179 = vector.shape_cast %swap3A_178 : vector<1x16xi32> to vector<16xi32>
    %swap3A_180 = vector.shape_cast %get3A_174 : vector<16xi32> to vector<1x16xi32>
    tpu.vector_store %arg8[%swap3A_176, %swap3A_177], %swap3A_180 {strides = array<i32>} : memref<5x80xi32, #tpu.memory_space<vmem>>, vector<1x16xi32>,
    %get3A_181 = arith.constant 320 : index
    %get3A_182 = tpu.vector_load %arg6[%get3A_181] {strides = array<i32>} : memref<400xi32, #tpu.memory_space<vmem>>, vector<16xi32>,
    %get3A_183 = vector.shape_cast %get3A_182 : vector<16xi32> to vector<16xi32>
    %swap3A_184 = arith.constant 4 : i32
    %swap3A_185 = arith.index_cast %swap3A_184 : i32 to index
    %swap3A_186 = arith.constant 0 : index
    %swap3A_187 = tpu.vector_load %arg8[%swap3A_185, %swap3A_186] {strides = array<i32>} : memref<5x80xi32, #tpu.memory_space<vmem>>, vector<1x16xi32>,
    %swap3A_188 = vector.shape_cast %swap3A_187 : vector<1x16xi32> to vector<16xi32>
    %swap3A_189 = vector.shape_cast %get3A_183 : vector<16xi32> to vector<1x16xi32>
    tpu.vector_store %arg8[%swap3A_185, %swap3A_186], %swap3A_189 {strides = array<i32>} : memref<5x80xi32, #tpu.memory_space<vmem>>, vector<1x16xi32>,
    %get3A_190 = arith.constant 336 : index
    %get3A_191 = tpu.vector_load %arg6[%get3A_190] {strides = array<i32>} : memref<400xi32, #tpu.memory_space<vmem>>, vector<16xi32>,
    %get3A_192 = vector.shape_cast %get3A_191 : vector<16xi32> to vector<16xi32>
    %swap3A_193 = arith.constant 4 : i32
    %swap3A_194 = arith.index_cast %swap3A_193 : i32 to index
    %swap3A_195 = arith.constant 16 : index
    %swap3A_196 = tpu.vector_load %arg8[%swap3A_194, %swap3A_195] {strides = array<i32>} : memref<5x80xi32, #tpu.memory_space<vmem>>, vector<1x16xi32>,
    %swap3A_197 = vector.shape_cast %swap3A_196 : vector<1x16xi32> to vector<16xi32>
    %swap3A_198 = vector.shape_cast %get3A_192 : vector<16xi32> to vector<1x16xi32>
    tpu.vector_store %arg8[%swap3A_194, %swap3A_195], %swap3A_198 {strides = array<i32>} : memref<5x80xi32, #tpu.memory_space<vmem>>, vector<1x16xi32>,
    %get3A_199 = arith.constant 352 : index
    %get3A_200 = tpu.vector_load %arg6[%get3A_199] {strides = array<i32>} : memref<400xi32, #tpu.memory_space<vmem>>, vector<16xi32>,
    %get3A_201 = vector.shape_cast %get3A_200 : vector<16xi32> to vector<16xi32>
    %swap3A_202 = arith.constant 4 : i32
    %swap3A_203 = arith.index_cast %swap3A_202 : i32 to index
    %swap3A_204 = arith.constant 32 : index
    %swap3A_205 = tpu.vector_load %arg8[%swap3A_203, %swap3A_204] {strides = array<i32>} : memref<5x80xi32, #tpu.memory_space<vmem>>, vector<1x16xi32>,
    %swap3A_206 = vector.shape_cast %swap3A_205 : vector<1x16xi32> to vector<16xi32>
    %swap3A_207 = vector.shape_cast %get3A_201 : vector<16xi32> to vector<1x16xi32>
    tpu.vector_store %arg8[%swap3A_203, %swap3A_204], %swap3A_207 {strides = array<i32>} : memref<5x80xi32, #tpu.memory_space<vmem>>, vector<1x16xi32>,
    %get3A_208 = arith.constant 368 : index
    %get3A_209 = tpu.vector_load %arg6[%get3A_208] {strides = array<i32>} : memref<400xi32, #tpu.memory_space<vmem>>, vector<16xi32>,
    %get3A_210 = vector.shape_cast %get3A_209 : vector<16xi32> to vector<16xi32>
    %swap3A_211 = arith.constant 4 : i32
    %swap3A_212 = arith.index_cast %swap3A_211 : i32 to index
    %swap3A_213 = arith.constant 48 : index
    %swap3A_214 = tpu.vector_load %arg8[%swap3A_212, %swap3A_213] {strides = array<i32>} : memref<5x80xi32, #tpu.memory_space<vmem>>, vector<1x16xi32>,
    %swap3A_215 = vector.shape_cast %swap3A_214 : vector<1x16xi32> to vector<16xi32>
    %swap3A_216 = vector.shape_cast %get3A_210 : vector<16xi32> to vector<1x16xi32>
    tpu.vector_store %arg8[%swap3A_212, %swap3A_213], %swap3A_216 {strides = array<i32>} : memref<5x80xi32, #tpu.memory_space<vmem>>, vector<1x16xi32>,
    %get3A_217 = arith.constant 384 : index
    %get3A_218 = tpu.vector_load %arg6[%get3A_217] {strides = array<i32>} : memref<400xi32, #tpu.memory_space<vmem>>, vector<16xi32>,
    %get3A_219 = vector.shape_cast %get3A_218 : vector<16xi32> to vector<16xi32>
    %swap3A_220 = arith.constant 4 : i32
    %swap3A_221 = arith.index_cast %swap3A_220 : i32 to index
    %swap3A_222 = arith.constant 64 : index
    %swap3A_223 = tpu.vector_load %arg8[%swap3A_221, %swap3A_222] {strides = array<i32>} : memref<5x80xi32, #tpu.memory_space<vmem>>, vector<1x16xi32>,
    %swap3A_224 = vector.shape_cast %swap3A_223 : vector<1x16xi32> to vector<16xi32>
    %swap3A_225 = vector.shape_cast %get3A_219 : vector<16xi32> to vector<1x16xi32>
    tpu.vector_store %arg8[%swap3A_221, %swap3A_222], %swap3A_225 {strides = array<i32>} : memref<5x80xi32, #tpu.memory_space<vmem>>, vector<1x16xi32>,
    %dma_start3A = arith.constant 0 : i32
    %dma_start3A_226 = arith.constant 0 : i32
    %dma_start3A_227 = arith.constant 0 : i32
    %dma_start3A_228 = tpu.memref_slice %arg10[%dma_start3A_226, %dma_start3A_227] : memref<400x128xf32, #tpu.memory_space<vmem>> -> memref<80x128xf32, #tpu.memory_space<vmem>>
    %dma_start3A_229 = arith.constant 0 : i32
    %dma_start3A_230 = tpu.memref_slice %arg8[%dma_start3A, %dma_start3A_229] : memref<5x80xi32, #tpu.memory_space<vmem>> -> memref<1x80xi32, #tpu.memory_space<vmem>>
    %dma_start3A_231 = tpu.memref_squeeze %dma_start3A_230 : memref<1x80xi32, #tpu.memory_space<vmem>> -> memref<80xi32, #tpu.memory_space<vmem>>
    %dma_start3A_232 = arith.constant 0 : i32
    %dma_start3A_233 = arith.constant 0 : i32
    %dma_start3A_234 = tpu.memref_slice %arg3[%dma_start3A_232, %dma_start3A_233] : memref<1000000x128xf32, #tpu.memory_space<hbm>> -> memref<1000000x128xf32, #tpu.memory_space<hbm>>
    tpu.enqueue_indirect_dma source(%dma_start3A_234 : memref<1000000x128xf32, #tpu.memory_space<hbm>>) target(%dma_start3A_228 : memref<80x128xf32, #tpu.memory_space<vmem>>) offsets(%dma_start3A_231 : memref<80xi32, #tpu.memory_space<vmem>>) semaphore(%arg15 : memref<!tpu.dma_semaphore, #tpu.memory_space<semaphore_mem>>)
    %dma_start3A_235 = arith.constant 1 : i32
    %dma_start3A_236 = arith.constant 80 : i32
    %dma_start3A_237 = arith.constant 0 : i32
    %dma_start3A_238 = tpu.memref_slice %arg10[%dma_start3A_236, %dma_start3A_237] : memref<400x128xf32, #tpu.memory_space<vmem>> -> memref<80x128xf32, #tpu.memory_space<vmem>>
    %dma_start3A_239 = arith.constant 0 : i32
    %dma_start3A_240 = tpu.memref_slice %arg8[%dma_start3A_235, %dma_start3A_239] : memref<5x80xi32, #tpu.memory_space<vmem>> -> memref<1x80xi32, #tpu.memory_space<vmem>>
    %dma_start3A_241 = tpu.memref_squeeze %dma_start3A_240 : memref<1x80xi32, #tpu.memory_space<vmem>> -> memref<80xi32, #tpu.memory_space<vmem>>
    %dma_start3A_242 = arith.constant 0 : i32
    %dma_start3A_243 = arith.constant 0 : i32
    %dma_start3A_244 = tpu.memref_slice %arg3[%dma_start3A_242, %dma_start3A_243] : memref<1000000x128xf32, #tpu.memory_space<hbm>> -> memref<1000000x128xf32, #tpu.memory_space<hbm>>
    tpu.enqueue_indirect_dma source(%dma_start3A_244 : memref<1000000x128xf32, #tpu.memory_space<hbm>>) target(%dma_start3A_238 : memref<80x128xf32, #tpu.memory_space<vmem>>) offsets(%dma_start3A_241 : memref<80xi32, #tpu.memory_space<vmem>>) semaphore(%arg16 : memref<!tpu.dma_semaphore, #tpu.memory_space<semaphore_mem>>)
    %dma_start3A_245 = arith.constant 2 : i32
    %dma_start3A_246 = arith.constant 160 : i32
    %dma_start3A_247 = arith.constant 0 : i32
    %dma_start3A_248 = tpu.memref_slice %arg10[%dma_start3A_246, %dma_start3A_247] : memref<400x128xf32, #tpu.memory_space<vmem>> -> memref<80x128xf32, #tpu.memory_space<vmem>>
    %dma_start3A_249 = arith.constant 0 : i32
    %dma_start3A_250 = tpu.memref_slice %arg8[%dma_start3A_245, %dma_start3A_249] : memref<5x80xi32, #tpu.memory_space<vmem>> -> memref<1x80xi32, #tpu.memory_space<vmem>>
    %dma_start3A_251 = tpu.memref_squeeze %dma_start3A_250 : memref<1x80xi32, #tpu.memory_space<vmem>> -> memref<80xi32, #tpu.memory_space<vmem>>
    %dma_start3A_252 = arith.constant 0 : i32
    %dma_start3A_253 = arith.constant 0 : i32
    %dma_start3A_254 = tpu.memref_slice %arg3[%dma_start3A_252, %dma_start3A_253] : memref<1000000x128xf32, #tpu.memory_space<hbm>> -> memref<1000000x128xf32, #tpu.memory_space<hbm>>
    tpu.enqueue_indirect_dma source(%dma_start3A_254 : memref<1000000x128xf32, #tpu.memory_space<hbm>>) target(%dma_start3A_248 : memref<80x128xf32, #tpu.memory_space<vmem>>) offsets(%dma_start3A_251 : memref<80xi32, #tpu.memory_space<vmem>>) semaphore(%arg17 : memref<!tpu.dma_semaphore, #tpu.memory_space<semaphore_mem>>)
    %dma_start3A_255 = arith.constant 3 : i32
    %dma_start3A_256 = arith.constant 240 : i32
    %dma_start3A_257 = arith.constant 0 : i32
    %dma_start3A_258 = tpu.memref_slice %arg10[%dma_start3A_256, %dma_start3A_257] : memref<400x128xf32, #tpu.memory_space<vmem>> -> memref<80x128xf32, #tpu.memory_space<vmem>>
    %dma_start3A_259 = arith.constant 0 : i32
    %dma_start3A_260 = tpu.memref_slice %arg8[%dma_start3A_255, %dma_start3A_259] : memref<5x80xi32, #tpu.memory_space<vmem>> -> memref<1x80xi32, #tpu.memory_space<vmem>>
    %dma_start3A_261 = tpu.memref_squeeze %dma_start3A_260 : memref<1x80xi32, #tpu.memory_space<vmem>> -> memref<80xi32, #tpu.memory_space<vmem>>
    %dma_start3A_262 = arith.constant 0 : i32
    %dma_start3A_263 = arith.constant 0 : i32
    %dma_start3A_264 = tpu.memref_slice %arg3[%dma_start3A_262, %dma_start3A_263] : memref<1000000x128xf32, #tpu.memory_space<hbm>> -> memref<1000000x128xf32, #tpu.memory_space<hbm>>
    tpu.enqueue_indirect_dma source(%dma_start3A_264 : memref<1000000x128xf32, #tpu.memory_space<hbm>>) target(%dma_start3A_258 : memref<80x128xf32, #tpu.memory_space<vmem>>) offsets(%dma_start3A_261 : memref<80xi32, #tpu.memory_space<vmem>>) semaphore(%arg18 : memref<!tpu.dma_semaphore, #tpu.memory_space<semaphore_mem>>)
    %dma_start3A_265 = arith.constant 4 : i32
    %dma_start3A_266 = arith.constant 320 : i32
    %dma_start3A_267 = arith.constant 0 : i32
    %dma_start3A_268 = tpu.memref_slice %arg10[%dma_start3A_266, %dma_start3A_267] : memref<400x128xf32, #tpu.memory_space<vmem>> -> memref<80x128xf32, #tpu.memory_space<vmem>>
    %dma_start3A_269 = arith.constant 0 : i32
    %dma_start3A_270 = tpu.memref_slice %arg8[%dma_start3A_265, %dma_start3A_269] : memref<5x80xi32, #tpu.memory_space<vmem>> -> memref<1x80xi32, #tpu.memory_space<vmem>>
    %dma_start3A_271 = tpu.memref_squeeze %dma_start3A_270 : memref<1x80xi32, #tpu.memory_space<vmem>> -> memref<80xi32, #tpu.memory_space<vmem>>
    %dma_start3A_272 = arith.constant 0 : i32
    %dma_start3A_273 = arith.constant 0 : i32
    %dma_start3A_274 = tpu.memref_slice %arg3[%dma_start3A_272, %dma_start3A_273] : memref<1000000x128xf32, #tpu.memory_space<hbm>> -> memref<1000000x128xf32, #tpu.memory_space<hbm>>
    tpu.enqueue_indirect_dma source(%dma_start3A_274 : memref<1000000x128xf32, #tpu.memory_space<hbm>>) target(%dma_start3A_268 : memref<80x128xf32, #tpu.memory_space<vmem>>) offsets(%dma_start3A_271 : memref<80xi32, #tpu.memory_space<vmem>>) semaphore(%arg19 : memref<!tpu.dma_semaphore, #tpu.memory_space<semaphore_mem>>)
    %add3A_275 = arith.constant 400 : i32
    %add3A_276 = arith.addi %mul3A_2, %add3A_275 : i32
    %dma_start3A_277 = tpu.memref_slice %arg2[%add3A_276] : memref<819200xi32, #tpu.memory_space<hbm>> -> memref<400xi32, #tpu.memory_space<hbm>>
    %dma_start3A_278 = tpu.memref_slice %arg2[%add3A_276] : memref<819200xi32, #tpu.memory_space<hbm>> -> memref<400xi32, #tpu.memory_space<hbm>>
    tpu.enqueue_dma source(%dma_start3A_278 : memref<400xi32, #tpu.memory_space<hbm>>) target(%arg7 : memref<400xi32, #tpu.memory_space<vmem>>) target_semaphore(%arg14 : memref<!tpu.dma_semaphore, #tpu.memory_space<semaphore_mem>>)
    %scan3A = arith.constant 0 : i32
    %scan3A_279 = arith.constant 0 : i32
    %scan3A_280 = arith.constant 32 : i32
    %scan3A_281 = arith.addi %scan3A_279, %scan3A_280 : i32
    %scan3A_282 = arith.constant 1 : i32
    scf.for %scan3A_284 = %scan3A_279 to %scan3A_281 step %scan3A_282  : i32 {
      %mul3A_285 = arith.constant 2 : i32
      %mul3A_286 = arith.muli %mul3A_285, %scan3A_284 : i32
      %add3A_287 = arith.constant 0 : i32
      %add3A_288 = arith.addi %mul3A_286, %add3A_287 : i32
      %mul3A_289 = arith.constant 400 : i32
      %mul3A_290 = arith.muli %add3A_288, %mul3A_289 : i32
      %add3A_291 = arith.addi %mul3A_2, %mul3A_290 : i32
      %add3A_292 = arith.constant 1 : i32
      %add3A_293 = arith.addi %add3A_288, %add3A_292 : i32
      %lt3A = arith.constant 64 : i32
      %lt3A_294 = arith.cmpi slt, %add3A_293, %lt3A : i32
      %convert_element_type3A = arith.extui %lt3A_294 : i1 to i32
      %cond3A = arith.constant 0 : i32
      %cond3A_295 = arith.cmpi ne, %convert_element_type3A, %cond3A : i32
      scf.if %cond3A_295 {
        %dma_wait3A_585 = tpu.memref_slice %arg2[%mul3A_2] : memref<819200xi32, #tpu.memory_space<hbm>> -> memref<400xi32, #tpu.memory_space<hbm>>
        %dma_wait3A_586 = tpu.memref_slice %arg2[%mul3A_2] : memref<819200xi32, #tpu.memory_space<hbm>> -> memref<400xi32, #tpu.memory_space<hbm>>
        tpu.wait_dma2 semaphore(%arg14 : memref<!tpu.dma_semaphore, #tpu.memory_space<semaphore_mem>>) src(%dma_wait3A_586 : memref<400xi32, #tpu.memory_space<hbm>>) dst(%arg7 : memref<400xi32, #tpu.memory_space<vmem>>)
        %get3A_587 = arith.constant 0 : index
        %get3A_588 = tpu.vector_load %arg7[%get3A_587] {strides = array<i32>} : memref<400xi32, #tpu.memory_space<vmem>>, vector<16xi32>,
        %get3A_589 = vector.shape_cast %get3A_588 : vector<16xi32> to vector<16xi32>
        %swap3A_590 = arith.constant 0 : i32
        %swap3A_591 = arith.index_cast %swap3A_590 : i32 to index
        %swap3A_592 = arith.constant 0 : index
        %swap3A_593 = tpu.vector_load %arg9[%swap3A_591, %swap3A_592] {strides = array<i32>} : memref<5x80xi32, #tpu.memory_space<vmem>>, vector<1x16xi32>,
        %swap3A_594 = vector.shape_cast %swap3A_593 : vector<1x16xi32> to vector<16xi32>
        %swap3A_595 = vector.shape_cast %get3A_589 : vector<16xi32> to vector<1x16xi32>
        tpu.vector_store %arg9[%swap3A_591, %swap3A_592], %swap3A_595 {strides = array<i32>} : memref<5x80xi32, #tpu.memory_space<vmem>>, vector<1x16xi32>,
        %get3A_596 = arith.constant 16 : index
        %get3A_597 = tpu.vector_load %arg7[%get3A_596] {strides = array<i32>} : memref<400xi32, #tpu.memory_space<vmem>>, vector<16xi32>,
        %get3A_598 = vector.shape_cast %get3A_597 : vector<16xi32> to vector<16xi32>
        %swap3A_599 = arith.constant 0 : i32
        %swap3A_600 = arith.index_cast %swap3A_599 : i32 to index
        %swap3A_601 = arith.constant 16 : index
        %swap3A_602 = tpu.vector_load %arg9[%swap3A_600, %swap3A_601] {strides = array<i32>} : memref<5x80xi32, #tpu.memory_space<vmem>>, vector<1x16xi32>,
        %swap3A_603 = vector.shape_cast %swap3A_602 : vector<1x16xi32> to vector<16xi32>
        %swap3A_604 = vector.shape_cast %get3A_598 : vector<16xi32> to vector<1x16xi32>
        tpu.vector_store %arg9[%swap3A_600, %swap3A_601], %swap3A_604 {strides = array<i32>} : memref<5x80xi32, #tpu.memory_space<vmem>>, vector<1x16xi32>,
        %get3A_605 = arith.constant 32 : index
        %get3A_606 = tpu.vector_load %arg7[%get3A_605] {strides = array<i32>} : memref<400xi32, #tpu.memory_space<vmem>>, vector<16xi32>,
        %get3A_607 = vector.shape_cast %get3A_606 : vector<16xi32> to vector<16xi32>
        %swap3A_608 = arith.constant 0 : i32
        %swap3A_609 = arith.index_cast %swap3A_608 : i32 to index
        %swap3A_610 = arith.constant 32 : index
        %swap3A_611 = tpu.vector_load %arg9[%swap3A_609, %swap3A_610] {strides = array<i32>} : memref<5x80xi32, #tpu.memory_space<vmem>>, vector<1x16xi32>,
        %swap3A_612 = vector.shape_cast %swap3A_611 : vector<1x16xi32> to vector<16xi32>
        %swap3A_613 = vector.shape_cast %get3A_607 : vector<16xi32> to vector<1x16xi32>
        tpu.vector_store %arg9[%swap3A_609, %swap3A_610], %swap3A_613 {strides = array<i32>} : memref<5x80xi32, #tpu.memory_space<vmem>>, vector<1x16xi32>,
        %get3A_614 = arith.constant 48 : index
        %get3A_615 = tpu.vector_load %arg7[%get3A_614] {strides = array<i32>} : memref<400xi32, #tpu.memory_space<vmem>>, vector<16xi32>,
        %get3A_616 = vector.shape_cast %get3A_615 : vector<16xi32> to vector<16xi32>
        %swap3A_617 = arith.constant 0 : i32
        %swap3A_618 = arith.index_cast %swap3A_617 : i32 to index
        %swap3A_619 = arith.constant 48 : index
        %swap3A_620 = tpu.vector_load %arg9[%swap3A_618, %swap3A_619] {strides = array<i32>} : memref<5x80xi32, #tpu.memory_space<vmem>>, vector<1x16xi32>,
        %swap3A_621 = vector.shape_cast %swap3A_620 : vector<1x16xi32> to vector<16xi32>
        %swap3A_622 = vector.shape_cast %get3A_616 : vector<16xi32> to vector<1x16xi32>
        tpu.vector_store %arg9[%swap3A_618, %swap3A_619], %swap3A_622 {strides = array<i32>} : memref<5x80xi32, #tpu.memory_space<vmem>>, vector<1x16xi32>,
        %get3A_623 = arith.constant 64 : index
        %get3A_624 = tpu.vector_load %arg7[%get3A_623] {strides = array<i32>} : memref<400xi32, #tpu.memory_space<vmem>>, vector<16xi32>,
        %get3A_625 = vector.shape_cast %get3A_624 : vector<16xi32> to vector<16xi32>
        %swap3A_626 = arith.constant 0 : i32
        %swap3A_627 = arith.index_cast %swap3A_626 : i32 to index
        %swap3A_628 = arith.constant 64 : index
        %swap3A_629 = tpu.vector_load %arg9[%swap3A_627, %swap3A_628] {strides = array<i32>} : memref<5x80xi32, #tpu.memory_space<vmem>>, vector<1x16xi32>,
        %swap3A_630 = vector.shape_cast %swap3A_629 : vector<1x16xi32> to vector<16xi32>
        %swap3A_631 = vector.shape_cast %get3A_625 : vector<16xi32> to vector<1x16xi32>
        tpu.vector_store %arg9[%swap3A_627, %swap3A_628], %swap3A_631 {strides = array<i32>} : memref<5x80xi32, #tpu.memory_space<vmem>>, vector<1x16xi32>,
        %get3A_632 = arith.constant 80 : index
        %get3A_633 = tpu.vector_load %arg7[%get3A_632] {strides = array<i32>} : memref<400xi32, #tpu.memory_space<vmem>>, vector<16xi32>,
        %get3A_634 = vector.shape_cast %get3A_633 : vector<16xi32> to vector<16xi32>
        %swap3A_635 = arith.constant 1 : i32
        %swap3A_636 = arith.index_cast %swap3A_635 : i32 to index
        %swap3A_637 = arith.constant 0 : index
        %swap3A_638 = tpu.vector_load %arg9[%swap3A_636, %swap3A_637] {strides = array<i32>} : memref<5x80xi32, #tpu.memory_space<vmem>>, vector<1x16xi32>,
        %swap3A_639 = vector.shape_cast %swap3A_638 : vector<1x16xi32> to vector<16xi32>
        %swap3A_640 = vector.shape_cast %get3A_634 : vector<16xi32> to vector<1x16xi32>
        tpu.vector_store %arg9[%swap3A_636, %swap3A_637], %swap3A_640 {strides = array<i32>} : memref<5x80xi32, #tpu.memory_space<vmem>>, vector<1x16xi32>,
        %get3A_641 = arith.constant 96 : index
        %get3A_642 = tpu.vector_load %arg7[%get3A_641] {strides = array<i32>} : memref<400xi32, #tpu.memory_space<vmem>>, vector<16xi32>,
        %get3A_643 = vector.shape_cast %get3A_642 : vector<16xi32> to vector<16xi32>
        %swap3A_644 = arith.constant 1 : i32
        %swap3A_645 = arith.index_cast %swap3A_644 : i32 to index
        %swap3A_646 = arith.constant 16 : index
        %swap3A_647 = tpu.vector_load %arg9[%swap3A_645, %swap3A_646] {strides = array<i32>} : memref<5x80xi32, #tpu.memory_space<vmem>>, vector<1x16xi32>,
        %swap3A_648 = vector.shape_cast %swap3A_647 : vector<1x16xi32> to vector<16xi32>
        %swap3A_649 = vector.shape_cast %get3A_643 : vector<16xi32> to vector<1x16xi32>
        tpu.vector_store %arg9[%swap3A_645, %swap3A_646], %swap3A_649 {strides = array<i32>} : memref<5x80xi32, #tpu.memory_space<vmem>>, vector<1x16xi32>,
        %get3A_650 = arith.constant 112 : index
        %get3A_651 = tpu.vector_load %arg7[%get3A_650] {strides = array<i32>} : memref<400xi32, #tpu.memory_space<vmem>>, vector<16xi32>,
        %get3A_652 = vector.shape_cast %get3A_651 : vector<16xi32> to vector<16xi32>
        %swap3A_653 = arith.constant 1 : i32
        %swap3A_654 = arith.index_cast %swap3A_653 : i32 to index
        %swap3A_655 = arith.constant 32 : index
        %swap3A_656 = tpu.vector_load %arg9[%swap3A_654, %swap3A_655] {strides = array<i32>} : memref<5x80xi32, #tpu.memory_space<vmem>>, vector<1x16xi32>,
        %swap3A_657 = vector.shape_cast %swap3A_656 : vector<1x16xi32> to vector<16xi32>
        %swap3A_658 = vector.shape_cast %get3A_652 : vector<16xi32> to vector<1x16xi32>
        tpu.vector_store %arg9[%swap3A_654, %swap3A_655], %swap3A_658 {strides = array<i32>} : memref<5x80xi32, #tpu.memory_space<vmem>>, vector<1x16xi32>,
        %get3A_659 = arith.constant 128 : index
        %get3A_660 = tpu.vector_load %arg7[%get3A_659] {strides = array<i32>} : memref<400xi32, #tpu.memory_space<vmem>>, vector<16xi32>,
        %get3A_661 = vector.shape_cast %get3A_660 : vector<16xi32> to vector<16xi32>
        %swap3A_662 = arith.constant 1 : i32
        %swap3A_663 = arith.index_cast %swap3A_662 : i32 to index
        %swap3A_664 = arith.constant 48 : index
        %swap3A_665 = tpu.vector_load %arg9[%swap3A_663, %swap3A_664] {strides = array<i32>} : memref<5x80xi32, #tpu.memory_space<vmem>>, vector<1x16xi32>,
        %swap3A_666 = vector.shape_cast %swap3A_665 : vector<1x16xi32> to vector<16xi32>
        %swap3A_667 = vector.shape_cast %get3A_661 : vector<16xi32> to vector<1x16xi32>
        tpu.vector_store %arg9[%swap3A_663, %swap3A_664], %swap3A_667 {strides = array<i32>} : memref<5x80xi32, #tpu.memory_space<vmem>>, vector<1x16xi32>,
        %get3A_668 = arith.constant 144 : index
        %get3A_669 = tpu.vector_load %arg7[%get3A_668] {strides = array<i32>} : memref<400xi32, #tpu.memory_space<vmem>>, vector<16xi32>,
        %get3A_670 = vector.shape_cast %get3A_669 : vector<16xi32> to vector<16xi32>
        %swap3A_671 = arith.constant 1 : i32
        %swap3A_672 = arith.index_cast %swap3A_671 : i32 to index
        %swap3A_673 = arith.constant 64 : index
        %swap3A_674 = tpu.vector_load %arg9[%swap3A_672, %swap3A_673] {strides = array<i32>} : memref<5x80xi32, #tpu.memory_space<vmem>>, vector<1x16xi32>,
        %swap3A_675 = vector.shape_cast %swap3A_674 : vector<1x16xi32> to vector<16xi32>
        %swap3A_676 = vector.shape_cast %get3A_670 : vector<16xi32> to vector<1x16xi32>
        tpu.vector_store %arg9[%swap3A_672, %swap3A_673], %swap3A_676 {strides = array<i32>} : memref<5x80xi32, #tpu.memory_space<vmem>>, vector<1x16xi32>,
        %get3A_677 = arith.constant 160 : index
        %get3A_678 = tpu.vector_load %arg7[%get3A_677] {strides = array<i32>} : memref<400xi32, #tpu.memory_space<vmem>>, vector<16xi32>,
        %get3A_679 = vector.shape_cast %get3A_678 : vector<16xi32> to vector<16xi32>
        %swap3A_680 = arith.constant 2 : i32
        %swap3A_681 = arith.index_cast %swap3A_680 : i32 to index
        %swap3A_682 = arith.constant 0 : index
        %swap3A_683 = tpu.vector_load %arg9[%swap3A_681, %swap3A_682] {strides = array<i32>} : memref<5x80xi32, #tpu.memory_space<vmem>>, vector<1x16xi32>,
        %swap3A_684 = vector.shape_cast %swap3A_683 : vector<1x16xi32> to vector<16xi32>
        %swap3A_685 = vector.shape_cast %get3A_679 : vector<16xi32> to vector<1x16xi32>
        tpu.vector_store %arg9[%swap3A_681, %swap3A_682], %swap3A_685 {strides = array<i32>} : memref<5x80xi32, #tpu.memory_space<vmem>>, vector<1x16xi32>,
        %get3A_686 = arith.constant 176 : index
        %get3A_687 = tpu.vector_load %arg7[%get3A_686] {strides = array<i32>} : memref<400xi32, #tpu.memory_space<vmem>>, vector<16xi32>,
        %get3A_688 = vector.shape_cast %get3A_687 : vector<16xi32> to vector<16xi32>
        %swap3A_689 = arith.constant 2 : i32
        %swap3A_690 = arith.index_cast %swap3A_689 : i32 to index
        %swap3A_691 = arith.constant 16 : index
        %swap3A_692 = tpu.vector_load %arg9[%swap3A_690, %swap3A_691] {strides = array<i32>} : memref<5x80xi32, #tpu.memory_space<vmem>>, vector<1x16xi32>,
        %swap3A_693 = vector.shape_cast %swap3A_692 : vector<1x16xi32> to vector<16xi32>
        %swap3A_694 = vector.shape_cast %get3A_688 : vector<16xi32> to vector<1x16xi32>
        tpu.vector_store %arg9[%swap3A_690, %swap3A_691], %swap3A_694 {strides = array<i32>} : memref<5x80xi32, #tpu.memory_space<vmem>>, vector<1x16xi32>,
        %get3A_695 = arith.constant 192 : index
        %get3A_696 = tpu.vector_load %arg7[%get3A_695] {strides = array<i32>} : memref<400xi32, #tpu.memory_space<vmem>>, vector<16xi32>,
        %get3A_697 = vector.shape_cast %get3A_696 : vector<16xi32> to vector<16xi32>
        %swap3A_698 = arith.constant 2 : i32
        %swap3A_699 = arith.index_cast %swap3A_698 : i32 to index
        %swap3A_700 = arith.constant 32 : index
        %swap3A_701 = tpu.vector_load %arg9[%swap3A_699, %swap3A_700] {strides = array<i32>} : memref<5x80xi32, #tpu.memory_space<vmem>>, vector<1x16xi32>,
        %swap3A_702 = vector.shape_cast %swap3A_701 : vector<1x16xi32> to vector<16xi32>
        %swap3A_703 = vector.shape_cast %get3A_697 : vector<16xi32> to vector<1x16xi32>
        tpu.vector_store %arg9[%swap3A_699, %swap3A_700], %swap3A_703 {strides = array<i32>} : memref<5x80xi32, #tpu.memory_space<vmem>>, vector<1x16xi32>,
        %get3A_704 = arith.constant 208 : index
        %get3A_705 = tpu.vector_load %arg7[%get3A_704] {strides = array<i32>} : memref<400xi32, #tpu.memory_space<vmem>>, vector<16xi32>,
        %get3A_706 = vector.shape_cast %get3A_705 : vector<16xi32> to vector<16xi32>
        %swap3A_707 = arith.constant 2 : i32
        %swap3A_708 = arith.index_cast %swap3A_707 : i32 to index
        %swap3A_709 = arith.constant 48 : index
        %swap3A_710 = tpu.vector_load %arg9[%swap3A_708, %swap3A_709] {strides = array<i32>} : memref<5x80xi32, #tpu.memory_space<vmem>>, vector<1x16xi32>,
        %swap3A_711 = vector.shape_cast %swap3A_710 : vector<1x16xi32> to vector<16xi32>
        %swap3A_712 = vector.shape_cast %get3A_706 : vector<16xi32> to vector<1x16xi32>
        tpu.vector_store %arg9[%swap3A_708, %swap3A_709], %swap3A_712 {strides = array<i32>} : memref<5x80xi32, #tpu.memory_space<vmem>>, vector<1x16xi32>,
        %get3A_713 = arith.constant 224 : index
        %get3A_714 = tpu.vector_load %arg7[%get3A_713] {strides = array<i32>} : memref<400xi32, #tpu.memory_space<vmem>>, vector<16xi32>,
        %get3A_715 = vector.shape_cast %get3A_714 : vector<16xi32> to vector<16xi32>
        %swap3A_716 = arith.constant 2 : i32
        %swap3A_717 = arith.index_cast %swap3A_716 : i32 to index
        %swap3A_718 = arith.constant 64 : index
        %swap3A_719 = tpu.vector_load %arg9[%swap3A_717, %swap3A_718] {strides = array<i32>} : memref<5x80xi32, #tpu.memory_space<vmem>>, vector<1x16xi32>,
        %swap3A_720 = vector.shape_cast %swap3A_719 : vector<1x16xi32> to vector<16xi32>
        %swap3A_721 = vector.shape_cast %get3A_715 : vector<16xi32> to vector<1x16xi32>
        tpu.vector_store %arg9[%swap3A_717, %swap3A_718], %swap3A_721 {strides = array<i32>} : memref<5x80xi32, #tpu.memory_space<vmem>>, vector<1x16xi32>,
        %get3A_722 = arith.constant 240 : index
        %get3A_723 = tpu.vector_load %arg7[%get3A_722] {strides = array<i32>} : memref<400xi32, #tpu.memory_space<vmem>>, vector<16xi32>,
        %get3A_724 = vector.shape_cast %get3A_723 : vector<16xi32> to vector<16xi32>
        %swap3A_725 = arith.constant 3 : i32
        %swap3A_726 = arith.index_cast %swap3A_725 : i32 to index
        %swap3A_727 = arith.constant 0 : index
        %swap3A_728 = tpu.vector_load %arg9[%swap3A_726, %swap3A_727] {strides = array<i32>} : memref<5x80xi32, #tpu.memory_space<vmem>>, vector<1x16xi32>,
        %swap3A_729 = vector.shape_cast %swap3A_728 : vector<1x16xi32> to vector<16xi32>
        %swap3A_730 = vector.shape_cast %get3A_724 : vector<16xi32> to vector<1x16xi32>
        tpu.vector_store %arg9[%swap3A_726, %swap3A_727], %swap3A_730 {strides = array<i32>} : memref<5x80xi32, #tpu.memory_space<vmem>>, vector<1x16xi32>,
        %get3A_731 = arith.constant 256 : index
        %get3A_732 = tpu.vector_load %arg7[%get3A_731] {strides = array<i32>} : memref<400xi32, #tpu.memory_space<vmem>>, vector<16xi32>,
        %get3A_733 = vector.shape_cast %get3A_732 : vector<16xi32> to vector<16xi32>
        %swap3A_734 = arith.constant 3 : i32
        %swap3A_735 = arith.index_cast %swap3A_734 : i32 to index
        %swap3A_736 = arith.constant 16 : index
        %swap3A_737 = tpu.vector_load %arg9[%swap3A_735, %swap3A_736] {strides = array<i32>} : memref<5x80xi32, #tpu.memory_space<vmem>>, vector<1x16xi32>,
        %swap3A_738 = vector.shape_cast %swap3A_737 : vector<1x16xi32> to vector<16xi32>
        %swap3A_739 = vector.shape_cast %get3A_733 : vector<16xi32> to vector<1x16xi32>
        tpu.vector_store %arg9[%swap3A_735, %swap3A_736], %swap3A_739 {strides = array<i32>} : memref<5x80xi32, #tpu.memory_space<vmem>>, vector<1x16xi32>,
        %get3A_740 = arith.constant 272 : index
        %get3A_741 = tpu.vector_load %arg7[%get3A_740] {strides = array<i32>} : memref<400xi32, #tpu.memory_space<vmem>>, vector<16xi32>,
        %get3A_742 = vector.shape_cast %get3A_741 : vector<16xi32> to vector<16xi32>
        %swap3A_743 = arith.constant 3 : i32
        %swap3A_744 = arith.index_cast %swap3A_743 : i32 to index
        %swap3A_745 = arith.constant 32 : index
        %swap3A_746 = tpu.vector_load %arg9[%swap3A_744, %swap3A_745] {strides = array<i32>} : memref<5x80xi32, #tpu.memory_space<vmem>>, vector<1x16xi32>,
        %swap3A_747 = vector.shape_cast %swap3A_746 : vector<1x16xi32> to vector<16xi32>
        %swap3A_748 = vector.shape_cast %get3A_742 : vector<16xi32> to vector<1x16xi32>
        tpu.vector_store %arg9[%swap3A_744, %swap3A_745], %swap3A_748 {strides = array<i32>} : memref<5x80xi32, #tpu.memory_space<vmem>>, vector<1x16xi32>,
        %get3A_749 = arith.constant 288 : index
        %get3A_750 = tpu.vector_load %arg7[%get3A_749] {strides = array<i32>} : memref<400xi32, #tpu.memory_space<vmem>>, vector<16xi32>,
        %get3A_751 = vector.shape_cast %get3A_750 : vector<16xi32> to vector<16xi32>
        %swap3A_752 = arith.constant 3 : i32
        %swap3A_753 = arith.index_cast %swap3A_752 : i32 to index
        %swap3A_754 = arith.constant 48 : index
        %swap3A_755 = tpu.vector_load %arg9[%swap3A_753, %swap3A_754] {strides = array<i32>} : memref<5x80xi32, #tpu.memory_space<vmem>>, vector<1x16xi32>,
        %swap3A_756 = vector.shape_cast %swap3A_755 : vector<1x16xi32> to vector<16xi32>
        %swap3A_757 = vector.shape_cast %get3A_751 : vector<16xi32> to vector<1x16xi32>
        tpu.vector_store %arg9[%swap3A_753, %swap3A_754], %swap3A_757 {strides = array<i32>} : memref<5x80xi32, #tpu.memory_space<vmem>>, vector<1x16xi32>,
        %get3A_758 = arith.constant 304 : index
        %get3A_759 = tpu.vector_load %arg7[%get3A_758] {strides = array<i32>} : memref<400xi32, #tpu.memory_space<vmem>>, vector<16xi32>,
        %get3A_760 = vector.shape_cast %get3A_759 : vector<16xi32> to vector<16xi32>
        %swap3A_761 = arith.constant 3 : i32
        %swap3A_762 = arith.index_cast %swap3A_761 : i32 to index
        %swap3A_763 = arith.constant 64 : index
        %swap3A_764 = tpu.vector_load %arg9[%swap3A_762, %swap3A_763] {strides = array<i32>} : memref<5x80xi32, #tpu.memory_space<vmem>>, vector<1x16xi32>,
        %swap3A_765 = vector.shape_cast %swap3A_764 : vector<1x16xi32> to vector<16xi32>
        %swap3A_766 = vector.shape_cast %get3A_760 : vector<16xi32> to vector<1x16xi32>
        tpu.vector_store %arg9[%swap3A_762, %swap3A_763], %swap3A_766 {strides = array<i32>} : memref<5x80xi32, #tpu.memory_space<vmem>>, vector<1x16xi32>,
        %get3A_767 = arith.constant 320 : index
        %get3A_768 = tpu.vector_load %arg7[%get3A_767] {strides = array<i32>} : memref<400xi32, #tpu.memory_space<vmem>>, vector<16xi32>,
        %get3A_769 = vector.shape_cast %get3A_768 : vector<16xi32> to vector<16xi32>
        %swap3A_770 = arith.constant 4 : i32
        %swap3A_771 = arith.index_cast %swap3A_770 : i32 to index
        %swap3A_772 = arith.constant 0 : index
        %swap3A_773 = tpu.vector_load %arg9[%swap3A_771, %swap3A_772] {strides = array<i32>} : memref<5x80xi32, #tpu.memory_space<vmem>>, vector<1x16xi32>,
        %swap3A_774 = vector.shape_cast %swap3A_773 : vector<1x16xi32> to vector<16xi32>
        %swap3A_775 = vector.shape_cast %get3A_769 : vector<16xi32> to vector<1x16xi32>
        tpu.vector_store %arg9[%swap3A_771, %swap3A_772], %swap3A_775 {strides = array<i32>} : memref<5x80xi32, #tpu.memory_space<vmem>>, vector<1x16xi32>,
        %get3A_776 = arith.constant 336 : index
        %get3A_777 = tpu.vector_load %arg7[%get3A_776] {strides = array<i32>} : memref<400xi32, #tpu.memory_space<vmem>>, vector<16xi32>,
        %get3A_778 = vector.shape_cast %get3A_777 : vector<16xi32> to vector<16xi32>
        %swap3A_779 = arith.constant 4 : i32
        %swap3A_780 = arith.index_cast %swap3A_779 : i32 to index
        %swap3A_781 = arith.constant 16 : index
        %swap3A_782 = tpu.vector_load %arg9[%swap3A_780, %swap3A_781] {strides = array<i32>} : memref<5x80xi32, #tpu.memory_space<vmem>>, vector<1x16xi32>,
        %swap3A_783 = vector.shape_cast %swap3A_782 : vector<1x16xi32> to vector<16xi32>
        %swap3A_784 = vector.shape_cast %get3A_778 : vector<16xi32> to vector<1x16xi32>
        tpu.vector_store %arg9[%swap3A_780, %swap3A_781], %swap3A_784 {strides = array<i32>} : memref<5x80xi32, #tpu.memory_space<vmem>>, vector<1x16xi32>,
        %get3A_785 = arith.constant 352 : index
        %get3A_786 = tpu.vector_load %arg7[%get3A_785] {strides = array<i32>} : memref<400xi32, #tpu.memory_space<vmem>>, vector<16xi32>,
        %get3A_787 = vector.shape_cast %get3A_786 : vector<16xi32> to vector<16xi32>
        %swap3A_788 = arith.constant 4 : i32
        %swap3A_789 = arith.index_cast %swap3A_788 : i32 to index
        %swap3A_790 = arith.constant 32 : index
        %swap3A_791 = tpu.vector_load %arg9[%swap3A_789, %swap3A_790] {strides = array<i32>} : memref<5x80xi32, #tpu.memory_space<vmem>>, vector<1x16xi32>,
        %swap3A_792 = vector.shape_cast %swap3A_791 : vector<1x16xi32> to vector<16xi32>
        %swap3A_793 = vector.shape_cast %get3A_787 : vector<16xi32> to vector<1x16xi32>
        tpu.vector_store %arg9[%swap3A_789, %swap3A_790], %swap3A_793 {strides = array<i32>} : memref<5x80xi32, #tpu.memory_space<vmem>>, vector<1x16xi32>,
        %get3A_794 = arith.constant 368 : index
        %get3A_795 = tpu.vector_load %arg7[%get3A_794] {strides = array<i32>} : memref<400xi32, #tpu.memory_space<vmem>>, vector<16xi32>,
        %get3A_796 = vector.shape_cast %get3A_795 : vector<16xi32> to vector<16xi32>
        %swap3A_797 = arith.constant 4 : i32
        %swap3A_798 = arith.index_cast %swap3A_797 : i32 to index
        %swap3A_799 = arith.constant 48 : index
        %swap3A_800 = tpu.vector_load %arg9[%swap3A_798, %swap3A_799] {strides = array<i32>} : memref<5x80xi32, #tpu.memory_space<vmem>>, vector<1x16xi32>,
        %swap3A_801 = vector.shape_cast %swap3A_800 : vector<1x16xi32> to vector<16xi32>
        %swap3A_802 = vector.shape_cast %get3A_796 : vector<16xi32> to vector<1x16xi32>
        tpu.vector_store %arg9[%swap3A_798, %swap3A_799], %swap3A_802 {strides = array<i32>} : memref<5x80xi32, #tpu.memory_space<vmem>>, vector<1x16xi32>,
        %get3A_803 = arith.constant 384 : index
        %get3A_804 = tpu.vector_load %arg7[%get3A_803] {strides = array<i32>} : memref<400xi32, #tpu.memory_space<vmem>>, vector<16xi32>,
        %get3A_805 = vector.shape_cast %get3A_804 : vector<16xi32> to vector<16xi32>
        %swap3A_806 = arith.constant 4 : i32
        %swap3A_807 = arith.index_cast %swap3A_806 : i32 to index
        %swap3A_808 = arith.constant 64 : index
        %swap3A_809 = tpu.vector_load %arg9[%swap3A_807, %swap3A_808] {strides = array<i32>} : memref<5x80xi32, #tpu.memory_space<vmem>>, vector<1x16xi32>,
        %swap3A_810 = vector.shape_cast %swap3A_809 : vector<1x16xi32> to vector<16xi32>
        %swap3A_811 = vector.shape_cast %get3A_805 : vector<16xi32> to vector<1x16xi32>
        tpu.vector_store %arg9[%swap3A_807, %swap3A_808], %swap3A_811 {strides = array<i32>} : memref<5x80xi32, #tpu.memory_space<vmem>>, vector<1x16xi32>,
      } else {
      }
      %add3A_296 = arith.constant 2 : i32
      %add3A_297 = arith.addi %add3A_288, %add3A_296 : i32
      %lt3A_298 = arith.constant 64 : i32
      %lt3A_299 = arith.cmpi slt, %add3A_297, %lt3A_298 : i32
      %convert_element_type3A_300 = arith.extui %lt3A_299 : i1 to i32
      %cond3A_301 = arith.constant 0 : i32
      %cond3A_302 = arith.cmpi ne, %convert_element_type3A_300, %cond3A_301 : i32
      scf.if %cond3A_302 {
        %add3A_585 = arith.constant 800 : i32
        %add3A_586 = arith.addi %add3A_291, %add3A_585 : i32
        %dma_start3A_587 = tpu.memref_slice %arg2[%add3A_586] : memref<819200xi32, #tpu.memory_space<hbm>> -> memref<400xi32, #tpu.memory_space<hbm>>
        %dma_start3A_588 = tpu.memref_slice %arg2[%add3A_586] : memref<819200xi32, #tpu.memory_space<hbm>> -> memref<400xi32, #tpu.memory_space<hbm>>
        tpu.enqueue_dma source(%dma_start3A_588 : memref<400xi32, #tpu.memory_space<hbm>>) target(%arg6 : memref<400xi32, #tpu.memory_space<vmem>>) target_semaphore(%arg13 : memref<!tpu.dma_semaphore, #tpu.memory_space<semaphore_mem>>)
      } else {
      }
      %dma_wait3A = arith.constant 0 : i32
      %dma_wait3A_303 = arith.constant 0 : i32
      %dma_wait3A_304 = tpu.memref_slice %arg10[%dma_wait3A, %dma_wait3A_303] : memref<400x128xf32, #tpu.memory_space<vmem>> -> memref<80x128xf32, #tpu.memory_space<vmem>>
      %dma_wait3A_305 = arith.constant 0 : i32
      %dma_wait3A_306 = arith.constant 0 : i32
      %dma_wait3A_307 = tpu.memref_slice %arg3[%dma_wait3A_305, %dma_wait3A_306] : memref<1000000x128xf32, #tpu.memory_space<hbm>> -> memref<80x128xf32, #tpu.memory_space<hbm>>
      %dma_wait3A_308 = arith.constant 0 : i32
      %dma_wait3A_309 = arith.constant 0 : i32
      %dma_wait3A_310 = tpu.memref_slice %arg10[%dma_wait3A_308, %dma_wait3A_309] : memref<400x128xf32, #tpu.memory_space<vmem>> -> memref<80x128xf32, #tpu.memory_space<vmem>>
      %dma_wait3A_311 = arith.constant 0 : i32
      %dma_wait3A_312 = arith.constant 0 : i32
      %dma_wait3A_313 = tpu.memref_slice %arg3[%dma_wait3A_311, %dma_wait3A_312] : memref<1000000x128xf32, #tpu.memory_space<hbm>> -> memref<80x128xf32, #tpu.memory_space<hbm>>
      tpu.wait_dma2 semaphore(%arg15 : memref<!tpu.dma_semaphore, #tpu.memory_space<semaphore_mem>>) src(%dma_wait3A_313 : memref<80x128xf32, #tpu.memory_space<hbm>>) dst(%dma_wait3A_310 : memref<80x128xf32, #tpu.memory_space<vmem>>)
      %scan3A_314 = arith.constant 0 : i32
      %scan3A_315 = arith.constant 0 : i32
      %scan3A_316 = arith.constant 80 : i32
      %scan3A_317 = arith.addi %scan3A_315, %scan3A_316 : i32
      %scan3A_318 = arith.constant 1 : i32
      scf.for %scan3A_585 = %scan3A_315 to %scan3A_317 step %scan3A_318  : i32 {
        %add3A_586 = arith.constant 0 : i32
        %add3A_587 = arith.addi %add3A_586, %scan3A_585 : i32
        %add3A_588 = arith.constant 0 : i32
        %add3A_589 = arith.addi %add3A_588, %scan3A_585 : i32
        %get3A_590 = arith.index_cast %add3A_587 : i32 to index
        %get3A_591 = arith.constant 0 : index
        %get3A_592 = tpu.vector_load %arg10[%get3A_590, %get3A_591] {strides = array<i32>} : memref<400x128xf32, #tpu.memory_space<vmem>>, vector<1x16xf32>,
        %get3A_593 = vector.shape_cast %get3A_592 : vector<1x16xf32> to vector<16xf32>
        %get3A_594 = arith.index_cast %add3A_589 : i32 to index
        %get3A_595 = arith.constant 0 : index
        %get3A_596 = tpu.vector_load %arg12[%get3A_594, %get3A_595] {strides = array<i32>} : memref<200x64xf32, #tpu.memory_space<vmem>>, vector<1x16xf32>,
        %get3A_597 = vector.shape_cast %get3A_596 : vector<1x16xf32> to vector<16xf32>
        %add3A_598 = arith.addf %get3A_593, %get3A_597 : vector<16xf32>
        %swap3A_599 = arith.index_cast %add3A_587 : i32 to index
        %swap3A_600 = arith.constant 0 : index
        %swap3A_601 = tpu.vector_load %arg11[%swap3A_599, %swap3A_600] {strides = array<i32>} : memref<400x64xf32, #tpu.memory_space<vmem>>, vector<1x16xf32>,
        %swap3A_602 = vector.shape_cast %swap3A_601 : vector<1x16xf32> to vector<16xf32>
        %swap3A_603 = vector.shape_cast %add3A_598 : vector<16xf32> to vector<1x16xf32>
        tpu.vector_store %arg11[%swap3A_599, %swap3A_600], %swap3A_603 {strides = array<i32>} : memref<400x64xf32, #tpu.memory_space<vmem>>, vector<1x16xf32>,
        %get3A_604 = arith.index_cast %add3A_587 : i32 to index
        %get3A_605 = arith.constant 16 : index
        %get3A_606 = tpu.vector_load %arg10[%get3A_604, %get3A_605] {strides = array<i32>} : memref<400x128xf32, #tpu.memory_space<vmem>>, vector<1x16xf32>,
        %get3A_607 = vector.shape_cast %get3A_606 : vector<1x16xf32> to vector<16xf32>
        %get3A_608 = arith.index_cast %add3A_589 : i32 to index
        %get3A_609 = arith.constant 16 : index
        %get3A_610 = tpu.vector_load %arg12[%get3A_608, %get3A_609] {strides = array<i32>} : memref<200x64xf32, #tpu.memory_space<vmem>>, vector<1x16xf32>,
        %get3A_611 = vector.shape_cast %get3A_610 : vector<1x16xf32> to vector<16xf32>
        %add3A_612 = arith.addf %get3A_607, %get3A_611 : vector<16xf32>
        %swap3A_613 = arith.index_cast %add3A_587 : i32 to index
        %swap3A_614 = arith.constant 16 : index
        %swap3A_615 = tpu.vector_load %arg11[%swap3A_613, %swap3A_614] {strides = array<i32>} : memref<400x64xf32, #tpu.memory_space<vmem>>, vector<1x16xf32>,
        %swap3A_616 = vector.shape_cast %swap3A_615 : vector<1x16xf32> to vector<16xf32>
        %swap3A_617 = vector.shape_cast %add3A_612 : vector<16xf32> to vector<1x16xf32>
        tpu.vector_store %arg11[%swap3A_613, %swap3A_614], %swap3A_617 {strides = array<i32>} : memref<400x64xf32, #tpu.memory_space<vmem>>, vector<1x16xf32>,
        %get3A_618 = arith.index_cast %add3A_587 : i32 to index
        %get3A_619 = arith.constant 32 : index
        %get3A_620 = tpu.vector_load %arg10[%get3A_618, %get3A_619] {strides = array<i32>} : memref<400x128xf32, #tpu.memory_space<vmem>>, vector<1x16xf32>,
        %get3A_621 = vector.shape_cast %get3A_620 : vector<1x16xf32> to vector<16xf32>
        %get3A_622 = arith.index_cast %add3A_589 : i32 to index
        %get3A_623 = arith.constant 32 : index
        %get3A_624 = tpu.vector_load %arg12[%get3A_622, %get3A_623] {strides = array<i32>} : memref<200x64xf32, #tpu.memory_space<vmem>>, vector<1x16xf32>,
        %get3A_625 = vector.shape_cast %get3A_624 : vector<1x16xf32> to vector<16xf32>
        %add3A_626 = arith.addf %get3A_621, %get3A_625 : vector<16xf32>
        %swap3A_627 = arith.index_cast %add3A_587 : i32 to index
        %swap3A_628 = arith.constant 32 : index
        %swap3A_629 = tpu.vector_load %arg11[%swap3A_627, %swap3A_628] {strides = array<i32>} : memref<400x64xf32, #tpu.memory_space<vmem>>, vector<1x16xf32>,
        %swap3A_630 = vector.shape_cast %swap3A_629 : vector<1x16xf32> to vector<16xf32>
        %swap3A_631 = vector.shape_cast %add3A_626 : vector<16xf32> to vector<1x16xf32>
        tpu.vector_store %arg11[%swap3A_627, %swap3A_628], %swap3A_631 {strides = array<i32>} : memref<400x64xf32, #tpu.memory_space<vmem>>, vector<1x16xf32>,
        %get3A_632 = arith.index_cast %add3A_587 : i32 to index
        %get3A_633 = arith.constant 48 : index
        %get3A_634 = tpu.vector_load %arg10[%get3A_632, %get3A_633] {strides = array<i32>} : memref<400x128xf32, #tpu.memory_space<vmem>>, vector<1x16xf32>,
        %get3A_635 = vector.shape_cast %get3A_634 : vector<1x16xf32> to vector<16xf32>
        %get3A_636 = arith.index_cast %add3A_589 : i32 to index
        %get3A_637 = arith.constant 48 : index
        %get3A_638 = tpu.vector_load %arg12[%get3A_636, %get3A_637] {strides = array<i32>} : memref<200x64xf32, #tpu.memory_space<vmem>>, vector<1x16xf32>,
        %get3A_639 = vector.shape_cast %get3A_638 : vector<1x16xf32> to vector<16xf32>
        %add3A_640 = arith.addf %get3A_635, %get3A_639 : vector<16xf32>
        %swap3A_641 = arith.index_cast %add3A_587 : i32 to index
        %swap3A_642 = arith.constant 48 : index
        %swap3A_643 = tpu.vector_load %arg11[%swap3A_641, %swap3A_642] {strides = array<i32>} : memref<400x64xf32, #tpu.memory_space<vmem>>, vector<1x16xf32>,
        %swap3A_644 = vector.shape_cast %swap3A_643 : vector<1x16xf32> to vector<16xf32>
        %swap3A_645 = vector.shape_cast %add3A_640 : vector<16xf32> to vector<1x16xf32>
        tpu.vector_store %arg11[%swap3A_641, %swap3A_642], %swap3A_645 {strides = array<i32>} : memref<400x64xf32, #tpu.memory_space<vmem>>, vector<1x16xf32>,
      }
      %scan3A_319 = arith.constant 80 : i32
      %add3A_320 = arith.constant 1 : i32
      %add3A_321 = arith.addi %add3A_288, %add3A_320 : i32
      %lt3A_322 = arith.constant 64 : i32
      %lt3A_323 = arith.cmpi slt, %add3A_321, %lt3A_322 : i32
      %convert_element_type3A_324 = arith.extui %lt3A_323 : i1 to i32
      %cond3A_325 = arith.constant 0 : i32
      %cond3A_326 = arith.cmpi ne, %convert_element_type3A_324, %cond3A_325 : i32
      scf.if %cond3A_326 {
        %dma_start3A_585 = arith.constant 0 : i32
        %dma_start3A_586 = arith.constant 0 : i32
        %dma_start3A_587 = arith.constant 0 : i32
        %dma_start3A_588 = tpu.memref_slice %arg10[%dma_start3A_586, %dma_start3A_587] : memref<400x128xf32, #tpu.memory_space<vmem>> -> memref<80x128xf32, #tpu.memory_space<vmem>>
        %dma_start3A_589 = arith.constant 0 : i32
        %dma_start3A_590 = tpu.memref_slice %arg9[%dma_start3A_585, %dma_start3A_589] : memref<5x80xi32, #tpu.memory_space<vmem>> -> memref<1x80xi32, #tpu.memory_space<vmem>>
        %dma_start3A_591 = tpu.memref_squeeze %dma_start3A_590 : memref<1x80xi32, #tpu.memory_space<vmem>> -> memref<80xi32, #tpu.memory_space<vmem>>
        %dma_start3A_592 = arith.constant 0 : i32
        %dma_start3A_593 = arith.constant 0 : i32
        %dma_start3A_594 = tpu.memref_slice %arg3[%dma_start3A_592, %dma_start3A_593] : memref<1000000x128xf32, #tpu.memory_space<hbm>> -> memref<1000000x128xf32, #tpu.memory_space<hbm>>
        tpu.enqueue_indirect_dma source(%dma_start3A_594 : memref<1000000x128xf32, #tpu.memory_space<hbm>>) target(%dma_start3A_588 : memref<80x128xf32, #tpu.memory_space<vmem>>) offsets(%dma_start3A_591 : memref<80xi32, #tpu.memory_space<vmem>>) semaphore(%arg15 : memref<!tpu.dma_semaphore, #tpu.memory_space<semaphore_mem>>)
      } else {
      }
      %dma_wait3A_327 = arith.constant 80 : i32
      %dma_wait3A_328 = arith.constant 0 : i32
      %dma_wait3A_329 = tpu.memref_slice %arg10[%dma_wait3A_327, %dma_wait3A_328] : memref<400x128xf32, #tpu.memory_space<vmem>> -> memref<80x128xf32, #tpu.memory_space<vmem>>
      %dma_wait3A_330 = arith.constant 0 : i32
      %dma_wait3A_331 = arith.constant 0 : i32
      %dma_wait3A_332 = tpu.memref_slice %arg3[%dma_wait3A_330, %dma_wait3A_331] : memref<1000000x128xf32, #tpu.memory_space<hbm>> -> memref<80x128xf32, #tpu.memory_space<hbm>>
      %dma_wait3A_333 = arith.constant 80 : i32
      %dma_wait3A_334 = arith.constant 0 : i32
      %dma_wait3A_335 = tpu.memref_slice %arg10[%dma_wait3A_333, %dma_wait3A_334] : memref<400x128xf32, #tpu.memory_space<vmem>> -> memref<80x128xf32, #tpu.memory_space<vmem>>
      %dma_wait3A_336 = arith.constant 0 : i32
      %dma_wait3A_337 = arith.constant 0 : i32
      %dma_wait3A_338 = tpu.memref_slice %arg3[%dma_wait3A_336, %dma_wait3A_337] : memref<1000000x128xf32, #tpu.memory_space<hbm>> -> memref<80x128xf32, #tpu.memory_space<hbm>>
      tpu.wait_dma2 semaphore(%arg16 : memref<!tpu.dma_semaphore, #tpu.memory_space<semaphore_mem>>) src(%dma_wait3A_338 : memref<80x128xf32, #tpu.memory_space<hbm>>) dst(%dma_wait3A_335 : memref<80x128xf32, #tpu.memory_space<vmem>>)
      %scan3A_339 = arith.constant 0 : i32
      %scan3A_340 = arith.constant 0 : i32
      %scan3A_341 = arith.constant 80 : i32
      %scan3A_342 = arith.addi %scan3A_340, %scan3A_341 : i32
      %scan3A_343 = arith.constant 1 : i32
      scf.for %scan3A_585 = %scan3A_340 to %scan3A_342 step %scan3A_343  : i32 {
        %add3A_586 = arith.constant 80 : i32
        %add3A_587 = arith.addi %add3A_586, %scan3A_585 : i32
        %add3A_588 = arith.constant 80 : i32
        %add3A_589 = arith.addi %add3A_588, %scan3A_585 : i32
        %get3A_590 = arith.index_cast %add3A_587 : i32 to index
        %get3A_591 = arith.constant 0 : index
        %get3A_592 = tpu.vector_load %arg10[%get3A_590, %get3A_591] {strides = array<i32>} : memref<400x128xf32, #tpu.memory_space<vmem>>, vector<1x16xf32>,
        %get3A_593 = vector.shape_cast %get3A_592 : vector<1x16xf32> to vector<16xf32>
        %get3A_594 = arith.index_cast %add3A_589 : i32 to index
        %get3A_595 = arith.constant 0 : index
        %get3A_596 = tpu.vector_load %arg12[%get3A_594, %get3A_595] {strides = array<i32>} : memref<200x64xf32, #tpu.memory_space<vmem>>, vector<1x16xf32>,
        %get3A_597 = vector.shape_cast %get3A_596 : vector<1x16xf32> to vector<16xf32>
        %add3A_598 = arith.addf %get3A_593, %get3A_597 : vector<16xf32>
        %swap3A_599 = arith.index_cast %add3A_587 : i32 to index
        %swap3A_600 = arith.constant 0 : index
        %swap3A_601 = tpu.vector_load %arg11[%swap3A_599, %swap3A_600] {strides = array<i32>} : memref<400x64xf32, #tpu.memory_space<vmem>>, vector<1x16xf32>,
        %swap3A_602 = vector.shape_cast %swap3A_601 : vector<1x16xf32> to vector<16xf32>
        %swap3A_603 = vector.shape_cast %add3A_598 : vector<16xf32> to vector<1x16xf32>
        tpu.vector_store %arg11[%swap3A_599, %swap3A_600], %swap3A_603 {strides = array<i32>} : memref<400x64xf32, #tpu.memory_space<vmem>>, vector<1x16xf32>,
        %get3A_604 = arith.index_cast %add3A_587 : i32 to index
        %get3A_605 = arith.constant 16 : index
        %get3A_606 = tpu.vector_load %arg10[%get3A_604, %get3A_605] {strides = array<i32>} : memref<400x128xf32, #tpu.memory_space<vmem>>, vector<1x16xf32>,
        %get3A_607 = vector.shape_cast %get3A_606 : vector<1x16xf32> to vector<16xf32>
        %get3A_608 = arith.index_cast %add3A_589 : i32 to index
        %get3A_609 = arith.constant 16 : index
        %get3A_610 = tpu.vector_load %arg12[%get3A_608, %get3A_609] {strides = array<i32>} : memref<200x64xf32, #tpu.memory_space<vmem>>, vector<1x16xf32>,
        %get3A_611 = vector.shape_cast %get3A_610 : vector<1x16xf32> to vector<16xf32>
        %add3A_612 = arith.addf %get3A_607, %get3A_611 : vector<16xf32>
        %swap3A_613 = arith.index_cast %add3A_587 : i32 to index
        %swap3A_614 = arith.constant 16 : index
        %swap3A_615 = tpu.vector_load %arg11[%swap3A_613, %swap3A_614] {strides = array<i32>} : memref<400x64xf32, #tpu.memory_space<vmem>>, vector<1x16xf32>,
        %swap3A_616 = vector.shape_cast %swap3A_615 : vector<1x16xf32> to vector<16xf32>
        %swap3A_617 = vector.shape_cast %add3A_612 : vector<16xf32> to vector<1x16xf32>
        tpu.vector_store %arg11[%swap3A_613, %swap3A_614], %swap3A_617 {strides = array<i32>} : memref<400x64xf32, #tpu.memory_space<vmem>>, vector<1x16xf32>,
        %get3A_618 = arith.index_cast %add3A_587 : i32 to index
        %get3A_619 = arith.constant 32 : index
        %get3A_620 = tpu.vector_load %arg10[%get3A_618, %get3A_619] {strides = array<i32>} : memref<400x128xf32, #tpu.memory_space<vmem>>, vector<1x16xf32>,
        %get3A_621 = vector.shape_cast %get3A_620 : vector<1x16xf32> to vector<16xf32>
        %get3A_622 = arith.index_cast %add3A_589 : i32 to index
        %get3A_623 = arith.constant 32 : index
        %get3A_624 = tpu.vector_load %arg12[%get3A_622, %get3A_623] {strides = array<i32>} : memref<200x64xf32, #tpu.memory_space<vmem>>, vector<1x16xf32>,
        %get3A_625 = vector.shape_cast %get3A_624 : vector<1x16xf32> to vector<16xf32>
        %add3A_626 = arith.addf %get3A_621, %get3A_625 : vector<16xf32>
        %swap3A_627 = arith.index_cast %add3A_587 : i32 to index
        %swap3A_628 = arith.constant 32 : index
        %swap3A_629 = tpu.vector_load %arg11[%swap3A_627, %swap3A_628] {strides = array<i32>} : memref<400x64xf32, #tpu.memory_space<vmem>>, vector<1x16xf32>,
        %swap3A_630 = vector.shape_cast %swap3A_629 : vector<1x16xf32> to vector<16xf32>
        %swap3A_631 = vector.shape_cast %add3A_626 : vector<16xf32> to vector<1x16xf32>
        tpu.vector_store %arg11[%swap3A_627, %swap3A_628], %swap3A_631 {strides = array<i32>} : memref<400x64xf32, #tpu.memory_space<vmem>>, vector<1x16xf32>,
        %get3A_632 = arith.index_cast %add3A_587 : i32 to index
        %get3A_633 = arith.constant 48 : index
        %get3A_634 = tpu.vector_load %arg10[%get3A_632, %get3A_633] {strides = array<i32>} : memref<400x128xf32, #tpu.memory_space<vmem>>, vector<1x16xf32>,
        %get3A_635 = vector.shape_cast %get3A_634 : vector<1x16xf32> to vector<16xf32>
        %get3A_636 = arith.index_cast %add3A_589 : i32 to index
        %get3A_637 = arith.constant 48 : index
        %get3A_638 = tpu.vector_load %arg12[%get3A_636, %get3A_637] {strides = array<i32>} : memref<200x64xf32, #tpu.memory_space<vmem>>, vector<1x16xf32>,
        %get3A_639 = vector.shape_cast %get3A_638 : vector<1x16xf32> to vector<16xf32>
        %add3A_640 = arith.addf %get3A_635, %get3A_639 : vector<16xf32>
        %swap3A_641 = arith.index_cast %add3A_587 : i32 to index
        %swap3A_642 = arith.constant 48 : index
        %swap3A_643 = tpu.vector_load %arg11[%swap3A_641, %swap3A_642] {strides = array<i32>} : memref<400x64xf32, #tpu.memory_space<vmem>>, vector<1x16xf32>,
        %swap3A_644 = vector.shape_cast %swap3A_643 : vector<1x16xf32> to vector<16xf32>
        %swap3A_645 = vector.shape_cast %add3A_640 : vector<16xf32> to vector<1x16xf32>
        tpu.vector_store %arg11[%swap3A_641, %swap3A_642], %swap3A_645 {strides = array<i32>} : memref<400x64xf32, #tpu.memory_space<vmem>>, vector<1x16xf32>,
      }
      %scan3A_344 = arith.constant 80 : i32
      %add3A_345 = arith.constant 1 : i32
      %add3A_346 = arith.addi %add3A_288, %add3A_345 : i32
      %lt3A_347 = arith.constant 64 : i32
      %lt3A_348 = arith.cmpi slt, %add3A_346, %lt3A_347 : i32
      %convert_element_type3A_349 = arith.extui %lt3A_348 : i1 to i32
      %cond3A_350 = arith.constant 0 : i32
      %cond3A_351 = arith.cmpi ne, %convert_element_type3A_349, %cond3A_350 : i32
      scf.if %cond3A_351 {
        %dma_start3A_585 = arith.constant 1 : i32
        %dma_start3A_586 = arith.constant 80 : i32
        %dma_start3A_587 = arith.constant 0 : i32
        %dma_start3A_588 = tpu.memref_slice %arg10[%dma_start3A_586, %dma_start3A_587] : memref<400x128xf32, #tpu.memory_space<vmem>> -> memref<80x128xf32, #tpu.memory_space<vmem>>
        %dma_start3A_589 = arith.constant 0 : i32
        %dma_start3A_590 = tpu.memref_slice %arg9[%dma_start3A_585, %dma_start3A_589] : memref<5x80xi32, #tpu.memory_space<vmem>> -> memref<1x80xi32, #tpu.memory_space<vmem>>
        %dma_start3A_591 = tpu.memref_squeeze %dma_start3A_590 : memref<1x80xi32, #tpu.memory_space<vmem>> -> memref<80xi32, #tpu.memory_space<vmem>>
        %dma_start3A_592 = arith.constant 0 : i32
        %dma_start3A_593 = arith.constant 0 : i32
        %dma_start3A_594 = tpu.memref_slice %arg3[%dma_start3A_592, %dma_start3A_593] : memref<1000000x128xf32, #tpu.memory_space<hbm>> -> memref<1000000x128xf32, #tpu.memory_space<hbm>>
        tpu.enqueue_indirect_dma source(%dma_start3A_594 : memref<1000000x128xf32, #tpu.memory_space<hbm>>) target(%dma_start3A_588 : memref<80x128xf32, #tpu.memory_space<vmem>>) offsets(%dma_start3A_591 : memref<80xi32, #tpu.memory_space<vmem>>) semaphore(%arg16 : memref<!tpu.dma_semaphore, #tpu.memory_space<semaphore_mem>>)
      } else {
      }
      %dma_wait3A_352 = arith.constant 160 : i32
      %dma_wait3A_353 = arith.constant 0 : i32
      %dma_wait3A_354 = tpu.memref_slice %arg10[%dma_wait3A_352, %dma_wait3A_353] : memref<400x128xf32, #tpu.memory_space<vmem>> -> memref<80x128xf32, #tpu.memory_space<vmem>>
      %dma_wait3A_355 = arith.constant 0 : i32
      %dma_wait3A_356 = arith.constant 0 : i32
      %dma_wait3A_357 = tpu.memref_slice %arg3[%dma_wait3A_355, %dma_wait3A_356] : memref<1000000x128xf32, #tpu.memory_space<hbm>> -> memref<80x128xf32, #tpu.memory_space<hbm>>
      %dma_wait3A_358 = arith.constant 160 : i32
      %dma_wait3A_359 = arith.constant 0 : i32
      %dma_wait3A_360 = tpu.memref_slice %arg10[%dma_wait3A_358, %dma_wait3A_359] : memref<400x128xf32, #tpu.memory_space<vmem>> -> memref<80x128xf32, #tpu.memory_space<vmem>>
      %dma_wait3A_361 = arith.constant 0 : i32
      %dma_wait3A_362 = arith.constant 0 : i32
      %dma_wait3A_363 = tpu.memref_slice %arg3[%dma_wait3A_361, %dma_wait3A_362] : memref<1000000x128xf32, #tpu.memory_space<hbm>> -> memref<80x128xf32, #tpu.memory_space<hbm>>
      tpu.wait_dma2 semaphore(%arg17 : memref<!tpu.dma_semaphore, #tpu.memory_space<semaphore_mem>>) src(%dma_wait3A_363 : memref<80x128xf32, #tpu.memory_space<hbm>>) dst(%dma_wait3A_360 : memref<80x128xf32, #tpu.memory_space<vmem>>)
      %scan3A_364 = arith.constant 0 : i32
      %scan3A_365 = arith.constant 0 : i32
      %scan3A_366 = arith.constant 40 : i32
      %scan3A_367 = arith.addi %scan3A_365, %scan3A_366 : i32
      %scan3A_368 = arith.constant 1 : i32
      scf.for %scan3A_585 = %scan3A_365 to %scan3A_367 step %scan3A_368  : i32 {
        %add3A_586 = arith.constant 160 : i32
        %add3A_587 = arith.addi %add3A_586, %scan3A_585 : i32
        %add3A_588 = arith.constant 160 : i32
        %add3A_589 = arith.addi %add3A_588, %scan3A_585 : i32
        %get3A_590 = arith.index_cast %add3A_587 : i32 to index
        %get3A_591 = arith.constant 0 : index
        %get3A_592 = tpu.vector_load %arg10[%get3A_590, %get3A_591] {strides = array<i32>} : memref<400x128xf32, #tpu.memory_space<vmem>>, vector<1x16xf32>,
        %get3A_593 = vector.shape_cast %get3A_592 : vector<1x16xf32> to vector<16xf32>
        %get3A_594 = arith.index_cast %add3A_589 : i32 to index
        %get3A_595 = arith.constant 0 : index
        %get3A_596 = tpu.vector_load %arg12[%get3A_594, %get3A_595] {strides = array<i32>} : memref<200x64xf32, #tpu.memory_space<vmem>>, vector<1x16xf32>,
        %get3A_597 = vector.shape_cast %get3A_596 : vector<1x16xf32> to vector<16xf32>
        %add3A_598 = arith.addf %get3A_593, %get3A_597 : vector<16xf32>
        %swap3A_599 = arith.index_cast %add3A_587 : i32 to index
        %swap3A_600 = arith.constant 0 : index
        %swap3A_601 = tpu.vector_load %arg11[%swap3A_599, %swap3A_600] {strides = array<i32>} : memref<400x64xf32, #tpu.memory_space<vmem>>, vector<1x16xf32>,
        %swap3A_602 = vector.shape_cast %swap3A_601 : vector<1x16xf32> to vector<16xf32>
        %swap3A_603 = vector.shape_cast %add3A_598 : vector<16xf32> to vector<1x16xf32>
        tpu.vector_store %arg11[%swap3A_599, %swap3A_600], %swap3A_603 {strides = array<i32>} : memref<400x64xf32, #tpu.memory_space<vmem>>, vector<1x16xf32>,
        %get3A_604 = arith.index_cast %add3A_587 : i32 to index
        %get3A_605 = arith.constant 16 : index
        %get3A_606 = tpu.vector_load %arg10[%get3A_604, %get3A_605] {strides = array<i32>} : memref<400x128xf32, #tpu.memory_space<vmem>>, vector<1x16xf32>,
        %get3A_607 = vector.shape_cast %get3A_606 : vector<1x16xf32> to vector<16xf32>
        %get3A_608 = arith.index_cast %add3A_589 : i32 to index
        %get3A_609 = arith.constant 16 : index
        %get3A_610 = tpu.vector_load %arg12[%get3A_608, %get3A_609] {strides = array<i32>} : memref<200x64xf32, #tpu.memory_space<vmem>>, vector<1x16xf32>,
        %get3A_611 = vector.shape_cast %get3A_610 : vector<1x16xf32> to vector<16xf32>
        %add3A_612 = arith.addf %get3A_607, %get3A_611 : vector<16xf32>
        %swap3A_613 = arith.index_cast %add3A_587 : i32 to index
        %swap3A_614 = arith.constant 16 : index
        %swap3A_615 = tpu.vector_load %arg11[%swap3A_613, %swap3A_614] {strides = array<i32>} : memref<400x64xf32, #tpu.memory_space<vmem>>, vector<1x16xf32>,
        %swap3A_616 = vector.shape_cast %swap3A_615 : vector<1x16xf32> to vector<16xf32>
        %swap3A_617 = vector.shape_cast %add3A_612 : vector<16xf32> to vector<1x16xf32>
        tpu.vector_store %arg11[%swap3A_613, %swap3A_614], %swap3A_617 {strides = array<i32>} : memref<400x64xf32, #tpu.memory_space<vmem>>, vector<1x16xf32>,
        %get3A_618 = arith.index_cast %add3A_587 : i32 to index
        %get3A_619 = arith.constant 32 : index
        %get3A_620 = tpu.vector_load %arg10[%get3A_618, %get3A_619] {strides = array<i32>} : memref<400x128xf32, #tpu.memory_space<vmem>>, vector<1x16xf32>,
        %get3A_621 = vector.shape_cast %get3A_620 : vector<1x16xf32> to vector<16xf32>
        %get3A_622 = arith.index_cast %add3A_589 : i32 to index
        %get3A_623 = arith.constant 32 : index
        %get3A_624 = tpu.vector_load %arg12[%get3A_622, %get3A_623] {strides = array<i32>} : memref<200x64xf32, #tpu.memory_space<vmem>>, vector<1x16xf32>,
        %get3A_625 = vector.shape_cast %get3A_624 : vector<1x16xf32> to vector<16xf32>
        %add3A_626 = arith.addf %get3A_621, %get3A_625 : vector<16xf32>
        %swap3A_627 = arith.index_cast %add3A_587 : i32 to index
        %swap3A_628 = arith.constant 32 : index
        %swap3A_629 = tpu.vector_load %arg11[%swap3A_627, %swap3A_628] {strides = array<i32>} : memref<400x64xf32, #tpu.memory_space<vmem>>, vector<1x16xf32>,
        %swap3A_630 = vector.shape_cast %swap3A_629 : vector<1x16xf32> to vector<16xf32>
        %swap3A_631 = vector.shape_cast %add3A_626 : vector<16xf32> to vector<1x16xf32>
        tpu.vector_store %arg11[%swap3A_627, %swap3A_628], %swap3A_631 {strides = array<i32>} : memref<400x64xf32, #tpu.memory_space<vmem>>, vector<1x16xf32>,
        %get3A_632 = arith.index_cast %add3A_587 : i32 to index
        %get3A_633 = arith.constant 48 : index
        %get3A_634 = tpu.vector_load %arg10[%get3A_632, %get3A_633] {strides = array<i32>} : memref<400x128xf32, #tpu.memory_space<vmem>>, vector<1x16xf32>,
        %get3A_635 = vector.shape_cast %get3A_634 : vector<1x16xf32> to vector<16xf32>
        %get3A_636 = arith.index_cast %add3A_589 : i32 to index
        %get3A_637 = arith.constant 48 : index
        %get3A_638 = tpu.vector_load %arg12[%get3A_636, %get3A_637] {strides = array<i32>} : memref<200x64xf32, #tpu.memory_space<vmem>>, vector<1x16xf32>,
        %get3A_639 = vector.shape_cast %get3A_638 : vector<1x16xf32> to vector<16xf32>
        %add3A_640 = arith.addf %get3A_635, %get3A_639 : vector<16xf32>
        %swap3A_641 = arith.index_cast %add3A_587 : i32 to index
        %swap3A_642 = arith.constant 48 : index
        %swap3A_643 = tpu.vector_load %arg11[%swap3A_641, %swap3A_642] {strides = array<i32>} : memref<400x64xf32, #tpu.memory_space<vmem>>, vector<1x16xf32>,
        %swap3A_644 = vector.shape_cast %swap3A_643 : vector<1x16xf32> to vector<16xf32>
        %swap3A_645 = vector.shape_cast %add3A_640 : vector<16xf32> to vector<1x16xf32>
        tpu.vector_store %arg11[%swap3A_641, %swap3A_642], %swap3A_645 {strides = array<i32>} : memref<400x64xf32, #tpu.memory_space<vmem>>, vector<1x16xf32>,
      }
      %scan3A_369 = arith.constant 40 : i32
      %scan3A_370 = arith.constant 0 : i32
      %scan3A_371 = arith.constant 0 : i32
      %scan3A_372 = arith.constant 40 : i32
      %scan3A_373 = arith.addi %scan3A_371, %scan3A_372 : i32
      %scan3A_374 = arith.constant 1 : i32
      scf.for %scan3A_585 = %scan3A_371 to %scan3A_373 step %scan3A_374  : i32 {
        %add3A_586 = arith.constant 200 : i32
        %add3A_587 = arith.addi %add3A_586, %scan3A_585 : i32
        %add3A_588 = arith.constant 0 : i32
        %add3A_589 = arith.addi %add3A_588, %scan3A_585 : i32
        %get3A_590 = arith.index_cast %add3A_587 : i32 to index
        %get3A_591 = arith.constant 0 : index
        %get3A_592 = tpu.vector_load %arg10[%get3A_590, %get3A_591] {strides = array<i32>} : memref<400x128xf32, #tpu.memory_space<vmem>>, vector<1x16xf32>,
        %get3A_593 = vector.shape_cast %get3A_592 : vector<1x16xf32> to vector<16xf32>
        %get3A_594 = arith.index_cast %add3A_589 : i32 to index
        %get3A_595 = arith.constant 0 : index
        %get3A_596 = tpu.vector_load %arg12[%get3A_594, %get3A_595] {strides = array<i32>} : memref<200x64xf32, #tpu.memory_space<vmem>>, vector<1x16xf32>,
        %get3A_597 = vector.shape_cast %get3A_596 : vector<1x16xf32> to vector<16xf32>
        %add3A_598 = arith.addf %get3A_593, %get3A_597 : vector<16xf32>
        %swap3A_599 = arith.index_cast %add3A_587 : i32 to index
        %swap3A_600 = arith.constant 0 : index
        %swap3A_601 = tpu.vector_load %arg11[%swap3A_599, %swap3A_600] {strides = array<i32>} : memref<400x64xf32, #tpu.memory_space<vmem>>, vector<1x16xf32>,
        %swap3A_602 = vector.shape_cast %swap3A_601 : vector<1x16xf32> to vector<16xf32>
        %swap3A_603 = vector.shape_cast %add3A_598 : vector<16xf32> to vector<1x16xf32>
        tpu.vector_store %arg11[%swap3A_599, %swap3A_600], %swap3A_603 {strides = array<i32>} : memref<400x64xf32, #tpu.memory_space<vmem>>, vector<1x16xf32>,
        %get3A_604 = arith.index_cast %add3A_587 : i32 to index
        %get3A_605 = arith.constant 16 : index
        %get3A_606 = tpu.vector_load %arg10[%get3A_604, %get3A_605] {strides = array<i32>} : memref<400x128xf32, #tpu.memory_space<vmem>>, vector<1x16xf32>,
        %get3A_607 = vector.shape_cast %get3A_606 : vector<1x16xf32> to vector<16xf32>
        %get3A_608 = arith.index_cast %add3A_589 : i32 to index
        %get3A_609 = arith.constant 16 : index
        %get3A_610 = tpu.vector_load %arg12[%get3A_608, %get3A_609] {strides = array<i32>} : memref<200x64xf32, #tpu.memory_space<vmem>>, vector<1x16xf32>,
        %get3A_611 = vector.shape_cast %get3A_610 : vector<1x16xf32> to vector<16xf32>
        %add3A_612 = arith.addf %get3A_607, %get3A_611 : vector<16xf32>
        %swap3A_613 = arith.index_cast %add3A_587 : i32 to index
        %swap3A_614 = arith.constant 16 : index
        %swap3A_615 = tpu.vector_load %arg11[%swap3A_613, %swap3A_614] {strides = array<i32>} : memref<400x64xf32, #tpu.memory_space<vmem>>, vector<1x16xf32>,
        %swap3A_616 = vector.shape_cast %swap3A_615 : vector<1x16xf32> to vector<16xf32>
        %swap3A_617 = vector.shape_cast %add3A_612 : vector<16xf32> to vector<1x16xf32>
        tpu.vector_store %arg11[%swap3A_613, %swap3A_614], %swap3A_617 {strides = array<i32>} : memref<400x64xf32, #tpu.memory_space<vmem>>, vector<1x16xf32>,
        %get3A_618 = arith.index_cast %add3A_587 : i32 to index
        %get3A_619 = arith.constant 32 : index
        %get3A_620 = tpu.vector_load %arg10[%get3A_618, %get3A_619] {strides = array<i32>} : memref<400x128xf32, #tpu.memory_space<vmem>>, vector<1x16xf32>,
        %get3A_621 = vector.shape_cast %get3A_620 : vector<1x16xf32> to vector<16xf32>
        %get3A_622 = arith.index_cast %add3A_589 : i32 to index
        %get3A_623 = arith.constant 32 : index
        %get3A_624 = tpu.vector_load %arg12[%get3A_622, %get3A_623] {strides = array<i32>} : memref<200x64xf32, #tpu.memory_space<vmem>>, vector<1x16xf32>,
        %get3A_625 = vector.shape_cast %get3A_624 : vector<1x16xf32> to vector<16xf32>
        %add3A_626 = arith.addf %get3A_621, %get3A_625 : vector<16xf32>
        %swap3A_627 = arith.index_cast %add3A_587 : i32 to index
        %swap3A_628 = arith.constant 32 : index
        %swap3A_629 = tpu.vector_load %arg11[%swap3A_627, %swap3A_628] {strides = array<i32>} : memref<400x64xf32, #tpu.memory_space<vmem>>, vector<1x16xf32>,
        %swap3A_630 = vector.shape_cast %swap3A_629 : vector<1x16xf32> to vector<16xf32>
        %swap3A_631 = vector.shape_cast %add3A_626 : vector<16xf32> to vector<1x16xf32>
        tpu.vector_store %arg11[%swap3A_627, %swap3A_628], %swap3A_631 {strides = array<i32>} : memref<400x64xf32, #tpu.memory_space<vmem>>, vector<1x16xf32>,
        %get3A_632 = arith.index_cast %add3A_587 : i32 to index
        %get3A_633 = arith.constant 48 : index
        %get3A_634 = tpu.vector_load %arg10[%get3A_632, %get3A_633] {strides = array<i32>} : memref<400x128xf32, #tpu.memory_space<vmem>>, vector<1x16xf32>,
        %get3A_635 = vector.shape_cast %get3A_634 : vector<1x16xf32> to vector<16xf32>
        %get3A_636 = arith.index_cast %add3A_589 : i32 to index
        %get3A_637 = arith.constant 48 : index
        %get3A_638 = tpu.vector_load %arg12[%get3A_636, %get3A_637] {strides = array<i32>} : memref<200x64xf32, #tpu.memory_space<vmem>>, vector<1x16xf32>,
        %get3A_639 = vector.shape_cast %get3A_638 : vector<1x16xf32> to vector<16xf32>
        %add3A_640 = arith.addf %get3A_635, %get3A_639 : vector<16xf32>
        %swap3A_641 = arith.index_cast %add3A_587 : i32 to index
        %swap3A_642 = arith.constant 48 : index
        %swap3A_643 = tpu.vector_load %arg11[%swap3A_641, %swap3A_642] {strides = array<i32>} : memref<400x64xf32, #tpu.memory_space<vmem>>, vector<1x16xf32>,
        %swap3A_644 = vector.shape_cast %swap3A_643 : vector<1x16xf32> to vector<16xf32>
        %swap3A_645 = vector.shape_cast %add3A_640 : vector<16xf32> to vector<1x16xf32>
        tpu.vector_store %arg11[%swap3A_641, %swap3A_642], %swap3A_645 {strides = array<i32>} : memref<400x64xf32, #tpu.memory_space<vmem>>, vector<1x16xf32>,
      }
      %scan3A_375 = arith.constant 40 : i32
      %add3A_376 = arith.constant 1 : i32
      %add3A_377 = arith.addi %add3A_288, %add3A_376 : i32
      %lt3A_378 = arith.constant 64 : i32
      %lt3A_379 = arith.cmpi slt, %add3A_377, %lt3A_378 : i32
      %convert_element_type3A_380 = arith.extui %lt3A_379 : i1 to i32
      %cond3A_381 = arith.constant 0 : i32
      %cond3A_382 = arith.cmpi ne, %convert_element_type3A_380, %cond3A_381 : i32
      scf.if %cond3A_382 {
        %dma_start3A_585 = arith.constant 2 : i32
        %dma_start3A_586 = arith.constant 160 : i32
        %dma_start3A_587 = arith.constant 0 : i32
        %dma_start3A_588 = tpu.memref_slice %arg10[%dma_start3A_586, %dma_start3A_587] : memref<400x128xf32, #tpu.memory_space<vmem>> -> memref<80x128xf32, #tpu.memory_space<vmem>>
        %dma_start3A_589 = arith.constant 0 : i32
        %dma_start3A_590 = tpu.memref_slice %arg9[%dma_start3A_585, %dma_start3A_589] : memref<5x80xi32, #tpu.memory_space<vmem>> -> memref<1x80xi32, #tpu.memory_space<vmem>>
        %dma_start3A_591 = tpu.memref_squeeze %dma_start3A_590 : memref<1x80xi32, #tpu.memory_space<vmem>> -> memref<80xi32, #tpu.memory_space<vmem>>
        %dma_start3A_592 = arith.constant 0 : i32
        %dma_start3A_593 = arith.constant 0 : i32
        %dma_start3A_594 = tpu.memref_slice %arg3[%dma_start3A_592, %dma_start3A_593] : memref<1000000x128xf32, #tpu.memory_space<hbm>> -> memref<1000000x128xf32, #tpu.memory_space<hbm>>
        tpu.enqueue_indirect_dma source(%dma_start3A_594 : memref<1000000x128xf32, #tpu.memory_space<hbm>>) target(%dma_start3A_588 : memref<80x128xf32, #tpu.memory_space<vmem>>) offsets(%dma_start3A_591 : memref<80xi32, #tpu.memory_space<vmem>>) semaphore(%arg17 : memref<!tpu.dma_semaphore, #tpu.memory_space<semaphore_mem>>)
      } else {
      }
      %dma_wait3A_383 = arith.constant 240 : i32
      %dma_wait3A_384 = arith.constant 0 : i32
      %dma_wait3A_385 = tpu.memref_slice %arg10[%dma_wait3A_383, %dma_wait3A_384] : memref<400x128xf32, #tpu.memory_space<vmem>> -> memref<80x128xf32, #tpu.memory_space<vmem>>
      %dma_wait3A_386 = arith.constant 0 : i32
      %dma_wait3A_387 = arith.constant 0 : i32
      %dma_wait3A_388 = tpu.memref_slice %arg3[%dma_wait3A_386, %dma_wait3A_387] : memref<1000000x128xf32, #tpu.memory_space<hbm>> -> memref<80x128xf32, #tpu.memory_space<hbm>>
      %dma_wait3A_389 = arith.constant 240 : i32
      %dma_wait3A_390 = arith.constant 0 : i32
      %dma_wait3A_391 = tpu.memref_slice %arg10[%dma_wait3A_389, %dma_wait3A_390] : memref<400x128xf32, #tpu.memory_space<vmem>> -> memref<80x128xf32, #tpu.memory_space<vmem>>
      %dma_wait3A_392 = arith.constant 0 : i32
      %dma_wait3A_393 = arith.constant 0 : i32
      %dma_wait3A_394 = tpu.memref_slice %arg3[%dma_wait3A_392, %dma_wait3A_393] : memref<1000000x128xf32, #tpu.memory_space<hbm>> -> memref<80x128xf32, #tpu.memory_space<hbm>>
      tpu.wait_dma2 semaphore(%arg18 : memref<!tpu.dma_semaphore, #tpu.memory_space<semaphore_mem>>) src(%dma_wait3A_394 : memref<80x128xf32, #tpu.memory_space<hbm>>) dst(%dma_wait3A_391 : memref<80x128xf32, #tpu.memory_space<vmem>>)
      %scan3A_395 = arith.constant 0 : i32
      %scan3A_396 = arith.constant 0 : i32
      %scan3A_397 = arith.constant 80 : i32
      %scan3A_398 = arith.addi %scan3A_396, %scan3A_397 : i32
      %scan3A_399 = arith.constant 1 : i32
      scf.for %scan3A_585 = %scan3A_396 to %scan3A_398 step %scan3A_399  : i32 {
        %add3A_586 = arith.constant 240 : i32
        %add3A_587 = arith.addi %add3A_586, %scan3A_585 : i32
        %add3A_588 = arith.constant 40 : i32
        %add3A_589 = arith.addi %add3A_588, %scan3A_585 : i32
        %get3A_590 = arith.index_cast %add3A_587 : i32 to index
        %get3A_591 = arith.constant 0 : index
        %get3A_592 = tpu.vector_load %arg10[%get3A_590, %get3A_591] {strides = array<i32>} : memref<400x128xf32, #tpu.memory_space<vmem>>, vector<1x16xf32>,
        %get3A_593 = vector.shape_cast %get3A_592 : vector<1x16xf32> to vector<16xf32>
        %get3A_594 = arith.index_cast %add3A_589 : i32 to index
        %get3A_595 = arith.constant 0 : index
        %get3A_596 = tpu.vector_load %arg12[%get3A_594, %get3A_595] {strides = array<i32>} : memref<200x64xf32, #tpu.memory_space<vmem>>, vector<1x16xf32>,
        %get3A_597 = vector.shape_cast %get3A_596 : vector<1x16xf32> to vector<16xf32>
        %add3A_598 = arith.addf %get3A_593, %get3A_597 : vector<16xf32>
        %swap3A_599 = arith.index_cast %add3A_587 : i32 to index
        %swap3A_600 = arith.constant 0 : index
        %swap3A_601 = tpu.vector_load %arg11[%swap3A_599, %swap3A_600] {strides = array<i32>} : memref<400x64xf32, #tpu.memory_space<vmem>>, vector<1x16xf32>,
        %swap3A_602 = vector.shape_cast %swap3A_601 : vector<1x16xf32> to vector<16xf32>
        %swap3A_603 = vector.shape_cast %add3A_598 : vector<16xf32> to vector<1x16xf32>
        tpu.vector_store %arg11[%swap3A_599, %swap3A_600], %swap3A_603 {strides = array<i32>} : memref<400x64xf32, #tpu.memory_space<vmem>>, vector<1x16xf32>,
        %get3A_604 = arith.index_cast %add3A_587 : i32 to index
        %get3A_605 = arith.constant 16 : index
        %get3A_606 = tpu.vector_load %arg10[%get3A_604, %get3A_605] {strides = array<i32>} : memref<400x128xf32, #tpu.memory_space<vmem>>, vector<1x16xf32>,
        %get3A_607 = vector.shape_cast %get3A_606 : vector<1x16xf32> to vector<16xf32>
        %get3A_608 = arith.index_cast %add3A_589 : i32 to index
        %get3A_609 = arith.constant 16 : index
        %get3A_610 = tpu.vector_load %arg12[%get3A_608, %get3A_609] {strides = array<i32>} : memref<200x64xf32, #tpu.memory_space<vmem>>, vector<1x16xf32>,
        %get3A_611 = vector.shape_cast %get3A_610 : vector<1x16xf32> to vector<16xf32>
        %add3A_612 = arith.addf %get3A_607, %get3A_611 : vector<16xf32>
        %swap3A_613 = arith.index_cast %add3A_587 : i32 to index
        %swap3A_614 = arith.constant 16 : index
        %swap3A_615 = tpu.vector_load %arg11[%swap3A_613, %swap3A_614] {strides = array<i32>} : memref<400x64xf32, #tpu.memory_space<vmem>>, vector<1x16xf32>,
        %swap3A_616 = vector.shape_cast %swap3A_615 : vector<1x16xf32> to vector<16xf32>
        %swap3A_617 = vector.shape_cast %add3A_612 : vector<16xf32> to vector<1x16xf32>
        tpu.vector_store %arg11[%swap3A_613, %swap3A_614], %swap3A_617 {strides = array<i32>} : memref<400x64xf32, #tpu.memory_space<vmem>>, vector<1x16xf32>,
        %get3A_618 = arith.index_cast %add3A_587 : i32 to index
        %get3A_619 = arith.constant 32 : index
        %get3A_620 = tpu.vector_load %arg10[%get3A_618, %get3A_619] {strides = array<i32>} : memref<400x128xf32, #tpu.memory_space<vmem>>, vector<1x16xf32>,
        %get3A_621 = vector.shape_cast %get3A_620 : vector<1x16xf32> to vector<16xf32>
        %get3A_622 = arith.index_cast %add3A_589 : i32 to index
        %get3A_623 = arith.constant 32 : index
        %get3A_624 = tpu.vector_load %arg12[%get3A_622, %get3A_623] {strides = array<i32>} : memref<200x64xf32, #tpu.memory_space<vmem>>, vector<1x16xf32>,
        %get3A_625 = vector.shape_cast %get3A_624 : vector<1x16xf32> to vector<16xf32>
        %add3A_626 = arith.addf %get3A_621, %get3A_625 : vector<16xf32>
        %swap3A_627 = arith.index_cast %add3A_587 : i32 to index
        %swap3A_628 = arith.constant 32 : index
        %swap3A_629 = tpu.vector_load %arg11[%swap3A_627, %swap3A_628] {strides = array<i32>} : memref<400x64xf32, #tpu.memory_space<vmem>>, vector<1x16xf32>,
        %swap3A_630 = vector.shape_cast %swap3A_629 : vector<1x16xf32> to vector<16xf32>
        %swap3A_631 = vector.shape_cast %add3A_626 : vector<16xf32> to vector<1x16xf32>
        tpu.vector_store %arg11[%swap3A_627, %swap3A_628], %swap3A_631 {strides = array<i32>} : memref<400x64xf32, #tpu.memory_space<vmem>>, vector<1x16xf32>,
        %get3A_632 = arith.index_cast %add3A_587 : i32 to index
        %get3A_633 = arith.constant 48 : index
        %get3A_634 = tpu.vector_load %arg10[%get3A_632, %get3A_633] {strides = array<i32>} : memref<400x128xf32, #tpu.memory_space<vmem>>, vector<1x16xf32>,
        %get3A_635 = vector.shape_cast %get3A_634 : vector<1x16xf32> to vector<16xf32>
        %get3A_636 = arith.index_cast %add3A_589 : i32 to index
        %get3A_637 = arith.constant 48 : index
        %get3A_638 = tpu.vector_load %arg12[%get3A_636, %get3A_637] {strides = array<i32>} : memref<200x64xf32, #tpu.memory_space<vmem>>, vector<1x16xf32>,
        %get3A_639 = vector.shape_cast %get3A_638 : vector<1x16xf32> to vector<16xf32>
        %add3A_640 = arith.addf %get3A_635, %get3A_639 : vector<16xf32>
        %swap3A_641 = arith.index_cast %add3A_587 : i32 to index
        %swap3A_642 = arith.constant 48 : index
        %swap3A_643 = tpu.vector_load %arg11[%swap3A_641, %swap3A_642] {strides = array<i32>} : memref<400x64xf32, #tpu.memory_space<vmem>>, vector<1x16xf32>,
        %swap3A_644 = vector.shape_cast %swap3A_643 : vector<1x16xf32> to vector<16xf32>
        %swap3A_645 = vector.shape_cast %add3A_640 : vector<16xf32> to vector<1x16xf32>
        tpu.vector_store %arg11[%swap3A_641, %swap3A_642], %swap3A_645 {strides = array<i32>} : memref<400x64xf32, #tpu.memory_space<vmem>>, vector<1x16xf32>,
      }
      %scan3A_400 = arith.constant 80 : i32
      %add3A_401 = arith.constant 1 : i32
      %add3A_402 = arith.addi %add3A_288, %add3A_401 : i32
      %lt3A_403 = arith.constant 64 : i32
      %lt3A_404 = arith.cmpi slt, %add3A_402, %lt3A_403 : i32
      %convert_element_type3A_405 = arith.extui %lt3A_404 : i1 to i32
      %cond3A_406 = arith.constant 0 : i32
      %cond3A_407 = arith.cmpi ne, %convert_element_type3A_405, %cond3A_406 : i32
      scf.if %cond3A_407 {
        %dma_start3A_585 = arith.constant 3 : i32
        %dma_start3A_586 = arith.constant 240 : i32
        %dma_start3A_587 = arith.constant 0 : i32
        %dma_start3A_588 = tpu.memref_slice %arg10[%dma_start3A_586, %dma_start3A_587] : memref<400x128xf32, #tpu.memory_space<vmem>> -> memref<80x128xf32, #tpu.memory_space<vmem>>
        %dma_start3A_589 = arith.constant 0 : i32
        %dma_start3A_590 = tpu.memref_slice %arg9[%dma_start3A_585, %dma_start3A_589] : memref<5x80xi32, #tpu.memory_space<vmem>> -> memref<1x80xi32, #tpu.memory_space<vmem>>
        %dma_start3A_591 = tpu.memref_squeeze %dma_start3A_590 : memref<1x80xi32, #tpu.memory_space<vmem>> -> memref<80xi32, #tpu.memory_space<vmem>>
        %dma_start3A_592 = arith.constant 0 : i32
        %dma_start3A_593 = arith.constant 0 : i32
        %dma_start3A_594 = tpu.memref_slice %arg3[%dma_start3A_592, %dma_start3A_593] : memref<1000000x128xf32, #tpu.memory_space<hbm>> -> memref<1000000x128xf32, #tpu.memory_space<hbm>>
        tpu.enqueue_indirect_dma source(%dma_start3A_594 : memref<1000000x128xf32, #tpu.memory_space<hbm>>) target(%dma_start3A_588 : memref<80x128xf32, #tpu.memory_space<vmem>>) offsets(%dma_start3A_591 : memref<80xi32, #tpu.memory_space<vmem>>) semaphore(%arg18 : memref<!tpu.dma_semaphore, #tpu.memory_space<semaphore_mem>>)
      } else {
      }
      %dma_wait3A_408 = arith.constant 320 : i32
      %dma_wait3A_409 = arith.constant 0 : i32
      %dma_wait3A_410 = tpu.memref_slice %arg10[%dma_wait3A_408, %dma_wait3A_409] : memref<400x128xf32, #tpu.memory_space<vmem>> -> memref<80x128xf32, #tpu.memory_space<vmem>>
      %dma_wait3A_411 = arith.constant 0 : i32
      %dma_wait3A_412 = arith.constant 0 : i32
      %dma_wait3A_413 = tpu.memref_slice %arg3[%dma_wait3A_411, %dma_wait3A_412] : memref<1000000x128xf32, #tpu.memory_space<hbm>> -> memref<80x128xf32, #tpu.memory_space<hbm>>
      %dma_wait3A_414 = arith.constant 320 : i32
      %dma_wait3A_415 = arith.constant 0 : i32
      %dma_wait3A_416 = tpu.memref_slice %arg10[%dma_wait3A_414, %dma_wait3A_415] : memref<400x128xf32, #tpu.memory_space<vmem>> -> memref<80x128xf32, #tpu.memory_space<vmem>>
      %dma_wait3A_417 = arith.constant 0 : i32
      %dma_wait3A_418 = arith.constant 0 : i32
      %dma_wait3A_419 = tpu.memref_slice %arg3[%dma_wait3A_417, %dma_wait3A_418] : memref<1000000x128xf32, #tpu.memory_space<hbm>> -> memref<80x128xf32, #tpu.memory_space<hbm>>
      tpu.wait_dma2 semaphore(%arg19 : memref<!tpu.dma_semaphore, #tpu.memory_space<semaphore_mem>>) src(%dma_wait3A_419 : memref<80x128xf32, #tpu.memory_space<hbm>>) dst(%dma_wait3A_416 : memref<80x128xf32, #tpu.memory_space<vmem>>)
      %scan3A_420 = arith.constant 0 : i32
      %scan3A_421 = arith.constant 0 : i32
      %scan3A_422 = arith.constant 80 : i32
      %scan3A_423 = arith.addi %scan3A_421, %scan3A_422 : i32
      %scan3A_424 = arith.constant 1 : i32
      scf.for %scan3A_585 = %scan3A_421 to %scan3A_423 step %scan3A_424  : i32 {
        %add3A_586 = arith.constant 320 : i32
        %add3A_587 = arith.addi %add3A_586, %scan3A_585 : i32
        %add3A_588 = arith.constant 120 : i32
        %add3A_589 = arith.addi %add3A_588, %scan3A_585 : i32
        %get3A_590 = arith.index_cast %add3A_587 : i32 to index
        %get3A_591 = arith.constant 0 : index
        %get3A_592 = tpu.vector_load %arg10[%get3A_590, %get3A_591] {strides = array<i32>} : memref<400x128xf32, #tpu.memory_space<vmem>>, vector<1x16xf32>,
        %get3A_593 = vector.shape_cast %get3A_592 : vector<1x16xf32> to vector<16xf32>
        %get3A_594 = arith.index_cast %add3A_589 : i32 to index
        %get3A_595 = arith.constant 0 : index
        %get3A_596 = tpu.vector_load %arg12[%get3A_594, %get3A_595] {strides = array<i32>} : memref<200x64xf32, #tpu.memory_space<vmem>>, vector<1x16xf32>,
        %get3A_597 = vector.shape_cast %get3A_596 : vector<1x16xf32> to vector<16xf32>
        %add3A_598 = arith.addf %get3A_593, %get3A_597 : vector<16xf32>
        %swap3A_599 = arith.index_cast %add3A_587 : i32 to index
        %swap3A_600 = arith.constant 0 : index
        %swap3A_601 = tpu.vector_load %arg11[%swap3A_599, %swap3A_600] {strides = array<i32>} : memref<400x64xf32, #tpu.memory_space<vmem>>, vector<1x16xf32>,
        %swap3A_602 = vector.shape_cast %swap3A_601 : vector<1x16xf32> to vector<16xf32>
        %swap3A_603 = vector.shape_cast %add3A_598 : vector<16xf32> to vector<1x16xf32>
        tpu.vector_store %arg11[%swap3A_599, %swap3A_600], %swap3A_603 {strides = array<i32>} : memref<400x64xf32, #tpu.memory_space<vmem>>, vector<1x16xf32>,
        %get3A_604 = arith.index_cast %add3A_587 : i32 to index
        %get3A_605 = arith.constant 16 : index
        %get3A_606 = tpu.vector_load %arg10[%get3A_604, %get3A_605] {strides = array<i32>} : memref<400x128xf32, #tpu.memory_space<vmem>>, vector<1x16xf32>,
        %get3A_607 = vector.shape_cast %get3A_606 : vector<1x16xf32> to vector<16xf32>
        %get3A_608 = arith.index_cast %add3A_589 : i32 to index
        %get3A_609 = arith.constant 16 : index
        %get3A_610 = tpu.vector_load %arg12[%get3A_608, %get3A_609] {strides = array<i32>} : memref<200x64xf32, #tpu.memory_space<vmem>>, vector<1x16xf32>,
        %get3A_611 = vector.shape_cast %get3A_610 : vector<1x16xf32> to vector<16xf32>
        %add3A_612 = arith.addf %get3A_607, %get3A_611 : vector<16xf32>
        %swap3A_613 = arith.index_cast %add3A_587 : i32 to index
        %swap3A_614 = arith.constant 16 : index
        %swap3A_615 = tpu.vector_load %arg11[%swap3A_613, %swap3A_614] {strides = array<i32>} : memref<400x64xf32, #tpu.memory_space<vmem>>, vector<1x16xf32>,
        %swap3A_616 = vector.shape_cast %swap3A_615 : vector<1x16xf32> to vector<16xf32>
        %swap3A_617 = vector.shape_cast %add3A_612 : vector<16xf32> to vector<1x16xf32>
        tpu.vector_store %arg11[%swap3A_613, %swap3A_614], %swap3A_617 {strides = array<i32>} : memref<400x64xf32, #tpu.memory_space<vmem>>, vector<1x16xf32>,
        %get3A_618 = arith.index_cast %add3A_587 : i32 to index
        %get3A_619 = arith.constant 32 : index
        %get3A_620 = tpu.vector_load %arg10[%get3A_618, %get3A_619] {strides = array<i32>} : memref<400x128xf32, #tpu.memory_space<vmem>>, vector<1x16xf32>,
        %get3A_621 = vector.shape_cast %get3A_620 : vector<1x16xf32> to vector<16xf32>
        %get3A_622 = arith.index_cast %add3A_589 : i32 to index
        %get3A_623 = arith.constant 32 : index
        %get3A_624 = tpu.vector_load %arg12[%get3A_622, %get3A_623] {strides = array<i32>} : memref<200x64xf32, #tpu.memory_space<vmem>>, vector<1x16xf32>,
        %get3A_625 = vector.shape_cast %get3A_624 : vector<1x16xf32> to vector<16xf32>
        %add3A_626 = arith.addf %get3A_621, %get3A_625 : vector<16xf32>
        %swap3A_627 = arith.index_cast %add3A_587 : i32 to index
        %swap3A_628 = arith.constant 32 : index
        %swap3A_629 = tpu.vector_load %arg11[%swap3A_627, %swap3A_628] {strides = array<i32>} : memref<400x64xf32, #tpu.memory_space<vmem>>, vector<1x16xf32>,
        %swap3A_630 = vector.shape_cast %swap3A_629 : vector<1x16xf32> to vector<16xf32>
        %swap3A_631 = vector.shape_cast %add3A_626 : vector<16xf32> to vector<1x16xf32>
        tpu.vector_store %arg11[%swap3A_627, %swap3A_628], %swap3A_631 {strides = array<i32>} : memref<400x64xf32, #tpu.memory_space<vmem>>, vector<1x16xf32>,
        %get3A_632 = arith.index_cast %add3A_587 : i32 to index
        %get3A_633 = arith.constant 48 : index
        %get3A_634 = tpu.vector_load %arg10[%get3A_632, %get3A_633] {strides = array<i32>} : memref<400x128xf32, #tpu.memory_space<vmem>>, vector<1x16xf32>,
        %get3A_635 = vector.shape_cast %get3A_634 : vector<1x16xf32> to vector<16xf32>
        %get3A_636 = arith.index_cast %add3A_589 : i32 to index
        %get3A_637 = arith.constant 48 : index
        %get3A_638 = tpu.vector_load %arg12[%get3A_636, %get3A_637] {strides = array<i32>} : memref<200x64xf32, #tpu.memory_space<vmem>>, vector<1x16xf32>,
        %get3A_639 = vector.shape_cast %get3A_638 : vector<1x16xf32> to vector<16xf32>
        %add3A_640 = arith.addf %get3A_635, %get3A_639 : vector<16xf32>
        %swap3A_641 = arith.index_cast %add3A_587 : i32 to index
        %swap3A_642 = arith.constant 48 : index
        %swap3A_643 = tpu.vector_load %arg11[%swap3A_641, %swap3A_642] {strides = array<i32>} : memref<400x64xf32, #tpu.memory_space<vmem>>, vector<1x16xf32>,
        %swap3A_644 = vector.shape_cast %swap3A_643 : vector<1x16xf32> to vector<16xf32>
        %swap3A_645 = vector.shape_cast %add3A_640 : vector<16xf32> to vector<1x16xf32>
        tpu.vector_store %arg11[%swap3A_641, %swap3A_642], %swap3A_645 {strides = array<i32>} : memref<400x64xf32, #tpu.memory_space<vmem>>, vector<1x16xf32>,
      }
      %scan3A_425 = arith.constant 80 : i32
      %add3A_426 = arith.constant 1 : i32
      %add3A_427 = arith.addi %add3A_288, %add3A_426 : i32
      %lt3A_428 = arith.constant 64 : i32
      %lt3A_429 = arith.cmpi slt, %add3A_427, %lt3A_428 : i32
      %convert_element_type3A_430 = arith.extui %lt3A_429 : i1 to i32
      %cond3A_431 = arith.constant 0 : i32
      %cond3A_432 = arith.cmpi ne, %convert_element_type3A_430, %cond3A_431 : i32
      scf.if %cond3A_432 {
        %dma_start3A_585 = arith.constant 4 : i32
        %dma_start3A_586 = arith.constant 320 : i32
        %dma_start3A_587 = arith.constant 0 : i32
        %dma_start3A_588 = tpu.memref_slice %arg10[%dma_start3A_586, %dma_start3A_587] : memref<400x128xf32, #tpu.memory_space<vmem>> -> memref<80x128xf32, #tpu.memory_space<vmem>>
        %dma_start3A_589 = arith.constant 0 : i32
        %dma_start3A_590 = tpu.memref_slice %arg9[%dma_start3A_585, %dma_start3A_589] : memref<5x80xi32, #tpu.memory_space<vmem>> -> memref<1x80xi32, #tpu.memory_space<vmem>>
        %dma_start3A_591 = tpu.memref_squeeze %dma_start3A_590 : memref<1x80xi32, #tpu.memory_space<vmem>> -> memref<80xi32, #tpu.memory_space<vmem>>
        %dma_start3A_592 = arith.constant 0 : i32
        %dma_start3A_593 = arith.constant 0 : i32
        %dma_start3A_594 = tpu.memref_slice %arg3[%dma_start3A_592, %dma_start3A_593] : memref<1000000x128xf32, #tpu.memory_space<hbm>> -> memref<1000000x128xf32, #tpu.memory_space<hbm>>
        tpu.enqueue_indirect_dma source(%dma_start3A_594 : memref<1000000x128xf32, #tpu.memory_space<hbm>>) target(%dma_start3A_588 : memref<80x128xf32, #tpu.memory_space<vmem>>) offsets(%dma_start3A_591 : memref<80xi32, #tpu.memory_space<vmem>>) semaphore(%arg19 : memref<!tpu.dma_semaphore, #tpu.memory_space<semaphore_mem>>)
      } else {
      }
      "tpu.region"() ({
        %run_scoped3A = tpu.sem_alloc : memref<!tpu.dma_semaphore, #tpu.memory_space<semaphore_mem>>
        %dma_start3A_585 = arith.constant 0 : i32
        %dma_start3A_586 = tpu.memref_slice %arg5[%add3A_291, %dma_start3A_585] : memref<819200x64xf32, #tpu.memory_space<hbm>> -> memref<400x64xf32, #tpu.memory_space<hbm>>
        %dma_start3A_587 = arith.constant 0 : i32
        %dma_start3A_588 = tpu.memref_slice %arg5[%add3A_291, %dma_start3A_587] : memref<819200x64xf32, #tpu.memory_space<hbm>> -> memref<400x64xf32, #tpu.memory_space<hbm>>
        tpu.enqueue_dma source(%arg11 : memref<400x64xf32, #tpu.memory_space<vmem>>) target(%dma_start3A_588 : memref<400x64xf32, #tpu.memory_space<hbm>>) target_semaphore(%run_scoped3A : memref<!tpu.dma_semaphore, #tpu.memory_space<semaphore_mem>>)
        %dma_wait3A_589 = arith.constant 0 : i32
        %dma_wait3A_590 = tpu.memref_slice %arg5[%add3A_291, %dma_wait3A_589] : memref<819200x64xf32, #tpu.memory_space<hbm>> -> memref<400x64xf32, #tpu.memory_space<hbm>>
        %dma_wait3A_591 = arith.constant 0 : i32
        %dma_wait3A_592 = tpu.memref_slice %arg5[%add3A_291, %dma_wait3A_591] : memref<819200x64xf32, #tpu.memory_space<hbm>> -> memref<400x64xf32, #tpu.memory_space<hbm>>
        tpu.wait_dma2 semaphore(%run_scoped3A : memref<!tpu.dma_semaphore, #tpu.memory_space<semaphore_mem>>) src(%arg11 : memref<400x64xf32, #tpu.memory_space<vmem>>) dst(%dma_wait3A_592 : memref<400x64xf32, #tpu.memory_space<hbm>>)
        tpu.yield
      }) : () -> ()
      %mul3A_433 = arith.constant 2 : i32
      %mul3A_434 = arith.muli %mul3A_433, %scan3A_284 : i32
      %add3A_435 = arith.constant 1 : i32
      %add3A_436 = arith.addi %mul3A_434, %add3A_435 : i32
      %mul3A_437 = arith.constant 400 : i32
      %mul3A_438 = arith.muli %add3A_436, %mul3A_437 : i32
      %add3A_439 = arith.addi %mul3A_2, %mul3A_438 : i32
      %add3A_440 = arith.constant 1 : i32
      %add3A_441 = arith.addi %add3A_436, %add3A_440 : i32
      %lt3A_442 = arith.constant 64 : i32
      %lt3A_443 = arith.cmpi slt, %add3A_441, %lt3A_442 : i32
      %convert_element_type3A_444 = arith.extui %lt3A_443 : i1 to i32
      %cond3A_445 = arith.constant 0 : i32
      %cond3A_446 = arith.cmpi ne, %convert_element_type3A_444, %cond3A_445 : i32
      scf.if %cond3A_446 {
        %dma_wait3A_585 = tpu.memref_slice %arg2[%mul3A_2] : memref<819200xi32, #tpu.memory_space<hbm>> -> memref<400xi32, #tpu.memory_space<hbm>>
        %dma_wait3A_586 = tpu.memref_slice %arg2[%mul3A_2] : memref<819200xi32, #tpu.memory_space<hbm>> -> memref<400xi32, #tpu.memory_space<hbm>>
        tpu.wait_dma2 semaphore(%arg13 : memref<!tpu.dma_semaphore, #tpu.memory_space<semaphore_mem>>) src(%dma_wait3A_586 : memref<400xi32, #tpu.memory_space<hbm>>) dst(%arg6 : memref<400xi32, #tpu.memory_space<vmem>>)
        %get3A_587 = arith.constant 0 : index
        %get3A_588 = tpu.vector_load %arg6[%get3A_587] {strides = array<i32>} : memref<400xi32, #tpu.memory_space<vmem>>, vector<16xi32>,
        %get3A_589 = vector.shape_cast %get3A_588 : vector<16xi32> to vector<16xi32>
        %swap3A_590 = arith.constant 0 : i32
        %swap3A_591 = arith.index_cast %swap3A_590 : i32 to index
        %swap3A_592 = arith.constant 0 : index
        %swap3A_593 = tpu.vector_load %arg8[%swap3A_591, %swap3A_592] {strides = array<i32>} : memref<5x80xi32, #tpu.memory_space<vmem>>, vector<1x16xi32>,
        %swap3A_594 = vector.shape_cast %swap3A_593 : vector<1x16xi32> to vector<16xi32>
        %swap3A_595 = vector.shape_cast %get3A_589 : vector<16xi32> to vector<1x16xi32>
        tpu.vector_store %arg8[%swap3A_591, %swap3A_592], %swap3A_595 {strides = array<i32>} : memref<5x80xi32, #tpu.memory_space<vmem>>, vector<1x16xi32>,
        %get3A_596 = arith.constant 16 : index
        %get3A_597 = tpu.vector_load %arg6[%get3A_596] {strides = array<i32>} : memref<400xi32, #tpu.memory_space<vmem>>, vector<16xi32>,
        %get3A_598 = vector.shape_cast %get3A_597 : vector<16xi32> to vector<16xi32>
        %swap3A_599 = arith.constant 0 : i32
        %swap3A_600 = arith.index_cast %swap3A_599 : i32 to index
        %swap3A_601 = arith.constant 16 : index
        %swap3A_602 = tpu.vector_load %arg8[%swap3A_600, %swap3A_601] {strides = array<i32>} : memref<5x80xi32, #tpu.memory_space<vmem>>, vector<1x16xi32>,
        %swap3A_603 = vector.shape_cast %swap3A_602 : vector<1x16xi32> to vector<16xi32>
        %swap3A_604 = vector.shape_cast %get3A_598 : vector<16xi32> to vector<1x16xi32>
        tpu.vector_store %arg8[%swap3A_600, %swap3A_601], %swap3A_604 {strides = array<i32>} : memref<5x80xi32, #tpu.memory_space<vmem>>, vector<1x16xi32>,
        %get3A_605 = arith.constant 32 : index
        %get3A_606 = tpu.vector_load %arg6[%get3A_605] {strides = array<i32>} : memref<400xi32, #tpu.memory_space<vmem>>, vector<16xi32>,
        %get3A_607 = vector.shape_cast %get3A_606 : vector<16xi32> to vector<16xi32>
        %swap3A_608 = arith.constant 0 : i32
        %swap3A_609 = arith.index_cast %swap3A_608 : i32 to index
        %swap3A_610 = arith.constant 32 : index
        %swap3A_611 = tpu.vector_load %arg8[%swap3A_609, %swap3A_610] {strides = array<i32>} : memref<5x80xi32, #tpu.memory_space<vmem>>, vector<1x16xi32>,
        %swap3A_612 = vector.shape_cast %swap3A_611 : vector<1x16xi32> to vector<16xi32>
        %swap3A_613 = vector.shape_cast %get3A_607 : vector<16xi32> to vector<1x16xi32>
        tpu.vector_store %arg8[%swap3A_609, %swap3A_610], %swap3A_613 {strides = array<i32>} : memref<5x80xi32, #tpu.memory_space<vmem>>, vector<1x16xi32>,
        %get3A_614 = arith.constant 48 : index
        %get3A_615 = tpu.vector_load %arg6[%get3A_614] {strides = array<i32>} : memref<400xi32, #tpu.memory_space<vmem>>, vector<16xi32>,
        %get3A_616 = vector.shape_cast %get3A_615 : vector<16xi32> to vector<16xi32>
        %swap3A_617 = arith.constant 0 : i32
        %swap3A_618 = arith.index_cast %swap3A_617 : i32 to index
        %swap3A_619 = arith.constant 48 : index
        %swap3A_620 = tpu.vector_load %arg8[%swap3A_618, %swap3A_619] {strides = array<i32>} : memref<5x80xi32, #tpu.memory_space<vmem>>, vector<1x16xi32>,
        %swap3A_621 = vector.shape_cast %swap3A_620 : vector<1x16xi32> to vector<16xi32>
        %swap3A_622 = vector.shape_cast %get3A_616 : vector<16xi32> to vector<1x16xi32>
        tpu.vector_store %arg8[%swap3A_618, %swap3A_619], %swap3A_622 {strides = array<i32>} : memref<5x80xi32, #tpu.memory_space<vmem>>, vector<1x16xi32>,
        %get3A_623 = arith.constant 64 : index
        %get3A_624 = tpu.vector_load %arg6[%get3A_623] {strides = array<i32>} : memref<400xi32, #tpu.memory_space<vmem>>, vector<16xi32>,
        %get3A_625 = vector.shape_cast %get3A_624 : vector<16xi32> to vector<16xi32>
        %swap3A_626 = arith.constant 0 : i32
        %swap3A_627 = arith.index_cast %swap3A_626 : i32 to index
        %swap3A_628 = arith.constant 64 : index
        %swap3A_629 = tpu.vector_load %arg8[%swap3A_627, %swap3A_628] {strides = array<i32>} : memref<5x80xi32, #tpu.memory_space<vmem>>, vector<1x16xi32>,
        %swap3A_630 = vector.shape_cast %swap3A_629 : vector<1x16xi32> to vector<16xi32>
        %swap3A_631 = vector.shape_cast %get3A_625 : vector<16xi32> to vector<1x16xi32>
        tpu.vector_store %arg8[%swap3A_627, %swap3A_628], %swap3A_631 {strides = array<i32>} : memref<5x80xi32, #tpu.memory_space<vmem>>, vector<1x16xi32>,
        %get3A_632 = arith.constant 80 : index
        %get3A_633 = tpu.vector_load %arg6[%get3A_632] {strides = array<i32>} : memref<400xi32, #tpu.memory_space<vmem>>, vector<16xi32>,
        %get3A_634 = vector.shape_cast %get3A_633 : vector<16xi32> to vector<16xi32>
        %swap3A_635 = arith.constant 1 : i32
        %swap3A_636 = arith.index_cast %swap3A_635 : i32 to index
        %swap3A_637 = arith.constant 0 : index
        %swap3A_638 = tpu.vector_load %arg8[%swap3A_636, %swap3A_637] {strides = array<i32>} : memref<5x80xi32, #tpu.memory_space<vmem>>, vector<1x16xi32>,
        %swap3A_639 = vector.shape_cast %swap3A_638 : vector<1x16xi32> to vector<16xi32>
        %swap3A_640 = vector.shape_cast %get3A_634 : vector<16xi32> to vector<1x16xi32>
        tpu.vector_store %arg8[%swap3A_636, %swap3A_637], %swap3A_640 {strides = array<i32>} : memref<5x80xi32, #tpu.memory_space<vmem>>, vector<1x16xi32>,
        %get3A_641 = arith.constant 96 : index
        %get3A_642 = tpu.vector_load %arg6[%get3A_641] {strides = array<i32>} : memref<400xi32, #tpu.memory_space<vmem>>, vector<16xi32>,
        %get3A_643 = vector.shape_cast %get3A_642 : vector<16xi32> to vector<16xi32>
        %swap3A_644 = arith.constant 1 : i32
        %swap3A_645 = arith.index_cast %swap3A_644 : i32 to index
        %swap3A_646 = arith.constant 16 : index
        %swap3A_647 = tpu.vector_load %arg8[%swap3A_645, %swap3A_646] {strides = array<i32>} : memref<5x80xi32, #tpu.memory_space<vmem>>, vector<1x16xi32>,
        %swap3A_648 = vector.shape_cast %swap3A_647 : vector<1x16xi32> to vector<16xi32>
        %swap3A_649 = vector.shape_cast %get3A_643 : vector<16xi32> to vector<1x16xi32>
        tpu.vector_store %arg8[%swap3A_645, %swap3A_646], %swap3A_649 {strides = array<i32>} : memref<5x80xi32, #tpu.memory_space<vmem>>, vector<1x16xi32>,
        %get3A_650 = arith.constant 112 : index
        %get3A_651 = tpu.vector_load %arg6[%get3A_650] {strides = array<i32>} : memref<400xi32, #tpu.memory_space<vmem>>, vector<16xi32>,
        %get3A_652 = vector.shape_cast %get3A_651 : vector<16xi32> to vector<16xi32>
        %swap3A_653 = arith.constant 1 : i32
        %swap3A_654 = arith.index_cast %swap3A_653 : i32 to index
        %swap3A_655 = arith.constant 32 : index
        %swap3A_656 = tpu.vector_load %arg8[%swap3A_654, %swap3A_655] {strides = array<i32>} : memref<5x80xi32, #tpu.memory_space<vmem>>, vector<1x16xi32>,
        %swap3A_657 = vector.shape_cast %swap3A_656 : vector<1x16xi32> to vector<16xi32>
        %swap3A_658 = vector.shape_cast %get3A_652 : vector<16xi32> to vector<1x16xi32>
        tpu.vector_store %arg8[%swap3A_654, %swap3A_655], %swap3A_658 {strides = array<i32>} : memref<5x80xi32, #tpu.memory_space<vmem>>, vector<1x16xi32>,
        %get3A_659 = arith.constant 128 : index
        %get3A_660 = tpu.vector_load %arg6[%get3A_659] {strides = array<i32>} : memref<400xi32, #tpu.memory_space<vmem>>, vector<16xi32>,
        %get3A_661 = vector.shape_cast %get3A_660 : vector<16xi32> to vector<16xi32>
        %swap3A_662 = arith.constant 1 : i32
        %swap3A_663 = arith.index_cast %swap3A_662 : i32 to index
        %swap3A_664 = arith.constant 48 : index
        %swap3A_665 = tpu.vector_load %arg8[%swap3A_663, %swap3A_664] {strides = array<i32>} : memref<5x80xi32, #tpu.memory_space<vmem>>, vector<1x16xi32>,
        %swap3A_666 = vector.shape_cast %swap3A_665 : vector<1x16xi32> to vector<16xi32>
        %swap3A_667 = vector.shape_cast %get3A_661 : vector<16xi32> to vector<1x16xi32>
        tpu.vector_store %arg8[%swap3A_663, %swap3A_664], %swap3A_667 {strides = array<i32>} : memref<5x80xi32, #tpu.memory_space<vmem>>, vector<1x16xi32>,
        %get3A_668 = arith.constant 144 : index
        %get3A_669 = tpu.vector_load %arg6[%get3A_668] {strides = array<i32>} : memref<400xi32, #tpu.memory_space<vmem>>, vector<16xi32>,
        %get3A_670 = vector.shape_cast %get3A_669 : vector<16xi32> to vector<16xi32>
        %swap3A_671 = arith.constant 1 : i32
        %swap3A_672 = arith.index_cast %swap3A_671 : i32 to index
        %swap3A_673 = arith.constant 64 : index
        %swap3A_674 = tpu.vector_load %arg8[%swap3A_672, %swap3A_673] {strides = array<i32>} : memref<5x80xi32, #tpu.memory_space<vmem>>, vector<1x16xi32>,
        %swap3A_675 = vector.shape_cast %swap3A_674 : vector<1x16xi32> to vector<16xi32>
        %swap3A_676 = vector.shape_cast %get3A_670 : vector<16xi32> to vector<1x16xi32>
        tpu.vector_store %arg8[%swap3A_672, %swap3A_673], %swap3A_676 {strides = array<i32>} : memref<5x80xi32, #tpu.memory_space<vmem>>, vector<1x16xi32>,
        %get3A_677 = arith.constant 160 : index
        %get3A_678 = tpu.vector_load %arg6[%get3A_677] {strides = array<i32>} : memref<400xi32, #tpu.memory_space<vmem>>, vector<16xi32>,
        %get3A_679 = vector.shape_cast %get3A_678 : vector<16xi32> to vector<16xi32>
        %swap3A_680 = arith.constant 2 : i32
        %swap3A_681 = arith.index_cast %swap3A_680 : i32 to index
        %swap3A_682 = arith.constant 0 : index
        %swap3A_683 = tpu.vector_load %arg8[%swap3A_681, %swap3A_682] {strides = array<i32>} : memref<5x80xi32, #tpu.memory_space<vmem>>, vector<1x16xi32>,
        %swap3A_684 = vector.shape_cast %swap3A_683 : vector<1x16xi32> to vector<16xi32>
        %swap3A_685 = vector.shape_cast %get3A_679 : vector<16xi32> to vector<1x16xi32>
        tpu.vector_store %arg8[%swap3A_681, %swap3A_682], %swap3A_685 {strides = array<i32>} : memref<5x80xi32, #tpu.memory_space<vmem>>, vector<1x16xi32>,
        %get3A_686 = arith.constant 176 : index
        %get3A_687 = tpu.vector_load %arg6[%get3A_686] {strides = array<i32>} : memref<400xi32, #tpu.memory_space<vmem>>, vector<16xi32>,
        %get3A_688 = vector.shape_cast %get3A_687 : vector<16xi32> to vector<16xi32>
        %swap3A_689 = arith.constant 2 : i32
        %swap3A_690 = arith.index_cast %swap3A_689 : i32 to index
        %swap3A_691 = arith.constant 16 : index
        %swap3A_692 = tpu.vector_load %arg8[%swap3A_690, %swap3A_691] {strides = array<i32>} : memref<5x80xi32, #tpu.memory_space<vmem>>, vector<1x16xi32>,
        %swap3A_693 = vector.shape_cast %swap3A_692 : vector<1x16xi32> to vector<16xi32>
        %swap3A_694 = vector.shape_cast %get3A_688 : vector<16xi32> to vector<1x16xi32>
        tpu.vector_store %arg8[%swap3A_690, %swap3A_691], %swap3A_694 {strides = array<i32>} : memref<5x80xi32, #tpu.memory_space<vmem>>, vector<1x16xi32>,
        %get3A_695 = arith.constant 192 : index
        %get3A_696 = tpu.vector_load %arg6[%get3A_695] {strides = array<i32>} : memref<400xi32, #tpu.memory_space<vmem>>, vector<16xi32>,
        %get3A_697 = vector.shape_cast %get3A_696 : vector<16xi32> to vector<16xi32>
        %swap3A_698 = arith.constant 2 : i32
        %swap3A_699 = arith.index_cast %swap3A_698 : i32 to index
        %swap3A_700 = arith.constant 32 : index
        %swap3A_701 = tpu.vector_load %arg8[%swap3A_699, %swap3A_700] {strides = array<i32>} : memref<5x80xi32, #tpu.memory_space<vmem>>, vector<1x16xi32>,
        %swap3A_702 = vector.shape_cast %swap3A_701 : vector<1x16xi32> to vector<16xi32>
        %swap3A_703 = vector.shape_cast %get3A_697 : vector<16xi32> to vector<1x16xi32>
        tpu.vector_store %arg8[%swap3A_699, %swap3A_700], %swap3A_703 {strides = array<i32>} : memref<5x80xi32, #tpu.memory_space<vmem>>, vector<1x16xi32>,
        %get3A_704 = arith.constant 208 : index
        %get3A_705 = tpu.vector_load %arg6[%get3A_704] {strides = array<i32>} : memref<400xi32, #tpu.memory_space<vmem>>, vector<16xi32>,
        %get3A_706 = vector.shape_cast %get3A_705 : vector<16xi32> to vector<16xi32>
        %swap3A_707 = arith.constant 2 : i32
        %swap3A_708 = arith.index_cast %swap3A_707 : i32 to index
        %swap3A_709 = arith.constant 48 : index
        %swap3A_710 = tpu.vector_load %arg8[%swap3A_708, %swap3A_709] {strides = array<i32>} : memref<5x80xi32, #tpu.memory_space<vmem>>, vector<1x16xi32>,
        %swap3A_711 = vector.shape_cast %swap3A_710 : vector<1x16xi32> to vector<16xi32>
        %swap3A_712 = vector.shape_cast %get3A_706 : vector<16xi32> to vector<1x16xi32>
        tpu.vector_store %arg8[%swap3A_708, %swap3A_709], %swap3A_712 {strides = array<i32>} : memref<5x80xi32, #tpu.memory_space<vmem>>, vector<1x16xi32>,
        %get3A_713 = arith.constant 224 : index
        %get3A_714 = tpu.vector_load %arg6[%get3A_713] {strides = array<i32>} : memref<400xi32, #tpu.memory_space<vmem>>, vector<16xi32>,
        %get3A_715 = vector.shape_cast %get3A_714 : vector<16xi32> to vector<16xi32>
        %swap3A_716 = arith.constant 2 : i32
        %swap3A_717 = arith.index_cast %swap3A_716 : i32 to index
        %swap3A_718 = arith.constant 64 : index
        %swap3A_719 = tpu.vector_load %arg8[%swap3A_717, %swap3A_718] {strides = array<i32>} : memref<5x80xi32, #tpu.memory_space<vmem>>, vector<1x16xi32>,
        %swap3A_720 = vector.shape_cast %swap3A_719 : vector<1x16xi32> to vector<16xi32>
        %swap3A_721 = vector.shape_cast %get3A_715 : vector<16xi32> to vector<1x16xi32>
        tpu.vector_store %arg8[%swap3A_717, %swap3A_718], %swap3A_721 {strides = array<i32>} : memref<5x80xi32, #tpu.memory_space<vmem>>, vector<1x16xi32>,
        %get3A_722 = arith.constant 240 : index
        %get3A_723 = tpu.vector_load %arg6[%get3A_722] {strides = array<i32>} : memref<400xi32, #tpu.memory_space<vmem>>, vector<16xi32>,
        %get3A_724 = vector.shape_cast %get3A_723 : vector<16xi32> to vector<16xi32>
        %swap3A_725 = arith.constant 3 : i32
        %swap3A_726 = arith.index_cast %swap3A_725 : i32 to index
        %swap3A_727 = arith.constant 0 : index
        %swap3A_728 = tpu.vector_load %arg8[%swap3A_726, %swap3A_727] {strides = array<i32>} : memref<5x80xi32, #tpu.memory_space<vmem>>, vector<1x16xi32>,
        %swap3A_729 = vector.shape_cast %swap3A_728 : vector<1x16xi32> to vector<16xi32>
        %swap3A_730 = vector.shape_cast %get3A_724 : vector<16xi32> to vector<1x16xi32>
        tpu.vector_store %arg8[%swap3A_726, %swap3A_727], %swap3A_730 {strides = array<i32>} : memref<5x80xi32, #tpu.memory_space<vmem>>, vector<1x16xi32>,
        %get3A_731 = arith.constant 256 : index
        %get3A_732 = tpu.vector_load %arg6[%get3A_731] {strides = array<i32>} : memref<400xi32, #tpu.memory_space<vmem>>, vector<16xi32>,
        %get3A_733 = vector.shape_cast %get3A_732 : vector<16xi32> to vector<16xi32>
        %swap3A_734 = arith.constant 3 : i32
        %swap3A_735 = arith.index_cast %swap3A_734 : i32 to index
        %swap3A_736 = arith.constant 16 : index
        %swap3A_737 = tpu.vector_load %arg8[%swap3A_735, %swap3A_736] {strides = array<i32>} : memref<5x80xi32, #tpu.memory_space<vmem>>, vector<1x16xi32>,
        %swap3A_738 = vector.shape_cast %swap3A_737 : vector<1x16xi32> to vector<16xi32>
        %swap3A_739 = vector.shape_cast %get3A_733 : vector<16xi32> to vector<1x16xi32>
        tpu.vector_store %arg8[%swap3A_735, %swap3A_736], %swap3A_739 {strides = array<i32>} : memref<5x80xi32, #tpu.memory_space<vmem>>, vector<1x16xi32>,
        %get3A_740 = arith.constant 272 : index
        %get3A_741 = tpu.vector_load %arg6[%get3A_740] {strides = array<i32>} : memref<400xi32, #tpu.memory_space<vmem>>, vector<16xi32>,
        %get3A_742 = vector.shape_cast %get3A_741 : vector<16xi32> to vector<16xi32>
        %swap3A_743 = arith.constant 3 : i32
        %swap3A_744 = arith.index_cast %swap3A_743 : i32 to index
        %swap3A_745 = arith.constant 32 : index
        %swap3A_746 = tpu.vector_load %arg8[%swap3A_744, %swap3A_745] {strides = array<i32>} : memref<5x80xi32, #tpu.memory_space<vmem>>, vector<1x16xi32>,
        %swap3A_747 = vector.shape_cast %swap3A_746 : vector<1x16xi32> to vector<16xi32>
        %swap3A_748 = vector.shape_cast %get3A_742 : vector<16xi32> to vector<1x16xi32>
        tpu.vector_store %arg8[%swap3A_744, %swap3A_745], %swap3A_748 {strides = array<i32>} : memref<5x80xi32, #tpu.memory_space<vmem>>, vector<1x16xi32>,
        %get3A_749 = arith.constant 288 : index
        %get3A_750 = tpu.vector_load %arg6[%get3A_749] {strides = array<i32>} : memref<400xi32, #tpu.memory_space<vmem>>, vector<16xi32>,
        %get3A_751 = vector.shape_cast %get3A_750 : vector<16xi32> to vector<16xi32>
        %swap3A_752 = arith.constant 3 : i32
        %swap3A_753 = arith.index_cast %swap3A_752 : i32 to index
        %swap3A_754 = arith.constant 48 : index
        %swap3A_755 = tpu.vector_load %arg8[%swap3A_753, %swap3A_754] {strides = array<i32>} : memref<5x80xi32, #tpu.memory_space<vmem>>, vector<1x16xi32>,
        %swap3A_756 = vector.shape_cast %swap3A_755 : vector<1x16xi32> to vector<16xi32>
        %swap3A_757 = vector.shape_cast %get3A_751 : vector<16xi32> to vector<1x16xi32>
        tpu.vector_store %arg8[%swap3A_753, %swap3A_754], %swap3A_757 {strides = array<i32>} : memref<5x80xi32, #tpu.memory_space<vmem>>, vector<1x16xi32>,
        %get3A_758 = arith.constant 304 : index
        %get3A_759 = tpu.vector_load %arg6[%get3A_758] {strides = array<i32>} : memref<400xi32, #tpu.memory_space<vmem>>, vector<16xi32>,
        %get3A_760 = vector.shape_cast %get3A_759 : vector<16xi32> to vector<16xi32>
        %swap3A_761 = arith.constant 3 : i32
        %swap3A_762 = arith.index_cast %swap3A_761 : i32 to index
        %swap3A_763 = arith.constant 64 : index
        %swap3A_764 = tpu.vector_load %arg8[%swap3A_762, %swap3A_763] {strides = array<i32>} : memref<5x80xi32, #tpu.memory_space<vmem>>, vector<1x16xi32>,
        %swap3A_765 = vector.shape_cast %swap3A_764 : vector<1x16xi32> to vector<16xi32>
        %swap3A_766 = vector.shape_cast %get3A_760 : vector<16xi32> to vector<1x16xi32>
        tpu.vector_store %arg8[%swap3A_762, %swap3A_763], %swap3A_766 {strides = array<i32>} : memref<5x80xi32, #tpu.memory_space<vmem>>, vector<1x16xi32>,
        %get3A_767 = arith.constant 320 : index
        %get3A_768 = tpu.vector_load %arg6[%get3A_767] {strides = array<i32>} : memref<400xi32, #tpu.memory_space<vmem>>, vector<16xi32>,
        %get3A_769 = vector.shape_cast %get3A_768 : vector<16xi32> to vector<16xi32>
        %swap3A_770 = arith.constant 4 : i32
        %swap3A_771 = arith.index_cast %swap3A_770 : i32 to index
        %swap3A_772 = arith.constant 0 : index
        %swap3A_773 = tpu.vector_load %arg8[%swap3A_771, %swap3A_772] {strides = array<i32>} : memref<5x80xi32, #tpu.memory_space<vmem>>, vector<1x16xi32>,
        %swap3A_774 = vector.shape_cast %swap3A_773 : vector<1x16xi32> to vector<16xi32>
        %swap3A_775 = vector.shape_cast %get3A_769 : vector<16xi32> to vector<1x16xi32>
        tpu.vector_store %arg8[%swap3A_771, %swap3A_772], %swap3A_775 {strides = array<i32>} : memref<5x80xi32, #tpu.memory_space<vmem>>, vector<1x16xi32>,
        %get3A_776 = arith.constant 336 : index
        %get3A_777 = tpu.vector_load %arg6[%get3A_776] {strides = array<i32>} : memref<400xi32, #tpu.memory_space<vmem>>, vector<16xi32>,
        %get3A_778 = vector.shape_cast %get3A_777 : vector<16xi32> to vector<16xi32>
        %swap3A_779 = arith.constant 4 : i32
        %swap3A_780 = arith.index_cast %swap3A_779 : i32 to index
        %swap3A_781 = arith.constant 16 : index
        %swap3A_782 = tpu.vector_load %arg8[%swap3A_780, %swap3A_781] {strides = array<i32>} : memref<5x80xi32, #tpu.memory_space<vmem>>, vector<1x16xi32>,
        %swap3A_783 = vector.shape_cast %swap3A_782 : vector<1x16xi32> to vector<16xi32>
        %swap3A_784 = vector.shape_cast %get3A_778 : vector<16xi32> to vector<1x16xi32>
        tpu.vector_store %arg8[%swap3A_780, %swap3A_781], %swap3A_784 {strides = array<i32>} : memref<5x80xi32, #tpu.memory_space<vmem>>, vector<1x16xi32>,
        %get3A_785 = arith.constant 352 : index
        %get3A_786 = tpu.vector_load %arg6[%get3A_785] {strides = array<i32>} : memref<400xi32, #tpu.memory_space<vmem>>, vector<16xi32>,
        %get3A_787 = vector.shape_cast %get3A_786 : vector<16xi32> to vector<16xi32>
        %swap3A_788 = arith.constant 4 : i32
        %swap3A_789 = arith.index_cast %swap3A_788 : i32 to index
        %swap3A_790 = arith.constant 32 : index
        %swap3A_791 = tpu.vector_load %arg8[%swap3A_789, %swap3A_790] {strides = array<i32>} : memref<5x80xi32, #tpu.memory_space<vmem>>, vector<1x16xi32>,
        %swap3A_792 = vector.shape_cast %swap3A_791 : vector<1x16xi32> to vector<16xi32>
        %swap3A_793 = vector.shape_cast %get3A_787 : vector<16xi32> to vector<1x16xi32>
        tpu.vector_store %arg8[%swap3A_789, %swap3A_790], %swap3A_793 {strides = array<i32>} : memref<5x80xi32, #tpu.memory_space<vmem>>, vector<1x16xi32>,
        %get3A_794 = arith.constant 368 : index
        %get3A_795 = tpu.vector_load %arg6[%get3A_794] {strides = array<i32>} : memref<400xi32, #tpu.memory_space<vmem>>, vector<16xi32>,
        %get3A_796 = vector.shape_cast %get3A_795 : vector<16xi32> to vector<16xi32>
        %swap3A_797 = arith.constant 4 : i32
        %swap3A_798 = arith.index_cast %swap3A_797 : i32 to index
        %swap3A_799 = arith.constant 48 : index
        %swap3A_800 = tpu.vector_load %arg8[%swap3A_798, %swap3A_799] {strides = array<i32>} : memref<5x80xi32, #tpu.memory_space<vmem>>, vector<1x16xi32>,
        %swap3A_801 = vector.shape_cast %swap3A_800 : vector<1x16xi32> to vector<16xi32>
        %swap3A_802 = vector.shape_cast %get3A_796 : vector<16xi32> to vector<1x16xi32>
        tpu.vector_store %arg8[%swap3A_798, %swap3A_799], %swap3A_802 {strides = array<i32>} : memref<5x80xi32, #tpu.memory_space<vmem>>, vector<1x16xi32>,
        %get3A_803 = arith.constant 384 : index
        %get3A_804 = tpu.vector_load %arg6[%get3A_803] {strides = array<i32>} : memref<400xi32, #tpu.memory_space<vmem>>, vector<16xi32>,
        %get3A_805 = vector.shape_cast %get3A_804 : vector<16xi32> to vector<16xi32>
        %swap3A_806 = arith.constant 4 : i32
        %swap3A_807 = arith.index_cast %swap3A_806 : i32 to index
        %swap3A_808 = arith.constant 64 : index
        %swap3A_809 = tpu.vector_load %arg8[%swap3A_807, %swap3A_808] {strides = array<i32>} : memref<5x80xi32, #tpu.memory_space<vmem>>, vector<1x16xi32>,
        %swap3A_810 = vector.shape_cast %swap3A_809 : vector<1x16xi32> to vector<16xi32>
        %swap3A_811 = vector.shape_cast %get3A_805 : vector<16xi32> to vector<1x16xi32>
        tpu.vector_store %arg8[%swap3A_807, %swap3A_808], %swap3A_811 {strides = array<i32>} : memref<5x80xi32, #tpu.memory_space<vmem>>, vector<1x16xi32>,
      } else {
      }
      %add3A_447 = arith.constant 2 : i32
      %add3A_448 = arith.addi %add3A_436, %add3A_447 : i32
      %lt3A_449 = arith.constant 64 : i32
      %lt3A_450 = arith.cmpi slt, %add3A_448, %lt3A_449 : i32
      %convert_element_type3A_451 = arith.extui %lt3A_450 : i1 to i32
      %cond3A_452 = arith.constant 0 : i32
      %cond3A_453 = arith.cmpi ne, %convert_element_type3A_451, %cond3A_452 : i32
      scf.if %cond3A_453 {
        %add3A_585 = arith.constant 800 : i32
        %add3A_586 = arith.addi %add3A_439, %add3A_585 : i32
        %dma_start3A_587 = tpu.memref_slice %arg2[%add3A_586] : memref<819200xi32, #tpu.memory_space<hbm>> -> memref<400xi32, #tpu.memory_space<hbm>>
        %dma_start3A_588 = tpu.memref_slice %arg2[%add3A_586] : memref<819200xi32, #tpu.memory_space<hbm>> -> memref<400xi32, #tpu.memory_space<hbm>>
        tpu.enqueue_dma source(%dma_start3A_588 : memref<400xi32, #tpu.memory_space<hbm>>) target(%arg7 : memref<400xi32, #tpu.memory_space<vmem>>) target_semaphore(%arg14 : memref<!tpu.dma_semaphore, #tpu.memory_space<semaphore_mem>>)
      } else {
      }
      %dma_wait3A_454 = arith.constant 0 : i32
      %dma_wait3A_455 = arith.constant 0 : i32
      %dma_wait3A_456 = tpu.memref_slice %arg10[%dma_wait3A_454, %dma_wait3A_455] : memref<400x128xf32, #tpu.memory_space<vmem>> -> memref<80x128xf32, #tpu.memory_space<vmem>>
      %dma_wait3A_457 = arith.constant 0 : i32
      %dma_wait3A_458 = arith.constant 0 : i32
      %dma_wait3A_459 = tpu.memref_slice %arg3[%dma_wait3A_457, %dma_wait3A_458] : memref<1000000x128xf32, #tpu.memory_space<hbm>> -> memref<80x128xf32, #tpu.memory_space<hbm>>
      %dma_wait3A_460 = arith.constant 0 : i32
      %dma_wait3A_461 = arith.constant 0 : i32
      %dma_wait3A_462 = tpu.memref_slice %arg10[%dma_wait3A_460, %dma_wait3A_461] : memref<400x128xf32, #tpu.memory_space<vmem>> -> memref<80x128xf32, #tpu.memory_space<vmem>>
      %dma_wait3A_463 = arith.constant 0 : i32
      %dma_wait3A_464 = arith.constant 0 : i32
      %dma_wait3A_465 = tpu.memref_slice %arg3[%dma_wait3A_463, %dma_wait3A_464] : memref<1000000x128xf32, #tpu.memory_space<hbm>> -> memref<80x128xf32, #tpu.memory_space<hbm>>
      tpu.wait_dma2 semaphore(%arg15 : memref<!tpu.dma_semaphore, #tpu.memory_space<semaphore_mem>>) src(%dma_wait3A_465 : memref<80x128xf32, #tpu.memory_space<hbm>>) dst(%dma_wait3A_462 : memref<80x128xf32, #tpu.memory_space<vmem>>)
      %scan3A_466 = arith.constant 0 : i32
      %scan3A_467 = arith.constant 0 : i32
      %scan3A_468 = arith.constant 80 : i32
      %scan3A_469 = arith.addi %scan3A_467, %scan3A_468 : i32
      %scan3A_470 = arith.constant 1 : i32
      scf.for %scan3A_585 = %scan3A_467 to %scan3A_469 step %scan3A_470  : i32 {
        %add3A_586 = arith.constant 0 : i32
        %add3A_587 = arith.addi %add3A_586, %scan3A_585 : i32
        %add3A_588 = arith.constant 0 : i32
        %add3A_589 = arith.addi %add3A_588, %scan3A_585 : i32
        %get3A_590 = arith.index_cast %add3A_587 : i32 to index
        %get3A_591 = arith.constant 0 : index
        %get3A_592 = tpu.vector_load %arg10[%get3A_590, %get3A_591] {strides = array<i32>} : memref<400x128xf32, #tpu.memory_space<vmem>>, vector<1x16xf32>,
        %get3A_593 = vector.shape_cast %get3A_592 : vector<1x16xf32> to vector<16xf32>
        %get3A_594 = arith.index_cast %add3A_589 : i32 to index
        %get3A_595 = arith.constant 0 : index
        %get3A_596 = tpu.vector_load %arg12[%get3A_594, %get3A_595] {strides = array<i32>} : memref<200x64xf32, #tpu.memory_space<vmem>>, vector<1x16xf32>,
        %get3A_597 = vector.shape_cast %get3A_596 : vector<1x16xf32> to vector<16xf32>
        %add3A_598 = arith.addf %get3A_593, %get3A_597 : vector<16xf32>
        %swap3A_599 = arith.index_cast %add3A_587 : i32 to index
        %swap3A_600 = arith.constant 0 : index
        %swap3A_601 = tpu.vector_load %arg11[%swap3A_599, %swap3A_600] {strides = array<i32>} : memref<400x64xf32, #tpu.memory_space<vmem>>, vector<1x16xf32>,
        %swap3A_602 = vector.shape_cast %swap3A_601 : vector<1x16xf32> to vector<16xf32>
        %swap3A_603 = vector.shape_cast %add3A_598 : vector<16xf32> to vector<1x16xf32>
        tpu.vector_store %arg11[%swap3A_599, %swap3A_600], %swap3A_603 {strides = array<i32>} : memref<400x64xf32, #tpu.memory_space<vmem>>, vector<1x16xf32>,
        %get3A_604 = arith.index_cast %add3A_587 : i32 to index
        %get3A_605 = arith.constant 16 : index
        %get3A_606 = tpu.vector_load %arg10[%get3A_604, %get3A_605] {strides = array<i32>} : memref<400x128xf32, #tpu.memory_space<vmem>>, vector<1x16xf32>,
        %get3A_607 = vector.shape_cast %get3A_606 : vector<1x16xf32> to vector<16xf32>
        %get3A_608 = arith.index_cast %add3A_589 : i32 to index
        %get3A_609 = arith.constant 16 : index
        %get3A_610 = tpu.vector_load %arg12[%get3A_608, %get3A_609] {strides = array<i32>} : memref<200x64xf32, #tpu.memory_space<vmem>>, vector<1x16xf32>,
        %get3A_611 = vector.shape_cast %get3A_610 : vector<1x16xf32> to vector<16xf32>
        %add3A_612 = arith.addf %get3A_607, %get3A_611 : vector<16xf32>
        %swap3A_613 = arith.index_cast %add3A_587 : i32 to index
        %swap3A_614 = arith.constant 16 : index
        %swap3A_615 = tpu.vector_load %arg11[%swap3A_613, %swap3A_614] {strides = array<i32>} : memref<400x64xf32, #tpu.memory_space<vmem>>, vector<1x16xf32>,
        %swap3A_616 = vector.shape_cast %swap3A_615 : vector<1x16xf32> to vector<16xf32>
        %swap3A_617 = vector.shape_cast %add3A_612 : vector<16xf32> to vector<1x16xf32>
        tpu.vector_store %arg11[%swap3A_613, %swap3A_614], %swap3A_617 {strides = array<i32>} : memref<400x64xf32, #tpu.memory_space<vmem>>, vector<1x16xf32>,
        %get3A_618 = arith.index_cast %add3A_587 : i32 to index
        %get3A_619 = arith.constant 32 : index
        %get3A_620 = tpu.vector_load %arg10[%get3A_618, %get3A_619] {strides = array<i32>} : memref<400x128xf32, #tpu.memory_space<vmem>>, vector<1x16xf32>,
        %get3A_621 = vector.shape_cast %get3A_620 : vector<1x16xf32> to vector<16xf32>
        %get3A_622 = arith.index_cast %add3A_589 : i32 to index
        %get3A_623 = arith.constant 32 : index
        %get3A_624 = tpu.vector_load %arg12[%get3A_622, %get3A_623] {strides = array<i32>} : memref<200x64xf32, #tpu.memory_space<vmem>>, vector<1x16xf32>,
        %get3A_625 = vector.shape_cast %get3A_624 : vector<1x16xf32> to vector<16xf32>
        %add3A_626 = arith.addf %get3A_621, %get3A_625 : vector<16xf32>
        %swap3A_627 = arith.index_cast %add3A_587 : i32 to index
        %swap3A_628 = arith.constant 32 : index
        %swap3A_629 = tpu.vector_load %arg11[%swap3A_627, %swap3A_628] {strides = array<i32>} : memref<400x64xf32, #tpu.memory_space<vmem>>, vector<1x16xf32>,
        %swap3A_630 = vector.shape_cast %swap3A_629 : vector<1x16xf32> to vector<16xf32>
        %swap3A_631 = vector.shape_cast %add3A_626 : vector<16xf32> to vector<1x16xf32>
        tpu.vector_store %arg11[%swap3A_627, %swap3A_628], %swap3A_631 {strides = array<i32>} : memref<400x64xf32, #tpu.memory_space<vmem>>, vector<1x16xf32>,
        %get3A_632 = arith.index_cast %add3A_587 : i32 to index
        %get3A_633 = arith.constant 48 : index
        %get3A_634 = tpu.vector_load %arg10[%get3A_632, %get3A_633] {strides = array<i32>} : memref<400x128xf32, #tpu.memory_space<vmem>>, vector<1x16xf32>,
        %get3A_635 = vector.shape_cast %get3A_634 : vector<1x16xf32> to vector<16xf32>
        %get3A_636 = arith.index_cast %add3A_589 : i32 to index
        %get3A_637 = arith.constant 48 : index
        %get3A_638 = tpu.vector_load %arg12[%get3A_636, %get3A_637] {strides = array<i32>} : memref<200x64xf32, #tpu.memory_space<vmem>>, vector<1x16xf32>,
        %get3A_639 = vector.shape_cast %get3A_638 : vector<1x16xf32> to vector<16xf32>
        %add3A_640 = arith.addf %get3A_635, %get3A_639 : vector<16xf32>
        %swap3A_641 = arith.index_cast %add3A_587 : i32 to index
        %swap3A_642 = arith.constant 48 : index
        %swap3A_643 = tpu.vector_load %arg11[%swap3A_641, %swap3A_642] {strides = array<i32>} : memref<400x64xf32, #tpu.memory_space<vmem>>, vector<1x16xf32>,
        %swap3A_644 = vector.shape_cast %swap3A_643 : vector<1x16xf32> to vector<16xf32>
        %swap3A_645 = vector.shape_cast %add3A_640 : vector<16xf32> to vector<1x16xf32>
        tpu.vector_store %arg11[%swap3A_641, %swap3A_642], %swap3A_645 {strides = array<i32>} : memref<400x64xf32, #tpu.memory_space<vmem>>, vector<1x16xf32>,
      }
      %scan3A_471 = arith.constant 80 : i32
      %add3A_472 = arith.constant 1 : i32
      %add3A_473 = arith.addi %add3A_436, %add3A_472 : i32
      %lt3A_474 = arith.constant 64 : i32
      %lt3A_475 = arith.cmpi slt, %add3A_473, %lt3A_474 : i32
      %convert_element_type3A_476 = arith.extui %lt3A_475 : i1 to i32
      %cond3A_477 = arith.constant 0 : i32
      %cond3A_478 = arith.cmpi ne, %convert_element_type3A_476, %cond3A_477 : i32
      scf.if %cond3A_478 {
        %dma_start3A_585 = arith.constant 0 : i32
        %dma_start3A_586 = arith.constant 0 : i32
        %dma_start3A_587 = arith.constant 0 : i32
        %dma_start3A_588 = tpu.memref_slice %arg10[%dma_start3A_586, %dma_start3A_587] : memref<400x128xf32, #tpu.memory_space<vmem>> -> memref<80x128xf32, #tpu.memory_space<vmem>>
        %dma_start3A_589 = arith.constant 0 : i32
        %dma_start3A_590 = tpu.memref_slice %arg8[%dma_start3A_585, %dma_start3A_589] : memref<5x80xi32, #tpu.memory_space<vmem>> -> memref<1x80xi32, #tpu.memory_space<vmem>>
        %dma_start3A_591 = tpu.memref_squeeze %dma_start3A_590 : memref<1x80xi32, #tpu.memory_space<vmem>> -> memref<80xi32, #tpu.memory_space<vmem>>
        %dma_start3A_592 = arith.constant 0 : i32
        %dma_start3A_593 = arith.constant 0 : i32
        %dma_start3A_594 = tpu.memref_slice %arg3[%dma_start3A_592, %dma_start3A_593] : memref<1000000x128xf32, #tpu.memory_space<hbm>> -> memref<1000000x128xf32, #tpu.memory_space<hbm>>
        tpu.enqueue_indirect_dma source(%dma_start3A_594 : memref<1000000x128xf32, #tpu.memory_space<hbm>>) target(%dma_start3A_588 : memref<80x128xf32, #tpu.memory_space<vmem>>) offsets(%dma_start3A_591 : memref<80xi32, #tpu.memory_space<vmem>>) semaphore(%arg15 : memref<!tpu.dma_semaphore, #tpu.memory_space<semaphore_mem>>)
      } else {
      }
      %dma_wait3A_479 = arith.constant 80 : i32
      %dma_wait3A_480 = arith.constant 0 : i32
      %dma_wait3A_481 = tpu.memref_slice %arg10[%dma_wait3A_479, %dma_wait3A_480] : memref<400x128xf32, #tpu.memory_space<vmem>> -> memref<80x128xf32, #tpu.memory_space<vmem>>
      %dma_wait3A_482 = arith.constant 0 : i32
      %dma_wait3A_483 = arith.constant 0 : i32
      %dma_wait3A_484 = tpu.memref_slice %arg3[%dma_wait3A_482, %dma_wait3A_483] : memref<1000000x128xf32, #tpu.memory_space<hbm>> -> memref<80x128xf32, #tpu.memory_space<hbm>>
      %dma_wait3A_485 = arith.constant 80 : i32
      %dma_wait3A_486 = arith.constant 0 : i32
      %dma_wait3A_487 = tpu.memref_slice %arg10[%dma_wait3A_485, %dma_wait3A_486] : memref<400x128xf32, #tpu.memory_space<vmem>> -> memref<80x128xf32, #tpu.memory_space<vmem>>
      %dma_wait3A_488 = arith.constant 0 : i32
      %dma_wait3A_489 = arith.constant 0 : i32
      %dma_wait3A_490 = tpu.memref_slice %arg3[%dma_wait3A_488, %dma_wait3A_489] : memref<1000000x128xf32, #tpu.memory_space<hbm>> -> memref<80x128xf32, #tpu.memory_space<hbm>>
      tpu.wait_dma2 semaphore(%arg16 : memref<!tpu.dma_semaphore, #tpu.memory_space<semaphore_mem>>) src(%dma_wait3A_490 : memref<80x128xf32, #tpu.memory_space<hbm>>) dst(%dma_wait3A_487 : memref<80x128xf32, #tpu.memory_space<vmem>>)
      %scan3A_491 = arith.constant 0 : i32
      %scan3A_492 = arith.constant 0 : i32
      %scan3A_493 = arith.constant 80 : i32
      %scan3A_494 = arith.addi %scan3A_492, %scan3A_493 : i32
      %scan3A_495 = arith.constant 1 : i32
      scf.for %scan3A_585 = %scan3A_492 to %scan3A_494 step %scan3A_495  : i32 {
        %add3A_586 = arith.constant 80 : i32
        %add3A_587 = arith.addi %add3A_586, %scan3A_585 : i32
        %add3A_588 = arith.constant 80 : i32
        %add3A_589 = arith.addi %add3A_588, %scan3A_585 : i32
        %get3A_590 = arith.index_cast %add3A_587 : i32 to index
        %get3A_591 = arith.constant 0 : index
        %get3A_592 = tpu.vector_load %arg10[%get3A_590, %get3A_591] {strides = array<i32>} : memref<400x128xf32, #tpu.memory_space<vmem>>, vector<1x16xf32>,
        %get3A_593 = vector.shape_cast %get3A_592 : vector<1x16xf32> to vector<16xf32>
        %get3A_594 = arith.index_cast %add3A_589 : i32 to index
        %get3A_595 = arith.constant 0 : index
        %get3A_596 = tpu.vector_load %arg12[%get3A_594, %get3A_595] {strides = array<i32>} : memref<200x64xf32, #tpu.memory_space<vmem>>, vector<1x16xf32>,
        %get3A_597 = vector.shape_cast %get3A_596 : vector<1x16xf32> to vector<16xf32>
        %add3A_598 = arith.addf %get3A_593, %get3A_597 : vector<16xf32>
        %swap3A_599 = arith.index_cast %add3A_587 : i32 to index
        %swap3A_600 = arith.constant 0 : index
        %swap3A_601 = tpu.vector_load %arg11[%swap3A_599, %swap3A_600] {strides = array<i32>} : memref<400x64xf32, #tpu.memory_space<vmem>>, vector<1x16xf32>,
        %swap3A_602 = vector.shape_cast %swap3A_601 : vector<1x16xf32> to vector<16xf32>
        %swap3A_603 = vector.shape_cast %add3A_598 : vector<16xf32> to vector<1x16xf32>
        tpu.vector_store %arg11[%swap3A_599, %swap3A_600], %swap3A_603 {strides = array<i32>} : memref<400x64xf32, #tpu.memory_space<vmem>>, vector<1x16xf32>,
        %get3A_604 = arith.index_cast %add3A_587 : i32 to index
        %get3A_605 = arith.constant 16 : index
        %get3A_606 = tpu.vector_load %arg10[%get3A_604, %get3A_605] {strides = array<i32>} : memref<400x128xf32, #tpu.memory_space<vmem>>, vector<1x16xf32>,
        %get3A_607 = vector.shape_cast %get3A_606 : vector<1x16xf32> to vector<16xf32>
        %get3A_608 = arith.index_cast %add3A_589 : i32 to index
        %get3A_609 = arith.constant 16 : index
        %get3A_610 = tpu.vector_load %arg12[%get3A_608, %get3A_609] {strides = array<i32>} : memref<200x64xf32, #tpu.memory_space<vmem>>, vector<1x16xf32>,
        %get3A_611 = vector.shape_cast %get3A_610 : vector<1x16xf32> to vector<16xf32>
        %add3A_612 = arith.addf %get3A_607, %get3A_611 : vector<16xf32>
        %swap3A_613 = arith.index_cast %add3A_587 : i32 to index
        %swap3A_614 = arith.constant 16 : index
        %swap3A_615 = tpu.vector_load %arg11[%swap3A_613, %swap3A_614] {strides = array<i32>} : memref<400x64xf32, #tpu.memory_space<vmem>>, vector<1x16xf32>,
        %swap3A_616 = vector.shape_cast %swap3A_615 : vector<1x16xf32> to vector<16xf32>
        %swap3A_617 = vector.shape_cast %add3A_612 : vector<16xf32> to vector<1x16xf32>
        tpu.vector_store %arg11[%swap3A_613, %swap3A_614], %swap3A_617 {strides = array<i32>} : memref<400x64xf32, #tpu.memory_space<vmem>>, vector<1x16xf32>,
        %get3A_618 = arith.index_cast %add3A_587 : i32 to index
        %get3A_619 = arith.constant 32 : index
        %get3A_620 = tpu.vector_load %arg10[%get3A_618, %get3A_619] {strides = array<i32>} : memref<400x128xf32, #tpu.memory_space<vmem>>, vector<1x16xf32>,
        %get3A_621 = vector.shape_cast %get3A_620 : vector<1x16xf32> to vector<16xf32>
        %get3A_622 = arith.index_cast %add3A_589 : i32 to index
        %get3A_623 = arith.constant 32 : index
        %get3A_624 = tpu.vector_load %arg12[%get3A_622, %get3A_623] {strides = array<i32>} : memref<200x64xf32, #tpu.memory_space<vmem>>, vector<1x16xf32>,
        %get3A_625 = vector.shape_cast %get3A_624 : vector<1x16xf32> to vector<16xf32>
        %add3A_626 = arith.addf %get3A_621, %get3A_625 : vector<16xf32>
        %swap3A_627 = arith.index_cast %add3A_587 : i32 to index
        %swap3A_628 = arith.constant 32 : index
        %swap3A_629 = tpu.vector_load %arg11[%swap3A_627, %swap3A_628] {strides = array<i32>} : memref<400x64xf32, #tpu.memory_space<vmem>>, vector<1x16xf32>,
        %swap3A_630 = vector.shape_cast %swap3A_629 : vector<1x16xf32> to vector<16xf32>
        %swap3A_631 = vector.shape_cast %add3A_626 : vector<16xf32> to vector<1x16xf32>
        tpu.vector_store %arg11[%swap3A_627, %swap3A_628], %swap3A_631 {strides = array<i32>} : memref<400x64xf32, #tpu.memory_space<vmem>>, vector<1x16xf32>,
        %get3A_632 = arith.index_cast %add3A_587 : i32 to index
        %get3A_633 = arith.constant 48 : index
        %get3A_634 = tpu.vector_load %arg10[%get3A_632, %get3A_633] {strides = array<i32>} : memref<400x128xf32, #tpu.memory_space<vmem>>, vector<1x16xf32>,
        %get3A_635 = vector.shape_cast %get3A_634 : vector<1x16xf32> to vector<16xf32>
        %get3A_636 = arith.index_cast %add3A_589 : i32 to index
        %get3A_637 = arith.constant 48 : index
        %get3A_638 = tpu.vector_load %arg12[%get3A_636, %get3A_637] {strides = array<i32>} : memref<200x64xf32, #tpu.memory_space<vmem>>, vector<1x16xf32>,
        %get3A_639 = vector.shape_cast %get3A_638 : vector<1x16xf32> to vector<16xf32>
        %add3A_640 = arith.addf %get3A_635, %get3A_639 : vector<16xf32>
        %swap3A_641 = arith.index_cast %add3A_587 : i32 to index
        %swap3A_642 = arith.constant 48 : index
        %swap3A_643 = tpu.vector_load %arg11[%swap3A_641, %swap3A_642] {strides = array<i32>} : memref<400x64xf32, #tpu.memory_space<vmem>>, vector<1x16xf32>,
        %swap3A_644 = vector.shape_cast %swap3A_643 : vector<1x16xf32> to vector<16xf32>
        %swap3A_645 = vector.shape_cast %add3A_640 : vector<16xf32> to vector<1x16xf32>
        tpu.vector_store %arg11[%swap3A_641, %swap3A_642], %swap3A_645 {strides = array<i32>} : memref<400x64xf32, #tpu.memory_space<vmem>>, vector<1x16xf32>,
      }
      %scan3A_496 = arith.constant 80 : i32
      %add3A_497 = arith.constant 1 : i32
      %add3A_498 = arith.addi %add3A_436, %add3A_497 : i32
      %lt3A_499 = arith.constant 64 : i32
      %lt3A_500 = arith.cmpi slt, %add3A_498, %lt3A_499 : i32
      %convert_element_type3A_501 = arith.extui %lt3A_500 : i1 to i32
      %cond3A_502 = arith.constant 0 : i32
      %cond3A_503 = arith.cmpi ne, %convert_element_type3A_501, %cond3A_502 : i32
      scf.if %cond3A_503 {
        %dma_start3A_585 = arith.constant 1 : i32
        %dma_start3A_586 = arith.constant 80 : i32
        %dma_start3A_587 = arith.constant 0 : i32
        %dma_start3A_588 = tpu.memref_slice %arg10[%dma_start3A_586, %dma_start3A_587] : memref<400x128xf32, #tpu.memory_space<vmem>> -> memref<80x128xf32, #tpu.memory_space<vmem>>
        %dma_start3A_589 = arith.constant 0 : i32
        %dma_start3A_590 = tpu.memref_slice %arg8[%dma_start3A_585, %dma_start3A_589] : memref<5x80xi32, #tpu.memory_space<vmem>> -> memref<1x80xi32, #tpu.memory_space<vmem>>
        %dma_start3A_591 = tpu.memref_squeeze %dma_start3A_590 : memref<1x80xi32, #tpu.memory_space<vmem>> -> memref<80xi32, #tpu.memory_space<vmem>>
        %dma_start3A_592 = arith.constant 0 : i32
        %dma_start3A_593 = arith.constant 0 : i32
        %dma_start3A_594 = tpu.memref_slice %arg3[%dma_start3A_592, %dma_start3A_593] : memref<1000000x128xf32, #tpu.memory_space<hbm>> -> memref<1000000x128xf32, #tpu.memory_space<hbm>>
        tpu.enqueue_indirect_dma source(%dma_start3A_594 : memref<1000000x128xf32, #tpu.memory_space<hbm>>) target(%dma_start3A_588 : memref<80x128xf32, #tpu.memory_space<vmem>>) offsets(%dma_start3A_591 : memref<80xi32, #tpu.memory_space<vmem>>) semaphore(%arg16 : memref<!tpu.dma_semaphore, #tpu.memory_space<semaphore_mem>>)
      } else {
      }
      %dma_wait3A_504 = arith.constant 160 : i32
      %dma_wait3A_505 = arith.constant 0 : i32
      %dma_wait3A_506 = tpu.memref_slice %arg10[%dma_wait3A_504, %dma_wait3A_505] : memref<400x128xf32, #tpu.memory_space<vmem>> -> memref<80x128xf32, #tpu.memory_space<vmem>>
      %dma_wait3A_507 = arith.constant 0 : i32
      %dma_wait3A_508 = arith.constant 0 : i32
      %dma_wait3A_509 = tpu.memref_slice %arg3[%dma_wait3A_507, %dma_wait3A_508] : memref<1000000x128xf32, #tpu.memory_space<hbm>> -> memref<80x128xf32, #tpu.memory_space<hbm>>
      %dma_wait3A_510 = arith.constant 160 : i32
      %dma_wait3A_511 = arith.constant 0 : i32
      %dma_wait3A_512 = tpu.memref_slice %arg10[%dma_wait3A_510, %dma_wait3A_511] : memref<400x128xf32, #tpu.memory_space<vmem>> -> memref<80x128xf32, #tpu.memory_space<vmem>>
      %dma_wait3A_513 = arith.constant 0 : i32
      %dma_wait3A_514 = arith.constant 0 : i32
      %dma_wait3A_515 = tpu.memref_slice %arg3[%dma_wait3A_513, %dma_wait3A_514] : memref<1000000x128xf32, #tpu.memory_space<hbm>> -> memref<80x128xf32, #tpu.memory_space<hbm>>
      tpu.wait_dma2 semaphore(%arg17 : memref<!tpu.dma_semaphore, #tpu.memory_space<semaphore_mem>>) src(%dma_wait3A_515 : memref<80x128xf32, #tpu.memory_space<hbm>>) dst(%dma_wait3A_512 : memref<80x128xf32, #tpu.memory_space<vmem>>)
      %scan3A_516 = arith.constant 0 : i32
      %scan3A_517 = arith.constant 0 : i32
      %scan3A_518 = arith.constant 40 : i32
      %scan3A_519 = arith.addi %scan3A_517, %scan3A_518 : i32
      %scan3A_520 = arith.constant 1 : i32
      scf.for %scan3A_585 = %scan3A_517 to %scan3A_519 step %scan3A_520  : i32 {
        %add3A_586 = arith.constant 160 : i32
        %add3A_587 = arith.addi %add3A_586, %scan3A_585 : i32
        %add3A_588 = arith.constant 160 : i32
        %add3A_589 = arith.addi %add3A_588, %scan3A_585 : i32
        %get3A_590 = arith.index_cast %add3A_587 : i32 to index
        %get3A_591 = arith.constant 0 : index
        %get3A_592 = tpu.vector_load %arg10[%get3A_590, %get3A_591] {strides = array<i32>} : memref<400x128xf32, #tpu.memory_space<vmem>>, vector<1x16xf32>,
        %get3A_593 = vector.shape_cast %get3A_592 : vector<1x16xf32> to vector<16xf32>
        %get3A_594 = arith.index_cast %add3A_589 : i32 to index
        %get3A_595 = arith.constant 0 : index
        %get3A_596 = tpu.vector_load %arg12[%get3A_594, %get3A_595] {strides = array<i32>} : memref<200x64xf32, #tpu.memory_space<vmem>>, vector<1x16xf32>,
        %get3A_597 = vector.shape_cast %get3A_596 : vector<1x16xf32> to vector<16xf32>
        %add3A_598 = arith.addf %get3A_593, %get3A_597 : vector<16xf32>
        %swap3A_599 = arith.index_cast %add3A_587 : i32 to index
        %swap3A_600 = arith.constant 0 : index
        %swap3A_601 = tpu.vector_load %arg11[%swap3A_599, %swap3A_600] {strides = array<i32>} : memref<400x64xf32, #tpu.memory_space<vmem>>, vector<1x16xf32>,
        %swap3A_602 = vector.shape_cast %swap3A_601 : vector<1x16xf32> to vector<16xf32>
        %swap3A_603 = vector.shape_cast %add3A_598 : vector<16xf32> to vector<1x16xf32>
        tpu.vector_store %arg11[%swap3A_599, %swap3A_600], %swap3A_603 {strides = array<i32>} : memref<400x64xf32, #tpu.memory_space<vmem>>, vector<1x16xf32>,
        %get3A_604 = arith.index_cast %add3A_587 : i32 to index
        %get3A_605 = arith.constant 16 : index
        %get3A_606 = tpu.vector_load %arg10[%get3A_604, %get3A_605] {strides = array<i32>} : memref<400x128xf32, #tpu.memory_space<vmem>>, vector<1x16xf32>,
        %get3A_607 = vector.shape_cast %get3A_606 : vector<1x16xf32> to vector<16xf32>
        %get3A_608 = arith.index_cast %add3A_589 : i32 to index
        %get3A_609 = arith.constant 16 : index
        %get3A_610 = tpu.vector_load %arg12[%get3A_608, %get3A_609] {strides = array<i32>} : memref<200x64xf32, #tpu.memory_space<vmem>>, vector<1x16xf32>,
        %get3A_611 = vector.shape_cast %get3A_610 : vector<1x16xf32> to vector<16xf32>
        %add3A_612 = arith.addf %get3A_607, %get3A_611 : vector<16xf32>
        %swap3A_613 = arith.index_cast %add3A_587 : i32 to index
        %swap3A_614 = arith.constant 16 : index
        %swap3A_615 = tpu.vector_load %arg11[%swap3A_613, %swap3A_614] {strides = array<i32>} : memref<400x64xf32, #tpu.memory_space<vmem>>, vector<1x16xf32>,
        %swap3A_616 = vector.shape_cast %swap3A_615 : vector<1x16xf32> to vector<16xf32>
        %swap3A_617 = vector.shape_cast %add3A_612 : vector<16xf32> to vector<1x16xf32>
        tpu.vector_store %arg11[%swap3A_613, %swap3A_614], %swap3A_617 {strides = array<i32>} : memref<400x64xf32, #tpu.memory_space<vmem>>, vector<1x16xf32>,
        %get3A_618 = arith.index_cast %add3A_587 : i32 to index
        %get3A_619 = arith.constant 32 : index
        %get3A_620 = tpu.vector_load %arg10[%get3A_618, %get3A_619] {strides = array<i32>} : memref<400x128xf32, #tpu.memory_space<vmem>>, vector<1x16xf32>,
        %get3A_621 = vector.shape_cast %get3A_620 : vector<1x16xf32> to vector<16xf32>
        %get3A_622 = arith.index_cast %add3A_589 : i32 to index
        %get3A_623 = arith.constant 32 : index
        %get3A_624 = tpu.vector_load %arg12[%get3A_622, %get3A_623] {strides = array<i32>} : memref<200x64xf32, #tpu.memory_space<vmem>>, vector<1x16xf32>,
        %get3A_625 = vector.shape_cast %get3A_624 : vector<1x16xf32> to vector<16xf32>
        %add3A_626 = arith.addf %get3A_621, %get3A_625 : vector<16xf32>
        %swap3A_627 = arith.index_cast %add3A_587 : i32 to index
        %swap3A_628 = arith.constant 32 : index
        %swap3A_629 = tpu.vector_load %arg11[%swap3A_627, %swap3A_628] {strides = array<i32>} : memref<400x64xf32, #tpu.memory_space<vmem>>, vector<1x16xf32>,
        %swap3A_630 = vector.shape_cast %swap3A_629 : vector<1x16xf32> to vector<16xf32>
        %swap3A_631 = vector.shape_cast %add3A_626 : vector<16xf32> to vector<1x16xf32>
        tpu.vector_store %arg11[%swap3A_627, %swap3A_628], %swap3A_631 {strides = array<i32>} : memref<400x64xf32, #tpu.memory_space<vmem>>, vector<1x16xf32>,
        %get3A_632 = arith.index_cast %add3A_587 : i32 to index
        %get3A_633 = arith.constant 48 : index
        %get3A_634 = tpu.vector_load %arg10[%get3A_632, %get3A_633] {strides = array<i32>} : memref<400x128xf32, #tpu.memory_space<vmem>>, vector<1x16xf32>,
        %get3A_635 = vector.shape_cast %get3A_634 : vector<1x16xf32> to vector<16xf32>
        %get3A_636 = arith.index_cast %add3A_589 : i32 to index
        %get3A_637 = arith.constant 48 : index
        %get3A_638 = tpu.vector_load %arg12[%get3A_636, %get3A_637] {strides = array<i32>} : memref<200x64xf32, #tpu.memory_space<vmem>>, vector<1x16xf32>,
        %get3A_639 = vector.shape_cast %get3A_638 : vector<1x16xf32> to vector<16xf32>
        %add3A_640 = arith.addf %get3A_635, %get3A_639 : vector<16xf32>
        %swap3A_641 = arith.index_cast %add3A_587 : i32 to index
        %swap3A_642 = arith.constant 48 : index
        %swap3A_643 = tpu.vector_load %arg11[%swap3A_641, %swap3A_642] {strides = array<i32>} : memref<400x64xf32, #tpu.memory_space<vmem>>, vector<1x16xf32>,
        %swap3A_644 = vector.shape_cast %swap3A_643 : vector<1x16xf32> to vector<16xf32>
        %swap3A_645 = vector.shape_cast %add3A_640 : vector<16xf32> to vector<1x16xf32>
        tpu.vector_store %arg11[%swap3A_641, %swap3A_642], %swap3A_645 {strides = array<i32>} : memref<400x64xf32, #tpu.memory_space<vmem>>, vector<1x16xf32>,
      }
      %scan3A_521 = arith.constant 40 : i32
      %scan3A_522 = arith.constant 0 : i32
      %scan3A_523 = arith.constant 0 : i32
      %scan3A_524 = arith.constant 40 : i32
      %scan3A_525 = arith.addi %scan3A_523, %scan3A_524 : i32
      %scan3A_526 = arith.constant 1 : i32
      scf.for %scan3A_585 = %scan3A_523 to %scan3A_525 step %scan3A_526  : i32 {
        %add3A_586 = arith.constant 200 : i32
        %add3A_587 = arith.addi %add3A_586, %scan3A_585 : i32
        %add3A_588 = arith.constant 0 : i32
        %add3A_589 = arith.addi %add3A_588, %scan3A_585 : i32
        %get3A_590 = arith.index_cast %add3A_587 : i32 to index
        %get3A_591 = arith.constant 0 : index
        %get3A_592 = tpu.vector_load %arg10[%get3A_590, %get3A_591] {strides = array<i32>} : memref<400x128xf32, #tpu.memory_space<vmem>>, vector<1x16xf32>,
        %get3A_593 = vector.shape_cast %get3A_592 : vector<1x16xf32> to vector<16xf32>
        %get3A_594 = arith.index_cast %add3A_589 : i32 to index
        %get3A_595 = arith.constant 0 : index
        %get3A_596 = tpu.vector_load %arg12[%get3A_594, %get3A_595] {strides = array<i32>} : memref<200x64xf32, #tpu.memory_space<vmem>>, vector<1x16xf32>,
        %get3A_597 = vector.shape_cast %get3A_596 : vector<1x16xf32> to vector<16xf32>
        %add3A_598 = arith.addf %get3A_593, %get3A_597 : vector<16xf32>
        %swap3A_599 = arith.index_cast %add3A_587 : i32 to index
        %swap3A_600 = arith.constant 0 : index
        %swap3A_601 = tpu.vector_load %arg11[%swap3A_599, %swap3A_600] {strides = array<i32>} : memref<400x64xf32, #tpu.memory_space<vmem>>, vector<1x16xf32>,
        %swap3A_602 = vector.shape_cast %swap3A_601 : vector<1x16xf32> to vector<16xf32>
        %swap3A_603 = vector.shape_cast %add3A_598 : vector<16xf32> to vector<1x16xf32>
        tpu.vector_store %arg11[%swap3A_599, %swap3A_600], %swap3A_603 {strides = array<i32>} : memref<400x64xf32, #tpu.memory_space<vmem>>, vector<1x16xf32>,
        %get3A_604 = arith.index_cast %add3A_587 : i32 to index
        %get3A_605 = arith.constant 16 : index
        %get3A_606 = tpu.vector_load %arg10[%get3A_604, %get3A_605] {strides = array<i32>} : memref<400x128xf32, #tpu.memory_space<vmem>>, vector<1x16xf32>,
        %get3A_607 = vector.shape_cast %get3A_606 : vector<1x16xf32> to vector<16xf32>
        %get3A_608 = arith.index_cast %add3A_589 : i32 to index
        %get3A_609 = arith.constant 16 : index
        %get3A_610 = tpu.vector_load %arg12[%get3A_608, %get3A_609] {strides = array<i32>} : memref<200x64xf32, #tpu.memory_space<vmem>>, vector<1x16xf32>,
        %get3A_611 = vector.shape_cast %get3A_610 : vector<1x16xf32> to vector<16xf32>
        %add3A_612 = arith.addf %get3A_607, %get3A_611 : vector<16xf32>
        %swap3A_613 = arith.index_cast %add3A_587 : i32 to index
        %swap3A_614 = arith.constant 16 : index
        %swap3A_615 = tpu.vector_load %arg11[%swap3A_613, %swap3A_614] {strides = array<i32>} : memref<400x64xf32, #tpu.memory_space<vmem>>, vector<1x16xf32>,
        %swap3A_616 = vector.shape_cast %swap3A_615 : vector<1x16xf32> to vector<16xf32>
        %swap3A_617 = vector.shape_cast %add3A_612 : vector<16xf32> to vector<1x16xf32>
        tpu.vector_store %arg11[%swap3A_613, %swap3A_614], %swap3A_617 {strides = array<i32>} : memref<400x64xf32, #tpu.memory_space<vmem>>, vector<1x16xf32>,
        %get3A_618 = arith.index_cast %add3A_587 : i32 to index
        %get3A_619 = arith.constant 32 : index
        %get3A_620 = tpu.vector_load %arg10[%get3A_618, %get3A_619] {strides = array<i32>} : memref<400x128xf32, #tpu.memory_space<vmem>>, vector<1x16xf32>,
        %get3A_621 = vector.shape_cast %get3A_620 : vector<1x16xf32> to vector<16xf32>
        %get3A_622 = arith.index_cast %add3A_589 : i32 to index
        %get3A_623 = arith.constant 32 : index
        %get3A_624 = tpu.vector_load %arg12[%get3A_622, %get3A_623] {strides = array<i32>} : memref<200x64xf32, #tpu.memory_space<vmem>>, vector<1x16xf32>,
        %get3A_625 = vector.shape_cast %get3A_624 : vector<1x16xf32> to vector<16xf32>
        %add3A_626 = arith.addf %get3A_621, %get3A_625 : vector<16xf32>
        %swap3A_627 = arith.index_cast %add3A_587 : i32 to index
        %swap3A_628 = arith.constant 32 : index
        %swap3A_629 = tpu.vector_load %arg11[%swap3A_627, %swap3A_628] {strides = array<i32>} : memref<400x64xf32, #tpu.memory_space<vmem>>, vector<1x16xf32>,
        %swap3A_630 = vector.shape_cast %swap3A_629 : vector<1x16xf32> to vector<16xf32>
        %swap3A_631 = vector.shape_cast %add3A_626 : vector<16xf32> to vector<1x16xf32>
        tpu.vector_store %arg11[%swap3A_627, %swap3A_628], %swap3A_631 {strides = array<i32>} : memref<400x64xf32, #tpu.memory_space<vmem>>, vector<1x16xf32>,
        %get3A_632 = arith.index_cast %add3A_587 : i32 to index
        %get3A_633 = arith.constant 48 : index
        %get3A_634 = tpu.vector_load %arg10[%get3A_632, %get3A_633] {strides = array<i32>} : memref<400x128xf32, #tpu.memory_space<vmem>>, vector<1x16xf32>,
        %get3A_635 = vector.shape_cast %get3A_634 : vector<1x16xf32> to vector<16xf32>
        %get3A_636 = arith.index_cast %add3A_589 : i32 to index
        %get3A_637 = arith.constant 48 : index
        %get3A_638 = tpu.vector_load %arg12[%get3A_636, %get3A_637] {strides = array<i32>} : memref<200x64xf32, #tpu.memory_space<vmem>>, vector<1x16xf32>,
        %get3A_639 = vector.shape_cast %get3A_638 : vector<1x16xf32> to vector<16xf32>
        %add3A_640 = arith.addf %get3A_635, %get3A_639 : vector<16xf32>
        %swap3A_641 = arith.index_cast %add3A_587 : i32 to index
        %swap3A_642 = arith.constant 48 : index
        %swap3A_643 = tpu.vector_load %arg11[%swap3A_641, %swap3A_642] {strides = array<i32>} : memref<400x64xf32, #tpu.memory_space<vmem>>, vector<1x16xf32>,
        %swap3A_644 = vector.shape_cast %swap3A_643 : vector<1x16xf32> to vector<16xf32>
        %swap3A_645 = vector.shape_cast %add3A_640 : vector<16xf32> to vector<1x16xf32>
        tpu.vector_store %arg11[%swap3A_641, %swap3A_642], %swap3A_645 {strides = array<i32>} : memref<400x64xf32, #tpu.memory_space<vmem>>, vector<1x16xf32>,
      }
      %scan3A_527 = arith.constant 40 : i32
      %add3A_528 = arith.constant 1 : i32
      %add3A_529 = arith.addi %add3A_436, %add3A_528 : i32
      %lt3A_530 = arith.constant 64 : i32
      %lt3A_531 = arith.cmpi slt, %add3A_529, %lt3A_530 : i32
      %convert_element_type3A_532 = arith.extui %lt3A_531 : i1 to i32
      %cond3A_533 = arith.constant 0 : i32
      %cond3A_534 = arith.cmpi ne, %convert_element_type3A_532, %cond3A_533 : i32
      scf.if %cond3A_534 {
        %dma_start3A_585 = arith.constant 2 : i32
        %dma_start3A_586 = arith.constant 160 : i32
        %dma_start3A_587 = arith.constant 0 : i32
        %dma_start3A_588 = tpu.memref_slice %arg10[%dma_start3A_586, %dma_start3A_587] : memref<400x128xf32, #tpu.memory_space<vmem>> -> memref<80x128xf32, #tpu.memory_space<vmem>>
        %dma_start3A_589 = arith.constant 0 : i32
        %dma_start3A_590 = tpu.memref_slice %arg8[%dma_start3A_585, %dma_start3A_589] : memref<5x80xi32, #tpu.memory_space<vmem>> -> memref<1x80xi32, #tpu.memory_space<vmem>>
        %dma_start3A_591 = tpu.memref_squeeze %dma_start3A_590 : memref<1x80xi32, #tpu.memory_space<vmem>> -> memref<80xi32, #tpu.memory_space<vmem>>
        %dma_start3A_592 = arith.constant 0 : i32
        %dma_start3A_593 = arith.constant 0 : i32
        %dma_start3A_594 = tpu.memref_slice %arg3[%dma_start3A_592, %dma_start3A_593] : memref<1000000x128xf32, #tpu.memory_space<hbm>> -> memref<1000000x128xf32, #tpu.memory_space<hbm>>
        tpu.enqueue_indirect_dma source(%dma_start3A_594 : memref<1000000x128xf32, #tpu.memory_space<hbm>>) target(%dma_start3A_588 : memref<80x128xf32, #tpu.memory_space<vmem>>) offsets(%dma_start3A_591 : memref<80xi32, #tpu.memory_space<vmem>>) semaphore(%arg17 : memref<!tpu.dma_semaphore, #tpu.memory_space<semaphore_mem>>)
      } else {
      }
      %dma_wait3A_535 = arith.constant 240 : i32
      %dma_wait3A_536 = arith.constant 0 : i32
      %dma_wait3A_537 = tpu.memref_slice %arg10[%dma_wait3A_535, %dma_wait3A_536] : memref<400x128xf32, #tpu.memory_space<vmem>> -> memref<80x128xf32, #tpu.memory_space<vmem>>
      %dma_wait3A_538 = arith.constant 0 : i32
      %dma_wait3A_539 = arith.constant 0 : i32
      %dma_wait3A_540 = tpu.memref_slice %arg3[%dma_wait3A_538, %dma_wait3A_539] : memref<1000000x128xf32, #tpu.memory_space<hbm>> -> memref<80x128xf32, #tpu.memory_space<hbm>>
      %dma_wait3A_541 = arith.constant 240 : i32
      %dma_wait3A_542 = arith.constant 0 : i32
      %dma_wait3A_543 = tpu.memref_slice %arg10[%dma_wait3A_541, %dma_wait3A_542] : memref<400x128xf32, #tpu.memory_space<vmem>> -> memref<80x128xf32, #tpu.memory_space<vmem>>
      %dma_wait3A_544 = arith.constant 0 : i32
      %dma_wait3A_545 = arith.constant 0 : i32
      %dma_wait3A_546 = tpu.memref_slice %arg3[%dma_wait3A_544, %dma_wait3A_545] : memref<1000000x128xf32, #tpu.memory_space<hbm>> -> memref<80x128xf32, #tpu.memory_space<hbm>>
      tpu.wait_dma2 semaphore(%arg18 : memref<!tpu.dma_semaphore, #tpu.memory_space<semaphore_mem>>) src(%dma_wait3A_546 : memref<80x128xf32, #tpu.memory_space<hbm>>) dst(%dma_wait3A_543 : memref<80x128xf32, #tpu.memory_space<vmem>>)
      %scan3A_547 = arith.constant 0 : i32
      %scan3A_548 = arith.constant 0 : i32
      %scan3A_549 = arith.constant 80 : i32
      %scan3A_550 = arith.addi %scan3A_548, %scan3A_549 : i32
      %scan3A_551 = arith.constant 1 : i32
      scf.for %scan3A_585 = %scan3A_548 to %scan3A_550 step %scan3A_551  : i32 {
        %add3A_586 = arith.constant 240 : i32
        %add3A_587 = arith.addi %add3A_586, %scan3A_585 : i32
        %add3A_588 = arith.constant 40 : i32
        %add3A_589 = arith.addi %add3A_588, %scan3A_585 : i32
        %get3A_590 = arith.index_cast %add3A_587 : i32 to index
        %get3A_591 = arith.constant 0 : index
        %get3A_592 = tpu.vector_load %arg10[%get3A_590, %get3A_591] {strides = array<i32>} : memref<400x128xf32, #tpu.memory_space<vmem>>, vector<1x16xf32>,
        %get3A_593 = vector.shape_cast %get3A_592 : vector<1x16xf32> to vector<16xf32>
        %get3A_594 = arith.index_cast %add3A_589 : i32 to index
        %get3A_595 = arith.constant 0 : index
        %get3A_596 = tpu.vector_load %arg12[%get3A_594, %get3A_595] {strides = array<i32>} : memref<200x64xf32, #tpu.memory_space<vmem>>, vector<1x16xf32>,
        %get3A_597 = vector.shape_cast %get3A_596 : vector<1x16xf32> to vector<16xf32>
        %add3A_598 = arith.addf %get3A_593, %get3A_597 : vector<16xf32>
        %swap3A_599 = arith.index_cast %add3A_587 : i32 to index
        %swap3A_600 = arith.constant 0 : index
        %swap3A_601 = tpu.vector_load %arg11[%swap3A_599, %swap3A_600] {strides = array<i32>} : memref<400x64xf32, #tpu.memory_space<vmem>>, vector<1x16xf32>,
        %swap3A_602 = vector.shape_cast %swap3A_601 : vector<1x16xf32> to vector<16xf32>
        %swap3A_603 = vector.shape_cast %add3A_598 : vector<16xf32> to vector<1x16xf32>
        tpu.vector_store %arg11[%swap3A_599, %swap3A_600], %swap3A_603 {strides = array<i32>} : memref<400x64xf32, #tpu.memory_space<vmem>>, vector<1x16xf32>,
        %get3A_604 = arith.index_cast %add3A_587 : i32 to index
        %get3A_605 = arith.constant 16 : index
        %get3A_606 = tpu.vector_load %arg10[%get3A_604, %get3A_605] {strides = array<i32>} : memref<400x128xf32, #tpu.memory_space<vmem>>, vector<1x16xf32>,
        %get3A_607 = vector.shape_cast %get3A_606 : vector<1x16xf32> to vector<16xf32>
        %get3A_608 = arith.index_cast %add3A_589 : i32 to index
        %get3A_609 = arith.constant 16 : index
        %get3A_610 = tpu.vector_load %arg12[%get3A_608, %get3A_609] {strides = array<i32>} : memref<200x64xf32, #tpu.memory_space<vmem>>, vector<1x16xf32>,
        %get3A_611 = vector.shape_cast %get3A_610 : vector<1x16xf32> to vector<16xf32>
        %add3A_612 = arith.addf %get3A_607, %get3A_611 : vector<16xf32>
        %swap3A_613 = arith.index_cast %add3A_587 : i32 to index
        %swap3A_614 = arith.constant 16 : index
        %swap3A_615 = tpu.vector_load %arg11[%swap3A_613, %swap3A_614] {strides = array<i32>} : memref<400x64xf32, #tpu.memory_space<vmem>>, vector<1x16xf32>,
        %swap3A_616 = vector.shape_cast %swap3A_615 : vector<1x16xf32> to vector<16xf32>
        %swap3A_617 = vector.shape_cast %add3A_612 : vector<16xf32> to vector<1x16xf32>
        tpu.vector_store %arg11[%swap3A_613, %swap3A_614], %swap3A_617 {strides = array<i32>} : memref<400x64xf32, #tpu.memory_space<vmem>>, vector<1x16xf32>,
        %get3A_618 = arith.index_cast %add3A_587 : i32 to index
        %get3A_619 = arith.constant 32 : index
        %get3A_620 = tpu.vector_load %arg10[%get3A_618, %get3A_619] {strides = array<i32>} : memref<400x128xf32, #tpu.memory_space<vmem>>, vector<1x16xf32>,
        %get3A_621 = vector.shape_cast %get3A_620 : vector<1x16xf32> to vector<16xf32>
        %get3A_622 = arith.index_cast %add3A_589 : i32 to index
        %get3A_623 = arith.constant 32 : index
        %get3A_624 = tpu.vector_load %arg12[%get3A_622, %get3A_623] {strides = array<i32>} : memref<200x64xf32, #tpu.memory_space<vmem>>, vector<1x16xf32>,
        %get3A_625 = vector.shape_cast %get3A_624 : vector<1x16xf32> to vector<16xf32>
        %add3A_626 = arith.addf %get3A_621, %get3A_625 : vector<16xf32>
        %swap3A_627 = arith.index_cast %add3A_587 : i32 to index
        %swap3A_628 = arith.constant 32 : index
        %swap3A_629 = tpu.vector_load %arg11[%swap3A_627, %swap3A_628] {strides = array<i32>} : memref<400x64xf32, #tpu.memory_space<vmem>>, vector<1x16xf32>,
        %swap3A_630 = vector.shape_cast %swap3A_629 : vector<1x16xf32> to vector<16xf32>
        %swap3A_631 = vector.shape_cast %add3A_626 : vector<16xf32> to vector<1x16xf32>
        tpu.vector_store %arg11[%swap3A_627, %swap3A_628], %swap3A_631 {strides = array<i32>} : memref<400x64xf32, #tpu.memory_space<vmem>>, vector<1x16xf32>,
        %get3A_632 = arith.index_cast %add3A_587 : i32 to index
        %get3A_633 = arith.constant 48 : index
        %get3A_634 = tpu.vector_load %arg10[%get3A_632, %get3A_633] {strides = array<i32>} : memref<400x128xf32, #tpu.memory_space<vmem>>, vector<1x16xf32>,
        %get3A_635 = vector.shape_cast %get3A_634 : vector<1x16xf32> to vector<16xf32>
        %get3A_636 = arith.index_cast %add3A_589 : i32 to index
        %get3A_637 = arith.constant 48 : index
        %get3A_638 = tpu.vector_load %arg12[%get3A_636, %get3A_637] {strides = array<i32>} : memref<200x64xf32, #tpu.memory_space<vmem>>, vector<1x16xf32>,
        %get3A_639 = vector.shape_cast %get3A_638 : vector<1x16xf32> to vector<16xf32>
        %add3A_640 = arith.addf %get3A_635, %get3A_639 : vector<16xf32>
        %swap3A_641 = arith.index_cast %add3A_587 : i32 to index
        %swap3A_642 = arith.constant 48 : index
        %swap3A_643 = tpu.vector_load %arg11[%swap3A_641, %swap3A_642] {strides = array<i32>} : memref<400x64xf32, #tpu.memory_space<vmem>>, vector<1x16xf32>,
        %swap3A_644 = vector.shape_cast %swap3A_643 : vector<1x16xf32> to vector<16xf32>
        %swap3A_645 = vector.shape_cast %add3A_640 : vector<16xf32> to vector<1x16xf32>
        tpu.vector_store %arg11[%swap3A_641, %swap3A_642], %swap3A_645 {strides = array<i32>} : memref<400x64xf32, #tpu.memory_space<vmem>>, vector<1x16xf32>,
      }
      %scan3A_552 = arith.constant 80 : i32
      %add3A_553 = arith.constant 1 : i32
      %add3A_554 = arith.addi %add3A_436, %add3A_553 : i32
      %lt3A_555 = arith.constant 64 : i32
      %lt3A_556 = arith.cmpi slt, %add3A_554, %lt3A_555 : i32
      %convert_element_type3A_557 = arith.extui %lt3A_556 : i1 to i32
      %cond3A_558 = arith.constant 0 : i32
      %cond3A_559 = arith.cmpi ne, %convert_element_type3A_557, %cond3A_558 : i32
      scf.if %cond3A_559 {
        %dma_start3A_585 = arith.constant 3 : i32
        %dma_start3A_586 = arith.constant 240 : i32
        %dma_start3A_587 = arith.constant 0 : i32
        %dma_start3A_588 = tpu.memref_slice %arg10[%dma_start3A_586, %dma_start3A_587] : memref<400x128xf32, #tpu.memory_space<vmem>> -> memref<80x128xf32, #tpu.memory_space<vmem>>
        %dma_start3A_589 = arith.constant 0 : i32
        %dma_start3A_590 = tpu.memref_slice %arg8[%dma_start3A_585, %dma_start3A_589] : memref<5x80xi32, #tpu.memory_space<vmem>> -> memref<1x80xi32, #tpu.memory_space<vmem>>
        %dma_start3A_591 = tpu.memref_squeeze %dma_start3A_590 : memref<1x80xi32, #tpu.memory_space<vmem>> -> memref<80xi32, #tpu.memory_space<vmem>>
        %dma_start3A_592 = arith.constant 0 : i32
        %dma_start3A_593 = arith.constant 0 : i32
        %dma_start3A_594 = tpu.memref_slice %arg3[%dma_start3A_592, %dma_start3A_593] : memref<1000000x128xf32, #tpu.memory_space<hbm>> -> memref<1000000x128xf32, #tpu.memory_space<hbm>>
        tpu.enqueue_indirect_dma source(%dma_start3A_594 : memref<1000000x128xf32, #tpu.memory_space<hbm>>) target(%dma_start3A_588 : memref<80x128xf32, #tpu.memory_space<vmem>>) offsets(%dma_start3A_591 : memref<80xi32, #tpu.memory_space<vmem>>) semaphore(%arg18 : memref<!tpu.dma_semaphore, #tpu.memory_space<semaphore_mem>>)
      } else {
      }
      %dma_wait3A_560 = arith.constant 320 : i32
      %dma_wait3A_561 = arith.constant 0 : i32
      %dma_wait3A_562 = tpu.memref_slice %arg10[%dma_wait3A_560, %dma_wait3A_561] : memref<400x128xf32, #tpu.memory_space<vmem>> -> memref<80x128xf32, #tpu.memory_space<vmem>>
      %dma_wait3A_563 = arith.constant 0 : i32
      %dma_wait3A_564 = arith.constant 0 : i32
      %dma_wait3A_565 = tpu.memref_slice %arg3[%dma_wait3A_563, %dma_wait3A_564] : memref<1000000x128xf32, #tpu.memory_space<hbm>> -> memref<80x128xf32, #tpu.memory_space<hbm>>
      %dma_wait3A_566 = arith.constant 320 : i32
      %dma_wait3A_567 = arith.constant 0 : i32
      %dma_wait3A_568 = tpu.memref_slice %arg10[%dma_wait3A_566, %dma_wait3A_567] : memref<400x128xf32, #tpu.memory_space<vmem>> -> memref<80x128xf32, #tpu.memory_space<vmem>>
      %dma_wait3A_569 = arith.constant 0 : i32
      %dma_wait3A_570 = arith.constant 0 : i32
      %dma_wait3A_571 = tpu.memref_slice %arg3[%dma_wait3A_569, %dma_wait3A_570] : memref<1000000x128xf32, #tpu.memory_space<hbm>> -> memref<80x128xf32, #tpu.memory_space<hbm>>
      tpu.wait_dma2 semaphore(%arg19 : memref<!tpu.dma_semaphore, #tpu.memory_space<semaphore_mem>>) src(%dma_wait3A_571 : memref<80x128xf32, #tpu.memory_space<hbm>>) dst(%dma_wait3A_568 : memref<80x128xf32, #tpu.memory_space<vmem>>)
      %scan3A_572 = arith.constant 0 : i32
      %scan3A_573 = arith.constant 0 : i32
      %scan3A_574 = arith.constant 80 : i32
      %scan3A_575 = arith.addi %scan3A_573, %scan3A_574 : i32
      %scan3A_576 = arith.constant 1 : i32
      scf.for %scan3A_585 = %scan3A_573 to %scan3A_575 step %scan3A_576  : i32 {
        %add3A_586 = arith.constant 320 : i32
        %add3A_587 = arith.addi %add3A_586, %scan3A_585 : i32
        %add3A_588 = arith.constant 120 : i32
        %add3A_589 = arith.addi %add3A_588, %scan3A_585 : i32
        %get3A_590 = arith.index_cast %add3A_587 : i32 to index
        %get3A_591 = arith.constant 0 : index
        %get3A_592 = tpu.vector_load %arg10[%get3A_590, %get3A_591] {strides = array<i32>} : memref<400x128xf32, #tpu.memory_space<vmem>>, vector<1x16xf32>,
        %get3A_593 = vector.shape_cast %get3A_592 : vector<1x16xf32> to vector<16xf32>
        %get3A_594 = arith.index_cast %add3A_589 : i32 to index
        %get3A_595 = arith.constant 0 : index
        %get3A_596 = tpu.vector_load %arg12[%get3A_594, %get3A_595] {strides = array<i32>} : memref<200x64xf32, #tpu.memory_space<vmem>>, vector<1x16xf32>,
        %get3A_597 = vector.shape_cast %get3A_596 : vector<1x16xf32> to vector<16xf32>
        %add3A_598 = arith.addf %get3A_593, %get3A_597 : vector<16xf32>
        %swap3A_599 = arith.index_cast %add3A_587 : i32 to index
        %swap3A_600 = arith.constant 0 : index
        %swap3A_601 = tpu.vector_load %arg11[%swap3A_599, %swap3A_600] {strides = array<i32>} : memref<400x64xf32, #tpu.memory_space<vmem>>, vector<1x16xf32>,
        %swap3A_602 = vector.shape_cast %swap3A_601 : vector<1x16xf32> to vector<16xf32>
        %swap3A_603 = vector.shape_cast %add3A_598 : vector<16xf32> to vector<1x16xf32>
        tpu.vector_store %arg11[%swap3A_599, %swap3A_600], %swap3A_603 {strides = array<i32>} : memref<400x64xf32, #tpu.memory_space<vmem>>, vector<1x16xf32>,
        %get3A_604 = arith.index_cast %add3A_587 : i32 to index
        %get3A_605 = arith.constant 16 : index
        %get3A_606 = tpu.vector_load %arg10[%get3A_604, %get3A_605] {strides = array<i32>} : memref<400x128xf32, #tpu.memory_space<vmem>>, vector<1x16xf32>,
        %get3A_607 = vector.shape_cast %get3A_606 : vector<1x16xf32> to vector<16xf32>
        %get3A_608 = arith.index_cast %add3A_589 : i32 to index
        %get3A_609 = arith.constant 16 : index
        %get3A_610 = tpu.vector_load %arg12[%get3A_608, %get3A_609] {strides = array<i32>} : memref<200x64xf32, #tpu.memory_space<vmem>>, vector<1x16xf32>,
        %get3A_611 = vector.shape_cast %get3A_610 : vector<1x16xf32> to vector<16xf32>
        %add3A_612 = arith.addf %get3A_607, %get3A_611 : vector<16xf32>
        %swap3A_613 = arith.index_cast %add3A_587 : i32 to index
        %swap3A_614 = arith.constant 16 : index
        %swap3A_615 = tpu.vector_load %arg11[%swap3A_613, %swap3A_614] {strides = array<i32>} : memref<400x64xf32, #tpu.memory_space<vmem>>, vector<1x16xf32>,
        %swap3A_616 = vector.shape_cast %swap3A_615 : vector<1x16xf32> to vector<16xf32>
        %swap3A_617 = vector.shape_cast %add3A_612 : vector<16xf32> to vector<1x16xf32>
        tpu.vector_store %arg11[%swap3A_613, %swap3A_614], %swap3A_617 {strides = array<i32>} : memref<400x64xf32, #tpu.memory_space<vmem>>, vector<1x16xf32>,
        %get3A_618 = arith.index_cast %add3A_587 : i32 to index
        %get3A_619 = arith.constant 32 : index
        %get3A_620 = tpu.vector_load %arg10[%get3A_618, %get3A_619] {strides = array<i32>} : memref<400x128xf32, #tpu.memory_space<vmem>>, vector<1x16xf32>,
        %get3A_621 = vector.shape_cast %get3A_620 : vector<1x16xf32> to vector<16xf32>
        %get3A_622 = arith.index_cast %add3A_589 : i32 to index
        %get3A_623 = arith.constant 32 : index
        %get3A_624 = tpu.vector_load %arg12[%get3A_622, %get3A_623] {strides = array<i32>} : memref<200x64xf32, #tpu.memory_space<vmem>>, vector<1x16xf32>,
        %get3A_625 = vector.shape_cast %get3A_624 : vector<1x16xf32> to vector<16xf32>
        %add3A_626 = arith.addf %get3A_621, %get3A_625 : vector<16xf32>
        %swap3A_627 = arith.index_cast %add3A_587 : i32 to index
        %swap3A_628 = arith.constant 32 : index
        %swap3A_629 = tpu.vector_load %arg11[%swap3A_627, %swap3A_628] {strides = array<i32>} : memref<400x64xf32, #tpu.memory_space<vmem>>, vector<1x16xf32>,
        %swap3A_630 = vector.shape_cast %swap3A_629 : vector<1x16xf32> to vector<16xf32>
        %swap3A_631 = vector.shape_cast %add3A_626 : vector<16xf32> to vector<1x16xf32>
        tpu.vector_store %arg11[%swap3A_627, %swap3A_628], %swap3A_631 {strides = array<i32>} : memref<400x64xf32, #tpu.memory_space<vmem>>, vector<1x16xf32>,
        %get3A_632 = arith.index_cast %add3A_587 : i32 to index
        %get3A_633 = arith.constant 48 : index
        %get3A_634 = tpu.vector_load %arg10[%get3A_632, %get3A_633] {strides = array<i32>} : memref<400x128xf32, #tpu.memory_space<vmem>>, vector<1x16xf32>,
        %get3A_635 = vector.shape_cast %get3A_634 : vector<1x16xf32> to vector<16xf32>
        %get3A_636 = arith.index_cast %add3A_589 : i32 to index
        %get3A_637 = arith.constant 48 : index
        %get3A_638 = tpu.vector_load %arg12[%get3A_636, %get3A_637] {strides = array<i32>} : memref<200x64xf32, #tpu.memory_space<vmem>>, vector<1x16xf32>,
        %get3A_639 = vector.shape_cast %get3A_638 : vector<1x16xf32> to vector<16xf32>
        %add3A_640 = arith.addf %get3A_635, %get3A_639 : vector<16xf32>
        %swap3A_641 = arith.index_cast %add3A_587 : i32 to index
        %swap3A_642 = arith.constant 48 : index
        %swap3A_643 = tpu.vector_load %arg11[%swap3A_641, %swap3A_642] {strides = array<i32>} : memref<400x64xf32, #tpu.memory_space<vmem>>, vector<1x16xf32>,
        %swap3A_644 = vector.shape_cast %swap3A_643 : vector<1x16xf32> to vector<16xf32>
        %swap3A_645 = vector.shape_cast %add3A_640 : vector<16xf32> to vector<1x16xf32>
        tpu.vector_store %arg11[%swap3A_641, %swap3A_642], %swap3A_645 {strides = array<i32>} : memref<400x64xf32, #tpu.memory_space<vmem>>, vector<1x16xf32>,
      }
      %scan3A_577 = arith.constant 80 : i32
      %add3A_578 = arith.constant 1 : i32
      %add3A_579 = arith.addi %add3A_436, %add3A_578 : i32
      %lt3A_580 = arith.constant 64 : i32
      %lt3A_581 = arith.cmpi slt, %add3A_579, %lt3A_580 : i32
      %convert_element_type3A_582 = arith.extui %lt3A_581 : i1 to i32
      %cond3A_583 = arith.constant 0 : i32
      %cond3A_584 = arith.cmpi ne, %convert_element_type3A_582, %cond3A_583 : i32
      scf.if %cond3A_584 {
        %dma_start3A_585 = arith.constant 4 : i32
        %dma_start3A_586 = arith.constant 320 : i32
        %dma_start3A_587 = arith.constant 0 : i32
        %dma_start3A_588 = tpu.memref_slice %arg10[%dma_start3A_586, %dma_start3A_587] : memref<400x128xf32, #tpu.memory_space<vmem>> -> memref<80x128xf32, #tpu.memory_space<vmem>>
        %dma_start3A_589 = arith.constant 0 : i32
        %dma_start3A_590 = tpu.memref_slice %arg8[%dma_start3A_585, %dma_start3A_589] : memref<5x80xi32, #tpu.memory_space<vmem>> -> memref<1x80xi32, #tpu.memory_space<vmem>>
        %dma_start3A_591 = tpu.memref_squeeze %dma_start3A_590 : memref<1x80xi32, #tpu.memory_space<vmem>> -> memref<80xi32, #tpu.memory_space<vmem>>
        %dma_start3A_592 = arith.constant 0 : i32
        %dma_start3A_593 = arith.constant 0 : i32
        %dma_start3A_594 = tpu.memref_slice %arg3[%dma_start3A_592, %dma_start3A_593] : memref<1000000x128xf32, #tpu.memory_space<hbm>> -> memref<1000000x128xf32, #tpu.memory_space<hbm>>
        tpu.enqueue_indirect_dma source(%dma_start3A_594 : memref<1000000x128xf32, #tpu.memory_space<hbm>>) target(%dma_start3A_588 : memref<80x128xf32, #tpu.memory_space<vmem>>) offsets(%dma_start3A_591 : memref<80xi32, #tpu.memory_space<vmem>>) semaphore(%arg19 : memref<!tpu.dma_semaphore, #tpu.memory_space<semaphore_mem>>)
      } else {
      }
      "tpu.region"() ({
        %run_scoped3A = tpu.sem_alloc : memref<!tpu.dma_semaphore, #tpu.memory_space<semaphore_mem>>
        %dma_start3A_585 = arith.constant 0 : i32
        %dma_start3A_586 = tpu.memref_slice %arg5[%add3A_439, %dma_start3A_585] : memref<819200x64xf32, #tpu.memory_space<hbm>> -> memref<400x64xf32, #tpu.memory_space<hbm>>
        %dma_start3A_587 = arith.constant 0 : i32
        %dma_start3A_588 = tpu.memref_slice %arg5[%add3A_439, %dma_start3A_587] : memref<819200x64xf32, #tpu.memory_space<hbm>> -> memref<400x64xf32, #tpu.memory_space<hbm>>
        tpu.enqueue_dma source(%arg11 : memref<400x64xf32, #tpu.memory_space<vmem>>) target(%dma_start3A_588 : memref<400x64xf32, #tpu.memory_space<hbm>>) target_semaphore(%run_scoped3A : memref<!tpu.dma_semaphore, #tpu.memory_space<semaphore_mem>>)
        %dma_wait3A_589 = arith.constant 0 : i32
        %dma_wait3A_590 = tpu.memref_slice %arg5[%add3A_439, %dma_wait3A_589] : memref<819200x64xf32, #tpu.memory_space<hbm>> -> memref<400x64xf32, #tpu.memory_space<hbm>>
        %dma_wait3A_591 = arith.constant 0 : i32
        %dma_wait3A_592 = tpu.memref_slice %arg5[%add3A_439, %dma_wait3A_591] : memref<819200x64xf32, #tpu.memory_space<hbm>> -> memref<400x64xf32, #tpu.memory_space<hbm>>
        tpu.wait_dma2 semaphore(%run_scoped3A : memref<!tpu.dma_semaphore, #tpu.memory_space<semaphore_mem>>) src(%arg11 : memref<400x64xf32, #tpu.memory_space<vmem>>) dst(%dma_wait3A_592 : memref<400x64xf32, #tpu.memory_space<hbm>>)
        tpu.yield
      }) : () -> ()
    }
    %scan3A_283 = arith.constant 32 : i32
    return
  }
}

</mosaic_0001>

<sc_bundles>
// kernel: kernel.3.cloned.1.call-start
scs
__scs_entry_jumppad:
0x0: {  	(pc) =	sbr.rel $0x88, $3  }
0x1: {  	(tag) =	ssettag $0x0;
	lr =	simm.s32 $0x1  }
0x2: {  	[smem:$0x3F9E] =	sst lr;
	_ =	strace $0xD0000000  }
0x3: {  	_ = 	snop  }
0x4: {  	_ = 	snop  }
0x5: {  	_ = 	snop  }
0x6: {  	_ = 	snop  }
0x7: {  	_ = 	snop  }
__scs_overlays_trampoline_lowered:
0x8: {  	[smem:$0x3FAD] =	sst s0  }
0x9: {  	[smem:$0x3FAE] =	sst s1  }
0xa: {  	[smem:$0x3FAF] =	sst s2  }
0xb: {  	[smem:$0x3FB0] =	sst s3  }
0xc: {  	[smem:$0x3FB1] =	sst s4  }
0xd: {  	[smem:$0x3FB2] =	sst s5  }
0xe: {  	[smem:$0x3FB3] =	sst s6  }
0xf: {  	[smem:$0x3FB4] =	sst s7  }
0x10: {  	[smem:$0x3FB5] =	sst s8  }
0x11: {  	[smem:$0x3FB6] =	sst s9;
	s0 =	simm.s32 @!p0 $0x0  }
0x12: {  	s1 =	sld [smem:$0x3F9C];
	s0 =	simm.s32 @p0 $0x1  }
0x13: {  	[smem:$0x3FB7] =	sst s0;
	s0 =	simm.s32 @!p1 $0x0  }
0x14: {  	s2 =	sld [smem:$0x3F9B];
	s0 =	simm.s32 @p1 $0x1  }
0x15: {  	[smem:$0x3FB8] =	sst s0;
	s0 =	simm.s32 @!p2 $0x0  }
0x16: {  	s3 =	sld [smem:$0x3FDB];
	s0 =	simm.s32 @p2 $0x1  }
0x17: {  	s4 =	simm.s32 $0x1BF5;
	[smem:$0x3FBA] =	sst s0  }
0x18: {  	s0 =	sld [smem:$0x3F9D];
	_ =	swait.ge [sflag:s4], $0x0  }
0x19: {  	s7 =	sld [smem:$0x3F9E]  }
0x1a: {  	s8 =	sadd.s32 $0xFFFFE003, lr  }
0x1b: {  	s9 =	sadd.s32 $0xFFFFFEF7, lr;
	s5 =	simm.s32 $0xFFFFFFFF;
	p2 =	slt.u32 s8, $0xFFFFF086  }
0x1c: {  	p1 =	slt.u32 s9, $0xF7A;
	s5 =	simm.s32 @!p2 $0x0  }
0x1d: {  	s5 =	simm.s32 @p1 $0x1;
	p0 =	seq.s32 s7, s2  }
0x1e: {  	s7 =	smul.u32 @!p0 $0xF7A, s2;
	p2 =	seq.s32 @!p0 s5, $0x0  }
0x1f: {  	s9 =	smul.u32 $0xF7A, s1;
	s8 =	simm.s32 @!p0 $0x1BF5;
	p2 =	por !p2, p0  }
0x20: {  	[sflag:s8] =	ssyncset.s32 @!p0 $0xFFFFF086;
	s6 =	sadd.s32 @!p0 s3, s7;
	s7 =	simm.s32 @!p0 $0x108  }
0x21: {  	s3 =	sadd.s32 s3, s9;
	s6 =	sadd.s32 @!p0 $0x88, s6;
	s7 =	simm.s32 @p2 $0x1082  }
0x22: {  	[simem:s7], [sflag:s8] =	dma.local @!p0 [hbm:s6], $0xF7A  }
0x23: {  	s9 =	sor.u32 $0xD0000000, s2;
	s6 =	simm.s32 $0x108;
	_ =	swait.ge @!p0 [sflag:s8], $0x0  }
0x24: {  	s3 =	sadd.s32 $0x88, s3;
	s6 =	simm.s32 @!p1 $0x1082;
	[sflag:s4] =	ssyncset.s32 $0xFFFFF086  }
0x25: {  	[simem:s6], [sflag:s4] =	dma.local [hbm:s3], $0xF7A  }
0x26: {  	[smem:$0x3F9E] =	sst s1;
	(tag) =	ssettag s2;
	_ =	strace s9  }
0x27: {  	s1 =	sld [smem:$0x3FAE]  }
0x28: {  	s2 =	sld [smem:$0x3FAF]  }
0x29: {  	s4 =	sld [smem:$0x3FB1]  }
0x2a: {  	p0 =	seq.s32 s5, $0x0;
	s5 =	sld [smem:$0x3FB2]  }
0x2b: {  	s6 =	sld [smem:$0x3FB3]  }
0x2c: {  	s7 =	sld [smem:$0x3FB4]  }
0x2d: {  	s3 =	simm.s32 $0x108;
	s8 =	sld [smem:$0x3FB5]  }
0x2e: {  	s3 =	simm.s32 @!p0 $0x1082;
	s9 =	sld [smem:$0x3FB6]  }
0x2f: {  	lr =	sadd.s32 s0, s3;
	s0 =	sld [smem:$0x3FAD]  }
0x30: {  	s3 =	sld [smem:$0x3FB0]  }
0x31: {  	[smem:$0x3FB9] =	sst s10  }
0x32: {  	s10 =	sld [smem:$0x3FB7];
	_ =	sdelay $0x3  }
0x33: {  	p0 =	seq.s32 s10, $0x1;
	s10 =	sld [smem:$0x3FB9];
	_ =	sdelay $0x3  }
0x34: {  	[smem:$0x3FB9] =	sst s10  }
0x35: {  	s10 =	sld [smem:$0x3FB8];
	_ =	sdelay $0x3  }
0x36: {  	p1 =	seq.s32 s10, $0x1;
	s10 =	sld [smem:$0x3FB9];
	_ =	sdelay $0x3  }
0x37: {  	[smem:$0x3FB9] =	sst s10  }
0x38: {  	s10 =	sld [smem:$0x3FBA]  }
0x39: {  	_ = 	snop;
	(pc) =	sbr.ind lr, $3  }
0x3a: {  	_ = 	snop  }
0x3b: {  	_ = 	snop  }
0x3c: {  	p2 =	seq.s32 s10, $0x1;
	s10 =	sld [smem:$0x3FB9]  }
0x3d: {  	_ =	shalt  }
0x3e: {  	_ =	shalt  }
0x3f: {  	_ =	shalt  }
0x40: {  	_ =	shalt  }
0x41: {  	_ =	shalt  }
0x42: {  	_ =	shalt  }
0x43: {  	_ =	shalt  }
0x44: {  	_ =	shalt  }
0x45: {  	_ =	shalt  }
0x46: {  	_ =	shalt  }
0x47: {  	_ =	shalt  }
0x48: {  	_ =	shalt  }
0x49: {  	_ =	shalt  }
0x4a: {  	_ =	shalt  }
0x4b: {  	_ =	shalt  }
0x4c: {  	_ =	shalt  }
0x4d: {  	_ =	shalt  }
0x4e: {  	_ =	shalt  }
0x4f: {  	_ =	shalt  }
0x50: {  	_ =	shalt  }
0x51: {  	_ =	shalt  }
0x52: {  	_ =	shalt  }
0x53: {  	_ =	shalt  }
0x54: {  	_ =	shalt  }
0x55: {  	_ =	shalt  }
0x56: {  	_ =	shalt  }
0x57: {  	_ =	shalt  }
0x58: {  	_ =	shalt  }
0x59: {  	_ =	shalt  }
0x5a: {  	_ =	shalt  }
0x5b: {  	_ =	shalt  }
0x5c: {  	_ =	shalt  }
0x5d: {  	_ =	shalt  }
0x5e: {  	_ =	shalt  }
0x5f: {  	_ =	shalt  }
0x60: {  	_ =	shalt  }
0x61: {  	_ =	shalt  }
0x62: {  	_ =	shalt  }
0x63: {  	_ =	shalt  }
0x64: {  	_ =	shalt  }
0x65: {  	_ =	shalt  }
0x66: {  	_ =	shalt  }
0x67: {  	_ =	shalt  }
0x68: {  	_ =	shalt  }
0x69: {  	_ =	shalt  }
0x6a: {  	_ =	shalt  }
0x6b: {  	_ =	shalt  }
0x6c: {  	_ =	shalt  }
0x6d: {  	_ =	shalt  }
0x6e: {  	_ =	shalt  }
0x6f: {  	_ =	shalt  }
0x70: {  	_ =	shalt  }
0x71: {  	_ =	shalt  }
0x72: {  	_ =	shalt  }
0x73: {  	_ =	shalt  }
0x74: {  	_ =	shalt  }
0x75: {  	_ =	shalt  }
0x76: {  	_ =	shalt  }
0x77: {  	_ =	shalt  }
0x78: {  	_ =	shalt  }
0x79: {  	_ =	shalt  }
0x7a: {  	_ =	shalt  }
0x7b: {  	_ =	shalt  }
0x7c: {  	_ =	shalt  }
0x7d: {  	_ =	shalt  }
0x7e: {  	_ =	shalt  }
0x7f: {  	_ =	shalt  }
0x80: {  	_ =	shalt  }
0x81: {  	_ =	shalt  }
0x82: {  	_ =	shalt  }
0x83: {  	_ =	shalt  }
0x84: {  	_ =	shalt  }
0x85: {  	_ =	shalt  }
0x86: {  	_ =	shalt  }
0x87: {  	_ =	shalt  }
.Lfunc_end0:
.L_simem_size_0:
called_computation.1_lowered:
.L_overlay_start_0:
0x88: {  	s2 =	sld [smem:$0x3FD9]  }
0x89: {  	s3 =	sld [smem:$0x3FFE];
	_ =	sdelay $0x1  }
0x8a: {  	s1 =	srdreg.scid  }
0x8b: {  	s0 =	sand.u32 $0x1, s1  }
0x8c: {  	s14 =	sshll.u32 s0, $0xA;
	s2 =	sadd.s32 s3, s2  }
0x8d: {  	s2 =	sadd.s32 s2, s14  }
0x8e: {  	[smem:$0x3FC5] =	sst s2  }
0x8f: {  	_ = 	snop  }
0x90: {  	s2 =	sld [smem:$0x3FD0];
	_ =	sdelay $0x2  }
0x91: {  	s15 =	simm.s32 $0xA;
	s4 =	simm.s32 $0x10  }
0x92: {  	[smem:s4], [sflag:s15] =	dma.local [hbm:s2], $0x1  }
0x93: {  	_ =	swait.eq [sflag:s15], $0x1  }
0x94: {  	[sflag:s15] =	ssyncset.done $0x0  }
0x95: {  	s16 =	sld [smem:$0x10];
	[sflag:s15] =	ssyncadd.s32 $0xFFFFFFFF  }
0x96: {  	s17 =	sld [smem:$0x11];
	(tm) =	ssettm $0x1  }
0x97: {  	s18 =	sld [smem:$0x3FFB];
	_ =	sdelay $0x3  }
0x98: {  	_ =	strace s18  }
0x99: {  	s4 =	sld [smem:$0x3FFC];
	_ =	sdelay $0x3  }
0x9a: {  	_ =	strace s4  }
0x9b: {  	s4 =	sld [smem:$0x3FFD];
	_ =	sdelay $0x3  }
0x9c: {  	_ =	strace s4  }
0x9d: {  	_ =	strace $0x8FFFFFFF  }
0x9e: {  	s19 =	sld [smem:$0x3FDB];
	_ =	sdelay $0x1  }
0x9f: {  	s5 =	simm.s32 $_scs_section_size  }
0xa0: {  	s6 =	simm.s32 $_size__tile_overlayer_lowered;
	s7 =	simm.s32 $_tile_overlayer_lowered  }
0xa1: {  	s22 =	simm.s32 $0x1BFF;
	s21 =	sshll.u32 s7, $0x1;
	s4 =	sadd.s32 s5, s19  }
0xa2: {  	s8 =	simm.s32 $0x0;
	s20 =	sshll.u32 s6, $0x1;
	s6 =	sadd.s32 s21, s4  }
0xa3: {  	[timem:s8], [sflag:s22] =	dma.local [hbm:s6], s20  }
0xa4: {  	_ =	swait.ge [sflag:s22], s20  }
0xa5: {  	s5 =	ssub.s32 $0x0, s20;
	[sflag:s22] =	ssyncset.done $0x0  }
0xa6: {  	[sflag:s22] =	ssyncadd.s32 s5;
	_ =	sdelay $0x1  }
0xa7: {  	s23 =	simm.s32 $0x1B8B  }
0xa8: {  	_ =	swait.ge [sflag:s23], $0x1  }
0xa9: {  	[sflag:s23] =	ssyncset.done $0x0  }
0xaa: {  	s25 =	simm.s32 $0x1B8E;
	s24 =	sld [smem:$0x3FFE];
	[sflag:s23] =	ssyncadd.s32 $0xFFFFFFFF  }
0xab: {  	s26 =	simm.s32 $execute0_lowered;
	[smem:$0x3FD2] =	sst s25  }
0xac: {  	s6 =	sshll.u32 s26, $0x1;
	_ =	strace $0x80000046;
	[dreg:$0x1] =	wrdreg $0xFFFFFFFF  }
0xad: {  	s28 =	simm.s32 $_size_execute0_lowered;
	s4 =	sadd.s32 s4, s6;
	[dreg:$0x0] =	wrdreg $0x0  }
0xae: {  	s6 =	sshll.u32 s28, $0x1;
	[dreg:$0x2] =	wrdreg s4  }
0xaf: {  	[dreg:$0x3] =	wrdreg s6  }
0xb0: {  	[dreg:$0x4] =	wrdreg $0xC0  }
0xb1: {  	_ =	task [dreg:s8], $0x5FFFF  }
0xb2: {  	[dreg:$0x1] =	wrdreg $0xFFFFFFFF  }
0xb3: {  	[dreg:$0x0] =	wrdreg $0x60  }
0xb4: {  	[dreg:$0x2] =	wrdreg s17  }
0xb5: {  	[dreg:$0x3] =	wrdreg s24  }
0xb6: {  	[dreg:$0x4] =	wrdreg s16  }
0xb7: {  	[dreg:$0x5] =	wrdreg $0x9  }
0xb8: {  	_ =	task.clear_ibuf [dreg:s8], $0x6FFFF;
	_ =	strace $0x90000046  }
0xb9: {  	s29 =	simm.s32 $0x9;
	_ =	strace $0x80000048  }
0xba: {  	_ =	swait.ge [sflag:s29], $0x1  }
0xbb: {  	[sflag:s29] =	ssyncadd.s32 $0xFFFFFFFF  }
0xbc: {  	_ =	strace $0x90000048  }
0xbd: {  	_ =	sfence  }
0xbe: {  	s30 =	sld [smem:$0x0];
	_ =	sdelay $0x2  }
0xbf: {  	s31 =	sshll.u32 s1, $0xD;
	s1 =	sshrl.u32 s1, $0x2  }
0xc0: {  	s3 =	sand.u32 $0x4000, s31;
	s1 =	sadd.s32 s1, s30  }
0xc1: {  	s0 =	sor.u32 s3, s0;
	s1 =	sshll.u32 s1, $0x11  }
0xc2: {  	s0 =	sor.u32 s1, s0  }
0xc3: {  	s0 =	sadd.s32 $0x8F2B, s0  }
0xc4: {  	[sflag:s0] =	ssyncadd.remote.s32 $0x1  }
0xc5: {  	_ =	sfence.sel $0xFFFF  }
0xc6: {  	[dreg:$0x0] =	wrdreg $0xFFFFFFFF;
	(pc) =	sbr.abs _section_cstart, $3  }
0xc7: {  	[dreg:$0x1] =	wrdreg $0xFFFFFFFF  }
0xc8: {  	_ =	task.clear_ibuf [dreg:s8], $0x2FFFF;
	_ =	strace $0x9FFFFFFF  }
0xc9: {  	(tm) =	ssettm $0x7FFFFFFF  }
tec
execute0_lowered:
.L_overlay_start_1:
0x0: {  	(tag) =	ssettag $0x1  }
0x1: {  	s1 =	rddreg [dreg:$0x0]  }
0x2: {  	s0 =	rddreg [dreg:$0x1]  }
0x3: {  	s2 =	srdreg.scid;
	s3 =	stileid.u32  }
0x4: {  	s4 =	simm.s32 $0x0;
	s13 =	simm.s32 $0x8;
	s14 =	simm.s32 $0x50  }
0x5: {  	s16 =	simm.s32 $0xC00;
	s18 =	simm.s32 $0x3400;
	s20 =	simm.s32 $0x5C00  }
0x6: {  	s22 =	simm.s32 $0x8400;
	s24 =	simm.s32 $0xAC00;
	s28 =	simm.s32 $0x3  }
0x7: {  	s30 =	simm.s32 $0x4;
	s31 =	simm.s32 $0x880;
	s12 =	simm.s32 $0x980  }
0x8: {  	s15 =	simm.s32 $0x7;
	s17 =	simm.s32 $0xA00;
	s19 =	simm.s32 $0xD400  }
0x9: {  	s9 =	simm.s32 $0x0;
	s2 =	sand.u32 $0x1, s2;
	s3 =	sshll.u32 s3, $0x1  }
0xa: {  	[smem:$0x7FF] =	sst s4;
	s3 =	sor.u32 s2, s3;
	s2 =	ssub.s32 $0x2, s2  }
0xb: {  	s6 =	sadd.s32 $0xF43200, s0;
	s5 =	smul.u32 $0x6400, s3;
	s25 =	sshrl.u32 s2, $0x1  }
0xc: {  	s7 =	sadd.s32 $0xE00, s0;
	_ =	strace $0x80000047;
	s26 =	ssub.s32 s2, s25  }
0xd: {  	s3 =	simm.s32 $0x6;
	s8 =	sshrl.u32 s5, $0x3;
	s0 =	smax.u32 s26, $0x1  }
0xe: {  	s10 =	sor.u32 $0x190, s5;
	s29 =	sadd.s32 s1, s8;
	[dreg:$0x6] =	wrdreg s0  }
0xf: {  	s26 =	simm.s32 $0x2;
	[dreg:$0x4] =	wrdreg s29;
	s2 =	sadd.s32 $0x32, s29  }
0x10: {  	s0 =	simm.s32 $0x900;
	[dreg:$0x5] =	wrdreg s2;
	s2 =	simm.s32 $0x5  }
.LBB2_1:
0x11: {  	[dreg:$0x7] =	wrdreg s9  }
0x12: {  	s8 =	rddreg [dreg:$0x2];
	s23 =	simm.s32 $0x19C00  }
0x13: {  	[tilespmem:s23], [sflag:$0x8] =	stream.linear.gather [hbm4b:s8+s4], $0x6400, $0x38;
	v63 =	vld [tilespmem:$0x0]  }
0x14: {  	_ =	swait.ge [sflag:s13], $0x6400  }
0x15: {  	[sflag:s13] =	ssyncset.done $0x0  }
0x16: {  	s25 =	rddreg [dreg:$0x4];
	[sflag:s13] =	ssyncadd.s32 $0xFFFF9C00  }
0x17: {  	[tilespmem:s4], [sflag:$0x8] =	stream.linear.gather [hbm4b:s25+s4], $0x190, $0x38;
	v63 =	vld [tilespmem:$0x0]  }
0x18: {  	_ =	swait.ge [sflag:s13], $0x190  }
0x19: {  	[sflag:s13] =	ssyncset.done $0x0  }
0x1a: {  	[sflag:s13] =	ssyncadd.s32 $0xFFFFFE70  }
0x1b: {  	v0 =	vld [tilespmem:$0x0]  }
0x1c: {  	v1 =	vld [tilespmem:$0x10]  }
0x1d: {  	v2 =	vld [tilespmem:$0x20]  }
0x1e: {  	v3 =	vld [tilespmem:$0x30]  }
0x1f: {  	v4 =	vld [tilespmem:$0x40]  }
0x20: {  	v43 =	vld [tilespmem:$0x50];
	[tilespmem:$0x400] =	vst v0  }
0x21: {  	v44 =	vld [tilespmem:$0x60];
	[tilespmem:$0x410] =	vst v1  }
0x22: {  	v45 =	vld [tilespmem:$0x70];
	[tilespmem:$0x420] =	vst v2  }
0x23: {  	v46 =	vld [tilespmem:$0x80];
	[tilespmem:$0x430] =	vst v3  }
0x24: {  	v47 =	vld [tilespmem:$0x90];
	[tilespmem:$0x440] =	vst v4  }
0x25: {  	v48 =	vld [tilespmem:$0xA0];
	[tilespmem:$0x480] =	vst v43  }
0x26: {  	v49 =	vld [tilespmem:$0xB0];
	[tilespmem:$0x490] =	vst v44  }
0x27: {  	v50 =	vld [tilespmem:$0xC0];
	[tilespmem:$0x4A0] =	vst v45  }
0x28: {  	v51 =	vld [tilespmem:$0xD0];
	[tilespmem:$0x4B0] =	vst v46  }
0x29: {  	v52 =	vld [tilespmem:$0xE0];
	[tilespmem:$0x4C0] =	vst v47  }
0x2a: {  	v53 =	vld [tilespmem:$0xF0];
	[tilespmem:$0x500] =	vst v48  }
0x2b: {  	v54 =	vld [tilespmem:$0x100];
	[tilespmem:$0x510] =	vst v49  }
0x2c: {  	v55 =	vld [tilespmem:$0x110];
	[tilespmem:$0x520] =	vst v50  }
0x2d: {  	v56 =	vld [tilespmem:$0x120];
	[tilespmem:$0x530] =	vst v51  }
0x2e: {  	v57 =	vld [tilespmem:$0x130];
	[tilespmem:$0x540] =	vst v52  }
0x2f: {  	v58 =	vld [tilespmem:$0x140];
	[tilespmem:$0x580] =	vst v53  }
0x30: {  	v59 =	vld [tilespmem:$0x150];
	[tilespmem:$0x590] =	vst v54  }
0x31: {  	v60 =	vld [tilespmem:$0x160];
	[tilespmem:$0x5A0] =	vst v55  }
0x32: {  	v61 =	vld [tilespmem:$0x170];
	[tilespmem:$0x5B0] =	vst v56  }
0x33: {  	v62 =	vld [tilespmem:$0x180];
	[tilespmem:$0x5C0] =	vst v57  }
0x34: {  	[tilespmem:$0x600] =	vst v58  }
0x35: {  	[tilespmem:$0x610] =	vst v59  }
0x36: {  	[tilespmem:$0x620] =	vst v60  }
0x37: {  	[tilespmem:$0x630] =	vst v61  }
0x38: {  	s29 =	simm.s32 $0x400;
	[tilespmem:$0x640] =	vst v62  }
0x39: {  	[tilespmem:s16], [sflag:$0x3] =	stream.indirect.gather [hbm4b:s6+s14], $0x80, s29, s14, $0xb8;
	v63 =	vld [tilespmem:$0x0]  }
0x3a: {  	s9 =	simm.s32 $0x480  }
0x3b: {  	[tilespmem:s18], [sflag:$0x4] =	stream.indirect.gather [hbm4b:s6+s14], $0x80, s9, s14, $0xb8;
	v63 =	vld [tilespmem:$0x0]  }
0x3c: {  	s11 =	simm.s32 $0x500  }
0x3d: {  	[tilespmem:s20], [sflag:$0x5] =	stream.indirect.gather [hbm4b:s6+s14], $0x80, s11, s14, $0xb8;
	v63 =	vld [tilespmem:$0x0]  }
0x3e: {  	s21 =	simm.s32 $0x580  }
0x3f: {  	[tilespmem:s22], [sflag:$0x6] =	stream.indirect.gather [hbm4b:s6+s14], $0x80, s21, s14, $0xb8;
	v63 =	vld [tilespmem:$0x0]  }
0x40: {  	s23 =	simm.s32 $0x600  }
0x41: {  	[tilespmem:s24], [sflag:$0x7] =	stream.indirect.gather [hbm4b:s6+s14], $0x80, s23, s14, $0xb8;
	v63 =	vld [tilespmem:$0x0]  }
0x42: {  	s25 =	rddreg [dreg:$0x5];
	s29 =	simm.s32 $0x200;
	s23 =	simm.s32 $0x0  }
0x43: {  	[tilespmem:s29], [sflag:$0x2] =	stream.linear.gather [hbm4b:s25+s4], $0x190, $0x38;
	v63 =	vld [tilespmem:$0x0]  }
.LBB2_2:
0x44: {  	_ =	swait.ge [sflag:s26], $0x190  }
0x45: {  	[sflag:s26] =	ssyncset.done $0x0  }
0x46: {  	[sflag:s26] =	ssyncadd.s32 $0xFFFFFE70  }
0x47: {  	v0 =	vld [tilespmem:$0x200]  }
0x48: {  	v1 =	vld [tilespmem:$0x210]  }
0x49: {  	v2 =	vld [tilespmem:$0x220]  }
0x4a: {  	v3 =	vld [tilespmem:$0x230]  }
0x4b: {  	v4 =	vld [tilespmem:$0x240]  }
0x4c: {  	[tilespmem:$0x800] =	vst v0;
	v0 =	vld [tilespmem:$0x250]  }
0x4d: {  	[tilespmem:$0x810] =	vst v1;
	v1 =	vld [tilespmem:$0x260]  }
0x4e: {  	[tilespmem:$0x820] =	vst v2;
	v2 =	vld [tilespmem:$0x270]  }
0x4f: {  	[tilespmem:$0x830] =	vst v3;
	v3 =	vld [tilespmem:$0x280]  }
0x50: {  	[tilespmem:$0x840] =	vst v4;
	v4 =	vld [tilespmem:$0x290]  }
0x51: {  	[tilespmem:$0x880] =	vst v0;
	v0 =	vld [tilespmem:$0x2A0]  }
0x52: {  	[tilespmem:$0x890] =	vst v1;
	v1 =	vld [tilespmem:$0x2B0]  }
0x53: {  	[tilespmem:$0x8A0] =	vst v2;
	v2 =	vld [tilespmem:$0x2C0]  }
0x54: {  	[tilespmem:$0x8B0] =	vst v3;
	v3 =	vld [tilespmem:$0x2D0]  }
0x55: {  	[tilespmem:$0x8C0] =	vst v4;
	v4 =	vld [tilespmem:$0x2E0]  }
0x56: {  	[tilespmem:$0x900] =	vst v0;
	v0 =	vld [tilespmem:$0x2F0]  }
0x57: {  	[tilespmem:$0x910] =	vst v1;
	v1 =	vld [tilespmem:$0x300]  }
0x58: {  	[tilespmem:$0x920] =	vst v2;
	v2 =	vld [tilespmem:$0x310]  }
0x59: {  	[tilespmem:$0x930] =	vst v3;
	v3 =	vld [tilespmem:$0x320]  }
0x5a: {  	[tilespmem:$0x940] =	vst v4;
	v4 =	vld [tilespmem:$0x330]  }
0x5b: {  	[tilespmem:$0x980] =	vst v0;
	v0 =	vld [tilespmem:$0x340]  }
0x5c: {  	[tilespmem:$0x990] =	vst v1;
	v1 =	vld [tilespmem:$0x350]  }
0x5d: {  	[tilespmem:$0x9A0] =	vst v2;
	v2 =	vld [tilespmem:$0x360]  }
0x5e: {  	[tilespmem:$0x9B0] =	vst v3;
	v3 =	vld [tilespmem:$0x370]  }
0x5f: {  	s25 =	smul.u32 $0x320, s23;
	[tilespmem:$0x9C0] =	vst v4;
	v4 =	vld [tilespmem:$0x380]  }
0x60: {  	[tilespmem:$0xA00] =	vst v0  }
0x61: {  	p0 =	seq.s32 s23, $0x1F;
	s9 =	sadd.s32 s5, s25;
	[tilespmem:$0xA10] =	vst v1  }
0x62: {  	s8 =	sshrl.u32 @!p0 s9, $0x3;
	[tilespmem:$0xA20] =	vst v2  }
0x63: {  	s8 =	sadd.s32 @!p0 s1, s8;
	[tilespmem:$0xA30] =	vst v3  }
0x64: {  	s11 =	simm.s32 @!p0 $0x0;
	s8 =	sadd.s32 @!p0 $0x64, s8;
	[tilespmem:$0xA40] =	vst v4  }
0x65: {  	[tilespmem:s11], [sflag:$0x1] =	stream.linear.gather @!p0 [hbm4b:s8+s11], $0x190, $0x38;
	v63 =	vld [tilespmem:$0x0]  }
0x66: {  	_ =	swait.ge [sflag:s28], $0x2800  }
0x67: {  	[sflag:s28] =	ssyncset.done $0x0  }
0x68: {  	s11 =	simm.s32 $0x0;
	[sflag:s28] =	ssyncadd.s32 $0xFFFFD800  }
0x69: {  	v2 =	vld [tilespmem:s11+$0xC30]  }
0x6a: {  	v4 =	vld [tilespmem:s11+$0x19C30]  }
0x6b: {  	v5 =	vld [tilespmem:s11+$0xC00]  }
0x6c: {  	v6 =	vld [tilespmem:s11+$0x19C00]  }
0x6d: {  	v1 =	vld [tilespmem:s11+$0xC10]  }
0x6e: {  	v3 =	vld [tilespmem:s11+$0x19C10]  }
0x6f: {  	v0 =	vld [tilespmem:s11+$0xC20];
	v7 =	vadd.f32 v4, v2  }
0x70: {  	s8 =	simm.s32 $0x80;
	v4 =	vld [tilespmem:s11+$0x19C20]  }
0x71: {  	s21 =	simm.s32 $0x400;
	v2 =	vld [tilespmem:s8+$0xC30];
	v5 =	vadd.f32 v6, v5;
	[tilespmem:s11+$0xD430] =	vst v7  }
.LBB2_3:
0x72: {  	p1 =	sne.s32 s21, $0x9E00;
	v6 =	vld [tilespmem:s8+$0x19C30]  }
0x73: {  	v7 =	vld [tilespmem:s8+$0xC00];
	[tilespmem:s11+$0xD400] =	vst v5;
	v3 =	vadd.f32 v3, v1  }
0x74: {  	v5 =	vld [tilespmem:s8+$0x19C00]  }
.Ltmp0:
0x75: {  	v1 =	vld [tilespmem:s8+$0xC10];
	[tilespmem:s11+$0xD410] =	vst v3;
	v4 =	vadd.f32 v4, v0;
	(pc) =	sbr.rel @p1 .LBB2_3-.Ltmp0, $4  }
0x76: {  	v3 =	vld [tilespmem:s8+$0x19C10]  }
0x77: {  	v0 =	vld [tilespmem:s8+$0xC20];
	v6 =	vadd.f32 v6, v2;
	[tilespmem:s11+$0xD420] =	vst v4;
	s11 =	smov.u32 s8  }
0x78: {  	s8 =	sshra.s32 s21, $0x2;
	v4 =	vld [tilespmem:s11+$0x19C20]  }
0x79: {  	s21 =	sadd.s32 $0x200, s21;
	v2 =	vld [tilespmem:s8+$0xC30];
	v5 =	vadd.f32 v5, v7;
	[tilespmem:s11+$0xD430] =	vst v6  }
0x7a: {  	v6 =	vld [tilespmem:s8+$0x19C30]  }
0x7b: {  	v7 =	vld [tilespmem:s8+$0xC00];
	[tilespmem:s11+$0xD400] =	vst v5;
	v1 =	vadd.f32 v3, v1  }
0x7c: {  	v3 =	vld [tilespmem:s8+$0x19C00]  }
0x7d: {  	v5 =	vld [tilespmem:s8+$0xC10];
	[tilespmem:s11+$0xD410] =	vst v1;
	v0 =	vadd.f32 v4, v0  }
0x7e: {  	v1 =	vld [tilespmem:s8+$0x19C10]  }
0x7f: {  	v4 =	vld [tilespmem:s8+$0xC20];
	[tilespmem:s11+$0xD420] =	vst v0  }
0x80: {  	v0 =	vld [tilespmem:s8+$0x19C20];
	_ =	sdelay $0x1  }
0x81: {  	v2 =	vadd.f32 v6, v2  }
0x82: {  	v3 =	vadd.f32 v3, v7  }
0x83: {  	[tilespmem:s8+$0xD430] =	vst v2;
	v1 =	vadd.f32 v1, v5  }
0x84: {  	[tilespmem:s8+$0xD400] =	vst v3;
	v0 =	vadd.f32 v0, v4  }
0x85: {  	[tilespmem:s8+$0xD410] =	vst v1  }
0x86: {  	s29 =	simm.s32 $0x800;
	[tilespmem:s8+$0xD420] =	vst v0  }
0x87: {  	[tilespmem:s16], [sflag:$0x3] =	stream.indirect.gather [hbm4b:s6+s14], $0x80, s29, s14, $0xb8;
	v63 =	vld [tilespmem:$0x0]  }
0x88: {  	_ =	swait.ge [sflag:s30], $0x2800  }
0x89: {  	[sflag:s30] =	ssyncset.done $0x0  }
0x8a: {  	s11 =	simm.s32 $0x0;
	[sflag:s30] =	ssyncadd.s32 $0xFFFFD800  }
0x8b: {  	v2 =	vld [tilespmem:s11+$0x3430]  }
0x8c: {  	v4 =	vld [tilespmem:s11+$0x1C430]  }
0x8d: {  	v5 =	vld [tilespmem:s11+$0x3400]  }
0x8e: {  	v6 =	vld [tilespmem:s11+$0x1C400]  }
0x8f: {  	v1 =	vld [tilespmem:s11+$0x3410]  }
0x90: {  	v3 =	vld [tilespmem:s11+$0x1C410]  }
0x91: {  	v0 =	vld [tilespmem:s11+$0x3420];
	v7 =	vadd.f32 v4, v2  }
0x92: {  	s8 =	simm.s32 $0x80;
	v4 =	vld [tilespmem:s11+$0x1C420]  }
0x93: {  	s21 =	simm.s32 $0x400;
	v2 =	vld [tilespmem:s8+$0x3430];
	v5 =	vadd.f32 v6, v5;
	[tilespmem:s11+$0xFC30] =	vst v7  }
.LBB2_5:
0x94: {  	p1 =	sne.s32 s21, $0x9E00;
	v6 =	vld [tilespmem:s8+$0x1C430]  }
0x95: {  	v7 =	vld [tilespmem:s8+$0x3400];
	[tilespmem:s11+$0xFC00] =	vst v5;
	v3 =	vadd.f32 v3, v1  }
0x96: {  	v5 =	vld [tilespmem:s8+$0x1C400]  }
.Ltmp1:
0x97: {  	v1 =	vld [tilespmem:s8+$0x3410];
	[tilespmem:s11+$0xFC10] =	vst v3;
	v4 =	vadd.f32 v4, v0;
	(pc) =	sbr.rel @p1 .LBB2_5-.Ltmp1, $4  }
0x98: {  	v3 =	vld [tilespmem:s8+$0x1C410]  }
0x99: {  	v0 =	vld [tilespmem:s8+$0x3420];
	v6 =	vadd.f32 v6, v2;
	[tilespmem:s11+$0xFC20] =	vst v4;
	s11 =	smov.u32 s8  }
0x9a: {  	s8 =	sshra.s32 s21, $0x2;
	v4 =	vld [tilespmem:s11+$0x1C420]  }
0x9b: {  	s21 =	sadd.s32 $0x200, s21;
	v2 =	vld [tilespmem:s8+$0x3430];
	v5 =	vadd.f32 v5, v7;
	[tilespmem:s11+$0xFC30] =	vst v6  }
0x9c: {  	v6 =	vld [tilespmem:s8+$0x1C430]  }
0x9d: {  	v7 =	vld [tilespmem:s8+$0x3400];
	[tilespmem:s11+$0xFC00] =	vst v5;
	v1 =	vadd.f32 v3, v1  }
0x9e: {  	v3 =	vld [tilespmem:s8+$0x1C400]  }
0x9f: {  	v5 =	vld [tilespmem:s8+$0x3410];
	[tilespmem:s11+$0xFC10] =	vst v1;
	v0 =	vadd.f32 v4, v0  }
0xa0: {  	v1 =	vld [tilespmem:s8+$0x1C410]  }
0xa1: {  	v4 =	vld [tilespmem:s8+$0x3420];
	[tilespmem:s11+$0xFC20] =	vst v0  }
0xa2: {  	v0 =	vld [tilespmem:s8+$0x1C420];
	_ =	sdelay $0x1  }
0xa3: {  	v2 =	vadd.f32 v6, v2  }
0xa4: {  	v3 =	vadd.f32 v3, v7  }
0xa5: {  	[tilespmem:s8+$0xFC30] =	vst v2;
	v1 =	vadd.f32 v1, v5  }
0xa6: {  	[tilespmem:s8+$0xFC00] =	vst v3;
	v0 =	vadd.f32 v0, v4  }
0xa7: {  	[tilespmem:s8+$0xFC10] =	vst v1  }
0xa8: {  	[tilespmem:s8+$0xFC20] =	vst v0  }
0xa9: {  	[tilespmem:s18], [sflag:$0x4] =	stream.indirect.gather [hbm4b:s6+s14], $0x80, s31, s14, $0xb8;
	v63 =	vld [tilespmem:$0x0]  }
0xaa: {  	_ =	swait.ge [sflag:s2], $0x2800  }
0xab: {  	[sflag:s2] =	ssyncset.done $0x0  }
0xac: {  	s11 =	simm.s32 $0x0;
	[sflag:s2] =	ssyncadd.s32 $0xFFFFD800  }
0xad: {  	v2 =	vld [tilespmem:s11+$0x5C30]  }
0xae: {  	v4 =	vld [tilespmem:s11+$0x1EC30]  }
0xaf: {  	v5 =	vld [tilespmem:s11+$0x5C00]  }
0xb0: {  	v6 =	vld [tilespmem:s11+$0x1EC00]  }
0xb1: {  	v1 =	vld [tilespmem:s11+$0x5C10]  }
0xb2: {  	v3 =	vld [tilespmem:s11+$0x1EC10]  }
0xb3: {  	v0 =	vld [tilespmem:s11+$0x5C20];
	v7 =	vadd.f32 v4, v2  }
0xb4: {  	s8 =	simm.s32 $0x80;
	v4 =	vld [tilespmem:s11+$0x1EC20]  }
0xb5: {  	s29 =	simm.s32 $0x400;
	s21 =	simm.s32 $0x0;
	v2 =	vld [tilespmem:s8+$0x5C30];
	v5 =	vadd.f32 v6, v5;
	[tilespmem:s11+$0x12430] =	vst v7  }
.LBB2_7:
0xb6: {  	p1 =	sne.s32 s29, $0x4E00;
	v6 =	vld [tilespmem:s8+$0x1EC30]  }
0xb7: {  	v7 =	vld [tilespmem:s8+$0x5C00];
	[tilespmem:s21+$0x12400] =	vst v5;
	v3 =	vadd.f32 v3, v1  }
0xb8: {  	v5 =	vld [tilespmem:s8+$0x1EC00]  }
.Ltmp2:
0xb9: {  	v1 =	vld [tilespmem:s8+$0x5C10];
	[tilespmem:s21+$0x12410] =	vst v3;
	v4 =	vadd.f32 v4, v0;
	(pc) =	sbr.rel @p1 .LBB2_7-.Ltmp2, $4  }
0xba: {  	v3 =	vld [tilespmem:s8+$0x1EC10]  }
0xbb: {  	v0 =	vld [tilespmem:s8+$0x5C20];
	v6 =	vadd.f32 v6, v2;
	[tilespmem:s21+$0x12420] =	vst v4;
	s21 =	smov.u32 s8  }
0xbc: {  	s8 =	sshra.s32 s29, $0x2;
	v4 =	vld [tilespmem:s21+$0x1EC20]  }
0xbd: {  	s29 =	sadd.s32 $0x200, s29;
	v2 =	vld [tilespmem:s8+$0x5C30];
	v5 =	vadd.f32 v5, v7;
	[tilespmem:s21+$0x12430] =	vst v6  }
0xbe: {  	v6 =	vld [tilespmem:s8+$0x1EC30]  }
0xbf: {  	v7 =	vld [tilespmem:s8+$0x5C00];
	[tilespmem:s21+$0x12400] =	vst v5;
	v1 =	vadd.f32 v3, v1  }
0xc0: {  	v3 =	vld [tilespmem:s8+$0x1EC00]  }
0xc1: {  	v5 =	vld [tilespmem:s8+$0x5C10];
	[tilespmem:s21+$0x12410] =	vst v1;
	v0 =	vadd.f32 v4, v0  }
0xc2: {  	v1 =	vld [tilespmem:s8+$0x1EC10]  }
0xc3: {  	v4 =	vld [tilespmem:s8+$0x5C20];
	[tilespmem:s21+$0x12420] =	vst v0  }
0xc4: {  	v0 =	vld [tilespmem:s8+$0x1EC20];
	_ =	sdelay $0x1  }
0xc5: {  	v2 =	vadd.f32 v6, v2  }
0xc6: {  	v3 =	vadd.f32 v3, v7  }
0xc7: {  	[tilespmem:s8+$0x12430] =	vst v2;
	v1 =	vadd.f32 v1, v5  }
0xc8: {  	[tilespmem:s8+$0x12400] =	vst v3;
	v0 =	vadd.f32 v0, v4  }
0xc9: {  	[tilespmem:s8+$0x12410] =	vst v1  }
0xca: {  	[tilespmem:s8+$0x12420] =	vst v0  }
0xcb: {  	v2 =	vld [tilespmem:s11+$0x7030]  }
0xcc: {  	v4 =	vld [tilespmem:s11+$0x19C30]  }
0xcd: {  	v5 =	vld [tilespmem:s11+$0x7000]  }
0xce: {  	v6 =	vld [tilespmem:s11+$0x19C00]  }
0xcf: {  	v1 =	vld [tilespmem:s11+$0x7010]  }
0xd0: {  	v3 =	vld [tilespmem:s11+$0x19C10]  }
0xd1: {  	v0 =	vld [tilespmem:s11+$0x7020];
	v7 =	vadd.f32 v4, v2  }
0xd2: {  	s8 =	simm.s32 $0x80;
	v4 =	vld [tilespmem:s11+$0x19C20]  }
0xd3: {  	s21 =	simm.s32 $0x400;
	v2 =	vld [tilespmem:s8+$0x7030];
	v5 =	vadd.f32 v6, v5;
	[tilespmem:s11+$0x13830] =	vst v7  }
.LBB2_9:
0xd4: {  	p1 =	sne.s32 s21, $0x4E00;
	v6 =	vld [tilespmem:s8+$0x19C30]  }
0xd5: {  	v7 =	vld [tilespmem:s8+$0x7000];
	[tilespmem:s11+$0x13800] =	vst v5;
	v3 =	vadd.f32 v3, v1  }
0xd6: {  	v5 =	vld [tilespmem:s8+$0x19C00]  }
.Ltmp3:
0xd7: {  	v1 =	vld [tilespmem:s8+$0x7010];
	[tilespmem:s11+$0x13810] =	vst v3;
	v4 =	vadd.f32 v4, v0;
	(pc) =	sbr.rel @p1 .LBB2_9-.Ltmp3, $4  }
0xd8: {  	v3 =	vld [tilespmem:s8+$0x19C10]  }
0xd9: {  	v0 =	vld [tilespmem:s8+$0x7020];
	v6 =	vadd.f32 v6, v2;
	[tilespmem:s11+$0x13820] =	vst v4;
	s11 =	smov.u32 s8  }
0xda: {  	s8 =	sshra.s32 s21, $0x2;
	v4 =	vld [tilespmem:s11+$0x19C20]  }
0xdb: {  	s21 =	sadd.s32 $0x200, s21;
	v2 =	vld [tilespmem:s8+$0x7030];
	v5 =	vadd.f32 v5, v7;
	[tilespmem:s11+$0x13830] =	vst v6  }
0xdc: {  	v6 =	vld [tilespmem:s8+$0x19C30]  }
0xdd: {  	v7 =	vld [tilespmem:s8+$0x7000];
	[tilespmem:s11+$0x13800] =	vst v5;
	v1 =	vadd.f32 v3, v1  }
0xde: {  	v3 =	vld [tilespmem:s8+$0x19C00]  }
0xdf: {  	v5 =	vld [tilespmem:s8+$0x7010];
	[tilespmem:s11+$0x13810] =	vst v1;
	v0 =	vadd.f32 v4, v0  }
0xe0: {  	v1 =	vld [tilespmem:s8+$0x19C10]  }
0xe1: {  	v4 =	vld [tilespmem:s8+$0x7020];
	[tilespmem:s11+$0x13820] =	vst v0  }
0xe2: {  	v0 =	vld [tilespmem:s8+$0x19C20];
	_ =	sdelay $0x1  }
0xe3: {  	v2 =	vadd.f32 v6, v2  }
0xe4: {  	v3 =	vadd.f32 v3, v7  }
0xe5: {  	[tilespmem:s8+$0x13830] =	vst v2;
	v1 =	vadd.f32 v1, v5  }
0xe6: {  	[tilespmem:s8+$0x13800] =	vst v3;
	v0 =	vadd.f32 v0, v4  }
0xe7: {  	[tilespmem:s8+$0x13810] =	vst v1  }
0xe8: {  	[tilespmem:s8+$0x13820] =	vst v0  }
0xe9: {  	[tilespmem:s20], [sflag:$0x5] =	stream.indirect.gather [hbm4b:s6+s14], $0x80, s0, s14, $0xb8;
	v63 =	vld [tilespmem:$0x0]  }
0xea: {  	_ =	swait.ge [sflag:s3], $0x2800  }
0xeb: {  	[sflag:s3] =	ssyncset.done $0x0  }
0xec: {  	s11 =	simm.s32 $0x0;
	[sflag:s3] =	ssyncadd.s32 $0xFFFFD800  }
0xed: {  	v2 =	vld [tilespmem:s11+$0x8430]  }
0xee: {  	v4 =	vld [tilespmem:s11+$0x1B030]  }
0xef: {  	v5 =	vld [tilespmem:s11+$0x8400]  }
0xf0: {  	v6 =	vld [tilespmem:s11+$0x1B000]  }
0xf1: {  	v1 =	vld [tilespmem:s11+$0x8410]  }
0xf2: {  	v3 =	vld [tilespmem:s11+$0x1B010]  }
0xf3: {  	v0 =	vld [tilespmem:s11+$0x8420];
	v7 =	vadd.f32 v4, v2  }
0xf4: {  	s8 =	simm.s32 $0x80;
	v4 =	vld [tilespmem:s11+$0x1B020]  }
0xf5: {  	s21 =	simm.s32 $0x400;
	v2 =	vld [tilespmem:s8+$0x8430];
	v5 =	vadd.f32 v6, v5;
	[tilespmem:s11+$0x14C30] =	vst v7  }
.LBB2_11:
0xf6: {  	p1 =	sne.s32 s21, $0x9E00;
	v6 =	vld [tilespmem:s8+$0x1B030]  }
0xf7: {  	v7 =	vld [tilespmem:s8+$0x8400];
	[tilespmem:s11+$0x14C00] =	vst v5;
	v3 =	vadd.f32 v3, v1  }
0xf8: {  	v5 =	vld [tilespmem:s8+$0x1B000]  }
.Ltmp4:
0xf9: {  	v1 =	vld [tilespmem:s8+$0x8410];
	[tilespmem:s11+$0x14C10] =	vst v3;
	v4 =	vadd.f32 v4, v0;
	(pc) =	sbr.rel @p1 .LBB2_11-.Ltmp4, $4  }
0xfa: {  	v3 =	vld [tilespmem:s8+$0x1B010]  }
0xfb: {  	v0 =	vld [tilespmem:s8+$0x8420];
	v6 =	vadd.f32 v6, v2;
	[tilespmem:s11+$0x14C20] =	vst v4;
	s11 =	smov.u32 s8  }
0xfc: {  	s8 =	sshra.s32 s21, $0x2;
	v4 =	vld [tilespmem:s11+$0x1B020]  }
0xfd: {  	s21 =	sadd.s32 $0x200, s21;
	v2 =	vld [tilespmem:s8+$0x8430];
	v5 =	vadd.f32 v5, v7;
	[tilespmem:s11+$0x14C30] =	vst v6  }
0xfe: {  	v6 =	vld [tilespmem:s8+$0x1B030]  }
0xff: {  	v7 =	vld [tilespmem:s8+$0x8400];
	[tilespmem:s11+$0x14C00] =	vst v5;
	v1 =	vadd.f32 v3, v1  }
0x100: {  	v3 =	vld [tilespmem:s8+$0x1B000]  }
0x101: {  	v5 =	vld [tilespmem:s8+$0x8410];
	[tilespmem:s11+$0x14C10] =	vst v1;
	v0 =	vadd.f32 v4, v0  }
0x102: {  	v1 =	vld [tilespmem:s8+$0x1B010]  }
0x103: {  	v4 =	vld [tilespmem:s8+$0x8420];
	[tilespmem:s11+$0x14C20] =	vst v0  }
0x104: {  	v0 =	vld [tilespmem:s8+$0x1B020];
	_ =	sdelay $0x1  }
0x105: {  	v2 =	vadd.f32 v6, v2  }
0x106: {  	v3 =	vadd.f32 v3, v7  }
0x107: {  	[tilespmem:s8+$0x14C30] =	vst v2;
	v1 =	vadd.f32 v1, v5  }
0x108: {  	[tilespmem:s8+$0x14C00] =	vst v3;
	v0 =	vadd.f32 v0, v4  }
0x109: {  	[tilespmem:s8+$0x14C10] =	vst v1  }
0x10a: {  	[tilespmem:s8+$0x14C20] =	vst v0  }
0x10b: {  	[tilespmem:s22], [sflag:$0x6] =	stream.indirect.gather [hbm4b:s6+s14], $0x80, s12, s14, $0xb8;
	v63 =	vld [tilespmem:$0x0]  }
0x10c: {  	_ =	swait.ge [sflag:s15], $0x2800  }
0x10d: {  	[sflag:s15] =	ssyncset.done $0x0  }
0x10e: {  	s11 =	simm.s32 $0x0;
	[sflag:s15] =	ssyncadd.s32 $0xFFFFD800  }
0x10f: {  	v2 =	vld [tilespmem:s11+$0xAC30]  }
0x110: {  	v4 =	vld [tilespmem:s11+$0x1D830]  }
0x111: {  	v5 =	vld [tilespmem:s11+$0xAC00]  }
0x112: {  	v6 =	vld [tilespmem:s11+$0x1D800]  }
0x113: {  	v1 =	vld [tilespmem:s11+$0xAC10]  }
0x114: {  	v3 =	vld [tilespmem:s11+$0x1D810]  }
0x115: {  	v0 =	vld [tilespmem:s11+$0xAC20];
	v7 =	vadd.f32 v4, v2  }
0x116: {  	s8 =	simm.s32 $0x80;
	v4 =	vld [tilespmem:s11+$0x1D820]  }
0x117: {  	s21 =	simm.s32 $0x400;
	v2 =	vld [tilespmem:s8+$0xAC30];
	v5 =	vadd.f32 v6, v5;
	[tilespmem:s11+$0x17430] =	vst v7  }
.LBB2_13:
0x118: {  	p1 =	sne.s32 s21, $0x9E00;
	v6 =	vld [tilespmem:s8+$0x1D830]  }
0x119: {  	v7 =	vld [tilespmem:s8+$0xAC00];
	[tilespmem:s11+$0x17400] =	vst v5;
	v3 =	vadd.f32 v3, v1  }
0x11a: {  	v5 =	vld [tilespmem:s8+$0x1D800]  }
.Ltmp5:
0x11b: {  	v1 =	vld [tilespmem:s8+$0xAC10];
	[tilespmem:s11+$0x17410] =	vst v3;
	v4 =	vadd.f32 v4, v0;
	(pc) =	sbr.rel @p1 .LBB2_13-.Ltmp5, $4  }
0x11c: {  	v3 =	vld [tilespmem:s8+$0x1D810]  }
0x11d: {  	v0 =	vld [tilespmem:s8+$0xAC20];
	v6 =	vadd.f32 v6, v2;
	[tilespmem:s11+$0x17420] =	vst v4;
	s11 =	smov.u32 s8  }
0x11e: {  	s8 =	sshra.s32 s21, $0x2;
	v4 =	vld [tilespmem:s11+$0x1D820]  }
0x11f: {  	s21 =	sadd.s32 $0x200, s21;
	v2 =	vld [tilespmem:s8+$0xAC30];
	v5 =	vadd.f32 v5, v7;
	[tilespmem:s11+$0x17430] =	vst v6  }
0x120: {  	v6 =	vld [tilespmem:s8+$0x1D830]  }
0x121: {  	v7 =	vld [tilespmem:s8+$0xAC00];
	[tilespmem:s11+$0x17400] =	vst v5;
	v1 =	vadd.f32 v3, v1  }
0x122: {  	v3 =	vld [tilespmem:s8+$0x1D800]  }
0x123: {  	v5 =	vld [tilespmem:s8+$0xAC10];
	[tilespmem:s11+$0x17410] =	vst v1;
	v0 =	vadd.f32 v4, v0  }
0x124: {  	v1 =	vld [tilespmem:s8+$0x1D810]  }
0x125: {  	v4 =	vld [tilespmem:s8+$0xAC20];
	[tilespmem:s11+$0x17420] =	vst v0  }
0x126: {  	v0 =	vld [tilespmem:s8+$0x1D820];
	_ =	sdelay $0x1  }
0x127: {  	v2 =	vadd.f32 v6, v2  }
0x128: {  	v3 =	vadd.f32 v3, v7  }
0x129: {  	[tilespmem:s8+$0x17430] =	vst v2;
	v1 =	vadd.f32 v1, v5  }
0x12a: {  	[tilespmem:s8+$0x17400] =	vst v3;
	v0 =	vadd.f32 v0, v4  }
0x12b: {  	[tilespmem:s8+$0x17410] =	vst v1  }
0x12c: {  	s29 =	sshll.u32 s9, $0x4;
	[tilespmem:s8+$0x17420] =	vst v0  }
0x12d: {  	[tilespmem:s24], [sflag:$0x7] =	stream.indirect.gather [hbm4b:s6+s14], $0x80, s17, s14, $0xb8;
	v63 =	vld [tilespmem:$0x0]  }
0x12e: {  	s8 =	sadd.s32 s7, s29  }
0x12f: {  	[hbm4b:s8+s4] =	stream.linear.scatter [tilespmem:s19], [sflag:$0x8], $0xC800, $0x38;
	v63 =	vld [tilespmem:$0x0]  }
0x130: {  	_ =	swait.ge [sflag:s13], $0xC800  }
0x131: {  	[sflag:s13] =	ssyncset.done $0x0  }
0x132: {  	s8 =	simm.s32 @!p0 $0x1;
	[sflag:s13] =	ssyncadd.s32 $0xFFFF3800  }
0x133: {  	_ =	swait.ge @!p0 [sflag:s8], $0x190  }
0x134: {  	[sflag:s8] =	ssyncset.done @!p0 $0x0  }
0x135: {  	[sflag:s8] =	ssyncadd.s32 @!p0 $0xFFFFFE70  }
0x136: {  	v0 =	vld @!p0 [tilespmem:$0x0]  }
0x137: {  	v1 =	vld @!p0 [tilespmem:$0x10]  }
0x138: {  	v2 =	vld @!p0 [tilespmem:$0x20]  }
0x139: {  	v3 =	vld @!p0 [tilespmem:$0x30]  }
0x13a: {  	v4 =	vld @!p0 [tilespmem:$0x40]  }
0x13b: {  	[tilespmem:$0x400] =	vst @!p0 v0;
	v0 =	vld @!p0 [tilespmem:$0x50]  }
0x13c: {  	[tilespmem:$0x410] =	vst @!p0 v1;
	v1 =	vld @!p0 [tilespmem:$0x60]  }
0x13d: {  	[tilespmem:$0x420] =	vst @!p0 v2;
	v2 =	vld @!p0 [tilespmem:$0x70]  }
0x13e: {  	[tilespmem:$0x430] =	vst @!p0 v3;
	v3 =	vld @!p0 [tilespmem:$0x80]  }
0x13f: {  	[tilespmem:$0x440] =	vst @!p0 v4;
	v4 =	vld @!p0 [tilespmem:$0x90]  }
0x140: {  	[tilespmem:$0x480] =	vst @!p0 v0;
	v0 =	vld @!p0 [tilespmem:$0xA0]  }
0x141: {  	[tilespmem:$0x490] =	vst @!p0 v1;
	v1 =	vld @!p0 [tilespmem:$0xB0]  }
0x142: {  	[tilespmem:$0x4A0] =	vst @!p0 v2;
	v2 =	vld @!p0 [tilespmem:$0xC0]  }
0x143: {  	[tilespmem:$0x4B0] =	vst @!p0 v3;
	v3 =	vld @!p0 [tilespmem:$0xD0]  }
0x144: {  	[tilespmem:$0x4C0] =	vst @!p0 v4;
	v4 =	vld @!p0 [tilespmem:$0xE0]  }
0x145: {  	[tilespmem:$0x500] =	vst @!p0 v0;
	v0 =	vld @!p0 [tilespmem:$0xF0]  }
0x146: {  	[tilespmem:$0x510] =	vst @!p0 v1;
	v1 =	vld @!p0 [tilespmem:$0x100]  }
0x147: {  	[tilespmem:$0x520] =	vst @!p0 v2;
	v2 =	vld @!p0 [tilespmem:$0x110]  }
0x148: {  	[tilespmem:$0x530] =	vst @!p0 v3;
	v3 =	vld @!p0 [tilespmem:$0x120]  }
0x149: {  	[tilespmem:$0x540] =	vst @!p0 v4;
	v4 =	vld @!p0 [tilespmem:$0x130]  }
0x14a: {  	[tilespmem:$0x580] =	vst @!p0 v0;
	v0 =	vld @!p0 [tilespmem:$0x140]  }
0x14b: {  	[tilespmem:$0x590] =	vst @!p0 v1;
	v1 =	vld @!p0 [tilespmem:$0x150]  }
0x14c: {  	[tilespmem:$0x5A0] =	vst @!p0 v2;
	v2 =	vld @!p0 [tilespmem:$0x160]  }
0x14d: {  	[tilespmem:$0x5B0] =	vst @!p0 v3;
	v3 =	vld @!p0 [tilespmem:$0x170]  }
0x14e: {  	[tilespmem:$0x5C0] =	vst @!p0 v4;
	v4 =	vld @!p0 [tilespmem:$0x180]  }
0x14f: {  	[tilespmem:$0x600] =	vst @!p0 v0  }
0x150: {  	s25 =	sadd.s32 s25, s10;
	[tilespmem:$0x610] =	vst @!p0 v1  }
0x151: {  	s8 =	sshrl.u32 @!p0 s25, $0x3;
	[tilespmem:$0x620] =	vst @!p0 v2  }
0x152: {  	s8 =	sadd.s32 @!p0 s1, s8;
	[tilespmem:$0x630] =	vst @!p0 v3  }
0x153: {  	s9 =	simm.s32 @!p0 $0x0;
	s11 =	simm.s32 @!p0 $0x200;
	s8 =	sadd.s32 @!p0 $0x64, s8;
	[tilespmem:$0x640] =	vst @!p0 v4  }
0x154: {  	[tilespmem:s11], [sflag:$0x2] =	stream.linear.gather @!p0 [hbm4b:s8+s9], $0x190, $0x38;
	v63 =	vld [tilespmem:$0x0]  }
0x155: {  	_ =	swait.ge [sflag:s28], $0x2800  }
0x156: {  	[sflag:s28] =	ssyncset.done $0x0  }
0x157: {  	s9 =	simm.s32 $0x0;
	[sflag:s28] =	ssyncadd.s32 $0xFFFFD800  }
0x158: {  	v2 =	vld [tilespmem:s9+$0xC30]  }
0x159: {  	v4 =	vld [tilespmem:s9+$0x19C30]  }
0x15a: {  	v5 =	vld [tilespmem:s9+$0xC00]  }
0x15b: {  	v6 =	vld [tilespmem:s9+$0x19C00]  }
0x15c: {  	v1 =	vld [tilespmem:s9+$0xC10]  }
0x15d: {  	v3 =	vld [tilespmem:s9+$0x19C10]  }
0x15e: {  	v0 =	vld [tilespmem:s9+$0xC20];
	v7 =	vadd.f32 v4, v2  }
0x15f: {  	s8 =	simm.s32 $0x80;
	v4 =	vld [tilespmem:s9+$0x19C20]  }
0x160: {  	s11 =	simm.s32 $0x400;
	v2 =	vld [tilespmem:s8+$0xC30];
	v5 =	vadd.f32 v6, v5;
	[tilespmem:s9+$0xD430] =	vst v7  }
.LBB2_15:
0x161: {  	p1 =	sne.s32 s11, $0x9E00;
	v6 =	vld [tilespmem:s8+$0x19C30]  }
0x162: {  	v7 =	vld [tilespmem:s8+$0xC00];
	[tilespmem:s9+$0xD400] =	vst v5;
	v3 =	vadd.f32 v3, v1  }
0x163: {  	v5 =	vld [tilespmem:s8+$0x19C00]  }
.Ltmp6:
0x164: {  	v1 =	vld [tilespmem:s8+$0xC10];
	[tilespmem:s9+$0xD410] =	vst v3;
	v4 =	vadd.f32 v4, v0;
	(pc) =	sbr.rel @p1 .LBB2_15-.Ltmp6, $4  }
0x165: {  	v3 =	vld [tilespmem:s8+$0x19C10]  }
0x166: {  	v0 =	vld [tilespmem:s8+$0xC20];
	v6 =	vadd.f32 v6, v2;
	[tilespmem:s9+$0xD420] =	vst v4;
	s9 =	smov.u32 s8  }
0x167: {  	s8 =	sshra.s32 s11, $0x2;
	v4 =	vld [tilespmem:s9+$0x19C20]  }
0x168: {  	s11 =	sadd.s32 $0x200, s11;
	v2 =	vld [tilespmem:s8+$0xC30];
	v5 =	vadd.f32 v5, v7;
	[tilespmem:s9+$0xD430] =	vst v6  }
0x169: {  	v6 =	vld [tilespmem:s8+$0x19C30]  }
0x16a: {  	v7 =	vld [tilespmem:s8+$0xC00];
	[tilespmem:s9+$0xD400] =	vst v5;
	v1 =	vadd.f32 v3, v1  }
0x16b: {  	v3 =	vld [tilespmem:s8+$0x19C00]  }
0x16c: {  	v5 =	vld [tilespmem:s8+$0xC10];
	[tilespmem:s9+$0xD410] =	vst v1;
	v0 =	vadd.f32 v4, v0  }
0x16d: {  	v1 =	vld [tilespmem:s8+$0x19C10]  }
0x16e: {  	v4 =	vld [tilespmem:s8+$0xC20];
	[tilespmem:s9+$0xD420] =	vst v0  }
0x16f: {  	v0 =	vld [tilespmem:s8+$0x19C20];
	_ =	sdelay $0x1  }
0x170: {  	v2 =	vadd.f32 v6, v2  }
0x171: {  	v3 =	vadd.f32 v3, v7  }
0x172: {  	[tilespmem:s8+$0xD430] =	vst v2;
	v1 =	vadd.f32 v1, v5  }
0x173: {  	[tilespmem:s8+$0xD400] =	vst v3;
	v0 =	vadd.f32 v0, v4  }
0x174: {  	[tilespmem:s8+$0xD410] =	vst v1  }
0x175: {  	s11 =	simm.s32 @!p0 $0xC00;
	s9 =	simm.s32 @!p0 $0x400;
	[tilespmem:s8+$0xD420] =	vst v0;
	s8 =	simm.s32 @!p0 $0x50  }
0x176: {  	[tilespmem:s11], [sflag:$0x3] =	stream.indirect.gather @!p0 [hbm4b:s6+s8], $0x80, s9, s8, $0xb8;
	v63 =	vld [tilespmem:$0x0]  }
0x177: {  	_ =	swait.ge [sflag:s30], $0x2800  }
0x178: {  	[sflag:s30] =	ssyncset.done $0x0  }
0x179: {  	s9 =	simm.s32 $0x0;
	[sflag:s30] =	ssyncadd.s32 $0xFFFFD800  }
0x17a: {  	v2 =	vld [tilespmem:s9+$0x3430]  }
0x17b: {  	v4 =	vld [tilespmem:s9+$0x1C430]  }
0x17c: {  	v5 =	vld [tilespmem:s9+$0x3400]  }
0x17d: {  	v6 =	vld [tilespmem:s9+$0x1C400]  }
0x17e: {  	v1 =	vld [tilespmem:s9+$0x3410]  }
0x17f: {  	v3 =	vld [tilespmem:s9+$0x1C410]  }
0x180: {  	v0 =	vld [tilespmem:s9+$0x3420];
	v7 =	vadd.f32 v4, v2  }
0x181: {  	s8 =	simm.s32 $0x80;
	v4 =	vld [tilespmem:s9+$0x1C420]  }
0x182: {  	s11 =	simm.s32 $0x400;
	v2 =	vld [tilespmem:s8+$0x3430];
	v5 =	vadd.f32 v6, v5;
	[tilespmem:s9+$0xFC30] =	vst v7  }
.LBB2_17:
0x183: {  	p1 =	sne.s32 s11, $0x9E00;
	v6 =	vld [tilespmem:s8+$0x1C430]  }
0x184: {  	v7 =	vld [tilespmem:s8+$0x3400];
	[tilespmem:s9+$0xFC00] =	vst v5;
	v3 =	vadd.f32 v3, v1  }
0x185: {  	v5 =	vld [tilespmem:s8+$0x1C400]  }
.Ltmp7:
0x186: {  	v1 =	vld [tilespmem:s8+$0x3410];
	[tilespmem:s9+$0xFC10] =	vst v3;
	v4 =	vadd.f32 v4, v0;
	(pc) =	sbr.rel @p1 .LBB2_17-.Ltmp7, $4  }
0x187: {  	v3 =	vld [tilespmem:s8+$0x1C410]  }
0x188: {  	v0 =	vld [tilespmem:s8+$0x3420];
	v6 =	vadd.f32 v6, v2;
	[tilespmem:s9+$0xFC20] =	vst v4;
	s9 =	smov.u32 s8  }
0x189: {  	s8 =	sshra.s32 s11, $0x2;
	v4 =	vld [tilespmem:s9+$0x1C420]  }
0x18a: {  	s11 =	sadd.s32 $0x200, s11;
	v2 =	vld [tilespmem:s8+$0x3430];
	v5 =	vadd.f32 v5, v7;
	[tilespmem:s9+$0xFC30] =	vst v6  }
0x18b: {  	v6 =	vld [tilespmem:s8+$0x1C430]  }
0x18c: {  	v7 =	vld [tilespmem:s8+$0x3400];
	[tilespmem:s9+$0xFC00] =	vst v5;
	v1 =	vadd.f32 v3, v1  }
0x18d: {  	v3 =	vld [tilespmem:s8+$0x1C400]  }
0x18e: {  	v5 =	vld [tilespmem:s8+$0x3410];
	[tilespmem:s9+$0xFC10] =	vst v1;
	v0 =	vadd.f32 v4, v0  }
0x18f: {  	v1 =	vld [tilespmem:s8+$0x1C410]  }
0x190: {  	v4 =	vld [tilespmem:s8+$0x3420];
	[tilespmem:s9+$0xFC20] =	vst v0  }
0x191: {  	v0 =	vld [tilespmem:s8+$0x1C420];
	_ =	sdelay $0x1  }
0x192: {  	v2 =	vadd.f32 v6, v2  }
0x193: {  	v3 =	vadd.f32 v3, v7  }
0x194: {  	[tilespmem:s8+$0xFC30] =	vst v2;
	v1 =	vadd.f32 v1, v5  }
0x195: {  	[tilespmem:s8+$0xFC00] =	vst v3;
	v0 =	vadd.f32 v0, v4  }
0x196: {  	[tilespmem:s8+$0xFC10] =	vst v1  }
0x197: {  	s11 =	simm.s32 @!p0 $0x3400;
	s9 =	simm.s32 @!p0 $0x480;
	[tilespmem:s8+$0xFC20] =	vst v0;
	s8 =	simm.s32 @!p0 $0x50  }
0x198: {  	[tilespmem:s11], [sflag:$0x4] =	stream.indirect.gather @!p0 [hbm4b:s6+s8], $0x80, s9, s8, $0xb8;
	v63 =	vld [tilespmem:$0x0]  }
0x199: {  	_ =	swait.ge [sflag:s2], $0x2800  }
0x19a: {  	[sflag:s2] =	ssyncset.done $0x0  }
0x19b: {  	s9 =	simm.s32 $0x0;
	[sflag:s2] =	ssyncadd.s32 $0xFFFFD800  }
0x19c: {  	v2 =	vld [tilespmem:s9+$0x5C30]  }
0x19d: {  	v4 =	vld [tilespmem:s9+$0x1EC30]  }
0x19e: {  	v5 =	vld [tilespmem:s9+$0x5C00]  }
0x19f: {  	v6 =	vld [tilespmem:s9+$0x1EC00]  }
0x1a0: {  	v1 =	vld [tilespmem:s9+$0x5C10]  }
0x1a1: {  	v3 =	vld [tilespmem:s9+$0x1EC10]  }
0x1a2: {  	v0 =	vld [tilespmem:s9+$0x5C20];
	v7 =	vadd.f32 v4, v2  }
0x1a3: {  	s8 =	simm.s32 $0x80;
	v4 =	vld [tilespmem:s9+$0x1EC20]  }
0x1a4: {  	s21 =	simm.s32 $0x400;
	s11 =	simm.s32 $0x0;
	v2 =	vld [tilespmem:s8+$0x5C30];
	v5 =	vadd.f32 v6, v5;
	[tilespmem:s9+$0x12430] =	vst v7  }
.LBB2_19:
0x1a5: {  	p1 =	sne.s32 s21, $0x4E00;
	v6 =	vld [tilespmem:s8+$0x1EC30]  }
0x1a6: {  	v7 =	vld [tilespmem:s8+$0x5C00];
	[tilespmem:s11+$0x12400] =	vst v5;
	v3 =	vadd.f32 v3, v1  }
0x1a7: {  	v5 =	vld [tilespmem:s8+$0x1EC00]  }
.Ltmp8:
0x1a8: {  	v1 =	vld [tilespmem:s8+$0x5C10];
	[tilespmem:s11+$0x12410] =	vst v3;
	v4 =	vadd.f32 v4, v0;
	(pc) =	sbr.rel @p1 .LBB2_19-.Ltmp8, $4  }
0x1a9: {  	v3 =	vld [tilespmem:s8+$0x1EC10]  }
0x1aa: {  	v0 =	vld [tilespmem:s8+$0x5C20];
	v6 =	vadd.f32 v6, v2;
	[tilespmem:s11+$0x12420] =	vst v4;
	s11 =	smov.u32 s8  }
0x1ab: {  	s8 =	sshra.s32 s21, $0x2;
	v4 =	vld [tilespmem:s11+$0x1EC20]  }
0x1ac: {  	s21 =	sadd.s32 $0x200, s21;
	v2 =	vld [tilespmem:s8+$0x5C30];
	v5 =	vadd.f32 v5, v7;
	[tilespmem:s11+$0x12430] =	vst v6  }
0x1ad: {  	v6 =	vld [tilespmem:s8+$0x1EC30]  }
0x1ae: {  	v7 =	vld [tilespmem:s8+$0x5C00];
	[tilespmem:s11+$0x12400] =	vst v5;
	v1 =	vadd.f32 v3, v1  }
0x1af: {  	v3 =	vld [tilespmem:s8+$0x1EC00]  }
0x1b0: {  	v5 =	vld [tilespmem:s8+$0x5C10];
	[tilespmem:s11+$0x12410] =	vst v1;
	v0 =	vadd.f32 v4, v0  }
0x1b1: {  	v1 =	vld [tilespmem:s8+$0x1EC10]  }
0x1b2: {  	v4 =	vld [tilespmem:s8+$0x5C20];
	[tilespmem:s11+$0x12420] =	vst v0  }
0x1b3: {  	v0 =	vld [tilespmem:s8+$0x1EC20];
	_ =	sdelay $0x1  }
0x1b4: {  	v2 =	vadd.f32 v6, v2  }
0x1b5: {  	v3 =	vadd.f32 v3, v7  }
0x1b6: {  	[tilespmem:s8+$0x12430] =	vst v2;
	v1 =	vadd.f32 v1, v5  }
0x1b7: {  	[tilespmem:s8+$0x12400] =	vst v3;
	v0 =	vadd.f32 v0, v4  }
0x1b8: {  	[tilespmem:s8+$0x12410] =	vst v1  }
0x1b9: {  	[tilespmem:s8+$0x12420] =	vst v0  }
0x1ba: {  	v2 =	vld [tilespmem:s9+$0x7030]  }
0x1bb: {  	v4 =	vld [tilespmem:s9+$0x19C30]  }
0x1bc: {  	v5 =	vld [tilespmem:s9+$0x7000]  }
0x1bd: {  	v6 =	vld [tilespmem:s9+$0x19C00]  }
0x1be: {  	v1 =	vld [tilespmem:s9+$0x7010]  }
0x1bf: {  	v3 =	vld [tilespmem:s9+$0x19C10]  }
0x1c0: {  	v0 =	vld [tilespmem:s9+$0x7020];
	v7 =	vadd.f32 v4, v2  }
0x1c1: {  	s8 =	simm.s32 $0x80;
	v4 =	vld [tilespmem:s9+$0x19C20]  }
0x1c2: {  	s11 =	simm.s32 $0x400;
	v2 =	vld [tilespmem:s8+$0x7030];
	v5 =	vadd.f32 v6, v5;
	[tilespmem:s9+$0x13830] =	vst v7  }
.LBB2_21:
0x1c3: {  	p1 =	sne.s32 s11, $0x4E00;
	v6 =	vld [tilespmem:s8+$0x19C30]  }
0x1c4: {  	v7 =	vld [tilespmem:s8+$0x7000];
	[tilespmem:s9+$0x13800] =	vst v5;
	v3 =	vadd.f32 v3, v1  }
0x1c5: {  	v5 =	vld [tilespmem:s8+$0x19C00]  }
.Ltmp9:
0x1c6: {  	v1 =	vld [tilespmem:s8+$0x7010];
	[tilespmem:s9+$0x13810] =	vst v3;
	v4 =	vadd.f32 v4, v0;
	(pc) =	sbr.rel @p1 .LBB2_21-.Ltmp9, $4  }
0x1c7: {  	v3 =	vld [tilespmem:s8+$0x19C10]  }
0x1c8: {  	v0 =	vld [tilespmem:s8+$0x7020];
	v6 =	vadd.f32 v6, v2;
	[tilespmem:s9+$0x13820] =	vst v4;
	s9 =	smov.u32 s8  }
0x1c9: {  	s8 =	sshra.s32 s11, $0x2;
	v4 =	vld [tilespmem:s9+$0x19C20]  }
0x1ca: {  	s11 =	sadd.s32 $0x200, s11;
	v2 =	vld [tilespmem:s8+$0x7030];
	v5 =	vadd.f32 v5, v7;
	[tilespmem:s9+$0x13830] =	vst v6  }
0x1cb: {  	v6 =	vld [tilespmem:s8+$0x19C30]  }
0x1cc: {  	v7 =	vld [tilespmem:s8+$0x7000];
	[tilespmem:s9+$0x13800] =	vst v5;
	v1 =	vadd.f32 v3, v1  }
0x1cd: {  	v3 =	vld [tilespmem:s8+$0x19C00]  }
0x1ce: {  	v5 =	vld [tilespmem:s8+$0x7010];
	[tilespmem:s9+$0x13810] =	vst v1;
	v0 =	vadd.f32 v4, v0  }
0x1cf: {  	v1 =	vld [tilespmem:s8+$0x19C10]  }
0x1d0: {  	v4 =	vld [tilespmem:s8+$0x7020];
	[tilespmem:s9+$0x13820] =	vst v0  }
0x1d1: {  	v0 =	vld [tilespmem:s8+$0x19C20];
	_ =	sdelay $0x1  }
0x1d2: {  	v2 =	vadd.f32 v6, v2  }
0x1d3: {  	v3 =	vadd.f32 v3, v7  }
0x1d4: {  	[tilespmem:s8+$0x13830] =	vst v2;
	v1 =	vadd.f32 v1, v5  }
0x1d5: {  	[tilespmem:s8+$0x13800] =	vst v3;
	v0 =	vadd.f32 v0, v4  }
0x1d6: {  	[tilespmem:s8+$0x13810] =	vst v1  }
0x1d7: {  	s11 =	simm.s32 @!p0 $0x5C00;
	s9 =	simm.s32 @!p0 $0x500;
	[tilespmem:s8+$0x13820] =	vst v0;
	s8 =	simm.s32 @!p0 $0x50  }
0x1d8: {  	[tilespmem:s11], [sflag:$0x5] =	stream.indirect.gather @!p0 [hbm4b:s6+s8], $0x80, s9, s8, $0xb8;
	v63 =	vld [tilespmem:$0x0]  }
0x1d9: {  	_ =	swait.ge [sflag:s3], $0x2800  }
0x1da: {  	[sflag:s3] =	ssyncset.done $0x0  }
0x1db: {  	s9 =	simm.s32 $0x0;
	[sflag:s3] =	ssyncadd.s32 $0xFFFFD800  }
0x1dc: {  	v2 =	vld [tilespmem:s9+$0x8430]  }
0x1dd: {  	v4 =	vld [tilespmem:s9+$0x1B030]  }
0x1de: {  	v5 =	vld [tilespmem:s9+$0x8400]  }
0x1df: {  	v6 =	vld [tilespmem:s9+$0x1B000]  }
0x1e0: {  	v1 =	vld [tilespmem:s9+$0x8410]  }
0x1e1: {  	v3 =	vld [tilespmem:s9+$0x1B010]  }
0x1e2: {  	v0 =	vld [tilespmem:s9+$0x8420];
	v7 =	vadd.f32 v4, v2  }
0x1e3: {  	s8 =	simm.s32 $0x80;
	v4 =	vld [tilespmem:s9+$0x1B020]  }
0x1e4: {  	s11 =	simm.s32 $0x400;
	v2 =	vld [tilespmem:s8+$0x8430];
	v5 =	vadd.f32 v6, v5;
	[tilespmem:s9+$0x14C30] =	vst v7  }
.LBB2_23:
0x1e5: {  	p1 =	sne.s32 s11, $0x9E00;
	v6 =	vld [tilespmem:s8+$0x1B030]  }
0x1e6: {  	v7 =	vld [tilespmem:s8+$0x8400];
	[tilespmem:s9+$0x14C00] =	vst v5;
	v3 =	vadd.f32 v3, v1  }
0x1e7: {  	v5 =	vld [tilespmem:s8+$0x1B000]  }
.Ltmp10:
0x1e8: {  	v1 =	vld [tilespmem:s8+$0x8410];
	[tilespmem:s9+$0x14C10] =	vst v3;
	v4 =	vadd.f32 v4, v0;
	(pc) =	sbr.rel @p1 .LBB2_23-.Ltmp10, $4  }
0x1e9: {  	v3 =	vld [tilespmem:s8+$0x1B010]  }
0x1ea: {  	v0 =	vld [tilespmem:s8+$0x8420];
	v6 =	vadd.f32 v6, v2;
	[tilespmem:s9+$0x14C20] =	vst v4;
	s9 =	smov.u32 s8  }
0x1eb: {  	s8 =	sshra.s32 s11, $0x2;
	v4 =	vld [tilespmem:s9+$0x1B020]  }
0x1ec: {  	s11 =	sadd.s32 $0x200, s11;
	v2 =	vld [tilespmem:s8+$0x8430];
	v5 =	vadd.f32 v5, v7;
	[tilespmem:s9+$0x14C30] =	vst v6  }
0x1ed: {  	v6 =	vld [tilespmem:s8+$0x1B030]  }
0x1ee: {  	v7 =	vld [tilespmem:s8+$0x8400];
	[tilespmem:s9+$0x14C00] =	vst v5;
	v1 =	vadd.f32 v3, v1  }
0x1ef: {  	v3 =	vld [tilespmem:s8+$0x1B000]  }
0x1f0: {  	v5 =	vld [tilespmem:s8+$0x8410];
	[tilespmem:s9+$0x14C10] =	vst v1;
	v0 =	vadd.f32 v4, v0  }
0x1f1: {  	v1 =	vld [tilespmem:s8+$0x1B010]  }
0x1f2: {  	v4 =	vld [tilespmem:s8+$0x8420];
	[tilespmem:s9+$0x14C20] =	vst v0  }
0x1f3: {  	v0 =	vld [tilespmem:s8+$0x1B020];
	_ =	sdelay $0x1  }
0x1f4: {  	v2 =	vadd.f32 v6, v2  }
0x1f5: {  	v3 =	vadd.f32 v3, v7  }
0x1f6: {  	[tilespmem:s8+$0x14C30] =	vst v2;
	v1 =	vadd.f32 v1, v5  }
0x1f7: {  	[tilespmem:s8+$0x14C00] =	vst v3;
	v0 =	vadd.f32 v0, v4  }
0x1f8: {  	[tilespmem:s8+$0x14C10] =	vst v1  }
0x1f9: {  	s11 =	simm.s32 @!p0 $0x8400;
	s9 =	simm.s32 @!p0 $0x580;
	[tilespmem:s8+$0x14C20] =	vst v0;
	s8 =	simm.s32 @!p0 $0x50  }
0x1fa: {  	[tilespmem:s11], [sflag:$0x6] =	stream.indirect.gather @!p0 [hbm4b:s6+s8], $0x80, s9, s8, $0xb8;
	v63 =	vld [tilespmem:$0x0]  }
0x1fb: {  	_ =	swait.ge [sflag:s15], $0x2800  }
0x1fc: {  	[sflag:s15] =	ssyncset.done $0x0  }
0x1fd: {  	s9 =	simm.s32 $0x0;
	[sflag:s15] =	ssyncadd.s32 $0xFFFFD800  }
0x1fe: {  	v2 =	vld [tilespmem:s9+$0xAC30]  }
0x1ff: {  	v4 =	vld [tilespmem:s9+$0x1D830]  }
0x200: {  	v5 =	vld [tilespmem:s9+$0xAC00]  }
0x201: {  	v6 =	vld [tilespmem:s9+$0x1D800]  }
0x202: {  	v1 =	vld [tilespmem:s9+$0xAC10]  }
0x203: {  	v3 =	vld [tilespmem:s9+$0x1D810]  }
0x204: {  	v0 =	vld [tilespmem:s9+$0xAC20];
	v7 =	vadd.f32 v4, v2  }
0x205: {  	s8 =	simm.s32 $0x80;
	v4 =	vld [tilespmem:s9+$0x1D820]  }
0x206: {  	s11 =	simm.s32 $0x400;
	v2 =	vld [tilespmem:s8+$0xAC30];
	v5 =	vadd.f32 v6, v5;
	[tilespmem:s9+$0x17430] =	vst v7  }
.LBB2_25:
0x207: {  	p1 =	sne.s32 s11, $0x9E00;
	v6 =	vld [tilespmem:s8+$0x1D830]  }
0x208: {  	v7 =	vld [tilespmem:s8+$0xAC00];
	[tilespmem:s9+$0x17400] =	vst v5;
	v3 =	vadd.f32 v3, v1  }
0x209: {  	v5 =	vld [tilespmem:s8+$0x1D800]  }
.Ltmp11:
0x20a: {  	v1 =	vld [tilespmem:s8+$0xAC10];
	[tilespmem:s9+$0x17410] =	vst v3;
	v4 =	vadd.f32 v4, v0;
	(pc) =	sbr.rel @p1 .LBB2_25-.Ltmp11, $4  }
0x20b: {  	v3 =	vld [tilespmem:s8+$0x1D810]  }
0x20c: {  	v0 =	vld [tilespmem:s8+$0xAC20];
	v6 =	vadd.f32 v6, v2;
	[tilespmem:s9+$0x17420] =	vst v4;
	s9 =	smov.u32 s8  }
0x20d: {  	s8 =	sshra.s32 s11, $0x2;
	v4 =	vld [tilespmem:s9+$0x1D820]  }
0x20e: {  	s11 =	sadd.s32 $0x200, s11;
	v2 =	vld [tilespmem:s8+$0xAC30];
	v5 =	vadd.f32 v5, v7;
	[tilespmem:s9+$0x17430] =	vst v6  }
0x20f: {  	v6 =	vld [tilespmem:s8+$0x1D830]  }
0x210: {  	v7 =	vld [tilespmem:s8+$0xAC00];
	[tilespmem:s9+$0x17400] =	vst v5;
	v1 =	vadd.f32 v3, v1  }
0x211: {  	v61 =	vld [tilespmem:s8+$0x1D800]  }
0x212: {  	v5 =	vld [tilespmem:s8+$0xAC10];
	[tilespmem:s9+$0x17410] =	vst v1;
	v0 =	vadd.f32 v4, v0  }
0x213: {  	v1 =	vld [tilespmem:s8+$0x1D810]  }
0x214: {  	v62 =	vld [tilespmem:s8+$0xAC20];
	[tilespmem:s9+$0x17420] =	vst v0  }
0x215: {  	v0 =	vld [tilespmem:s8+$0x1D820];
	_ =	sdelay $0x1  }
0x216: {  	v2 =	vadd.f32 v6, v2  }
0x217: {  	v3 =	vadd.f32 v61, v7  }
0x218: {  	[tilespmem:s8+$0x17430] =	vst v2;
	v1 =	vadd.f32 v1, v5  }
0x219: {  	[tilespmem:s8+$0x17400] =	vst v3;
	v0 =	vadd.f32 v0, v62  }
0x21a: {  	s11 =	simm.s32 @!p0 $0xAC00;
	[tilespmem:s8+$0x17410] =	vst v1  }
0x21b: {  	s23 =	sadd.s32 $0x1, s23;
	s9 =	simm.s32 @!p0 $0x600;
	[tilespmem:s8+$0x17420] =	vst v0;
	s8 =	simm.s32 @!p0 $0x50  }
0x21c: {  	[tilespmem:s11], [sflag:$0x7] =	stream.indirect.gather @!p0 [hbm4b:s6+s8], $0x80, s9, s8, $0xb8;
	v63 =	vld [tilespmem:$0x0]  }
0x21d: {  	s29 =	sshll.u32 s25, $0x4;
	p0 =	sne.s32 s23, $0x20  }
.Ltmp12:
0x21e: {  	s8 =	sadd.s32 s7, s29;
	(pc) =	sbr.rel @p0 .LBB2_2-.Ltmp12, $4  }
0x21f: {  	[hbm4b:s8+s4] =	stream.linear.scatter [tilespmem:s19], [sflag:$0x8], $0xC800, $0x38;
	v63 =	vld [tilespmem:$0x0]  }
0x220: {  	_ =	swait.ge [sflag:s13], $0xC800  }
0x221: {  	[sflag:s13] =	ssyncset.done $0x0  }
0x222: {  	[sflag:s13] =	ssyncadd.s32 $0xFFFF3800  }
0x223: {  	s9 =	rddreg [dreg:$0x7]  }
0x224: {  	s8 =	rddreg [dreg:$0x6];
	s9 =	sadd.s32 $0x1, s9  }
0x225: {  	p0 =	sne.s32 s9, s8  }
.Ltmp13:
0x226: {  	_ = 	snop;
	(pc) =	sbr.rel @p0 .LBB2_1-.Ltmp13, $1  }
0x227: {  	_ =	sdelay $0x3  }
0x228: {  	_ =	sfence.sel $0x180000  }
0x229: {  	[bflag:$0x0] =	sbarrier.arrive $0xFFFF  }
0x22a: {  	_ =	strace $0x90000047  }
0x22b: {  	s0 =	stileid.u32;
	[bflag:$0x2] =	sbarrier.arrive $0xFFFF  }
0x22c: {  	p0 =	sne.s32 s0, $0x0;
	s0 =	rddreg [dreg:$0x3]  }
0x22d: {  	s0 =	sadd.s32 @!p0 $0x100000, s0  }
0x22e: {  	[sflag:s0] =	ssyncadd.tile.s32 @!p0 $0x1;
	_ =	shalt  }
.Lfunc_end2:
_tile_overlayer_lowered:
.L_overlay_start_2:
0x22f: {  	(tag) =	ssettag $0x2  }
0x230: {  	s0 =	rddreg [dreg:$0x0];
	s2 =	stileid.u32  }
0x231: {  	s1 =	rddreg [dreg:$0x1];
	p0 =	sne.s32 s2, $0x0  }
0x232: {  	s3 =	rddreg [dreg:$0x2];
	[bflag:$0x3] =	sbarrier.arrive $0xFFFF;
	s2 =	simm.s32 @!p0 $0x1C08  }
0x233: {  	[timem:s3], [sflag:s2] =	dma.local @!p0 [hbm:s0], s1  }
0x234: {  	s0 =	simm.s32 @!p0 $0x8  }
0x235: {  	_ =	swait.ge @!p0 [sflag:s0], s1  }
0x236: {  	s1 =	ssub.s32 @!p0 $0x0, s1;
	[sflag:s0] =	ssyncset.done @!p0 $0x0  }
0x237: {  	[sflag:s0] =	ssyncadd.s32 @!p0 s1  }
0x238: {  	[bflag:$0x3] =	sbarrier.arrive $0xFFFF  }
0x239: {  	_ =	shalt  }

// kernel: sparse-core-data-format-call.cloned.1.call-start
scs
called_computation_lowered:
.L_overlay_start_0:
0x0: {  	s2 =	sld [smem:$0x3FD9]  }
0x1: {  	s3 =	sld [smem:$0x3FFE];
	_ =	sdelay $0x1  }
0x2: {  	s1 =	srdreg.scid  }
0x3: {  	s0 =	sand.u32 $0x1, s1  }
0x4: {  	s15 =	sshll.u32 s0, $0xA;
	s2 =	sadd.s32 s3, s2  }
0x5: {  	s2 =	sadd.s32 s2, s15  }
0x6: {  	[smem:$0x3FC5] =	sst s2  }
0x7: {  	_ = 	snop  }
0x8: {  	s2 =	sld [smem:$0x3FD0];
	_ =	sdelay $0x2  }
0x9: {  	s16 =	simm.s32 $0xA;
	s4 =	simm.s32 $0x10  }
0xa: {  	[smem:s4], [sflag:s16] =	dma.local [hbm:s2], $0x1  }
0xb: {  	_ =	swait.eq [sflag:s16], $0x1  }
0xc: {  	[sflag:s16] =	ssyncset.done $0x0  }
0xd: {  	[sflag:s16] =	ssyncadd.s32 $0xFFFFFFFF  }
0xe: {  	s17 =	sld [smem:$0x10];
	(tm) =	ssettm $0x1  }
0xf: {  	s18 =	sld [smem:$0x3FFB];
	_ =	sdelay $0x3  }
0x10: {  	_ =	strace s18  }
0x11: {  	s3 =	sld [smem:$0x3FFC];
	_ =	sdelay $0x3  }
0x12: {  	_ =	strace s3  }
0x13: {  	s3 =	sld [smem:$0x3FFD];
	_ =	sdelay $0x3  }
0x14: {  	_ =	strace s3  }
0x15: {  	_ =	strace $0x8FFFFFFF  }
0x16: {  	s19 =	sld [smem:$0x3FDB];
	_ =	sdelay $0x1  }
0x17: {  	s20 =	simm.s32 $_scs_section_size  }
0x18: {  	s5 =	simm.s32 $_size__tile_overlayer_lowered;
	s6 =	simm.s32 $_tile_overlayer_lowered  }
0x19: {  	s23 =	simm.s32 $0x1BFF;
	s22 =	sshll.u32 s6, $0x1;
	s3 =	sadd.s32 s20, s19  }
0x1a: {  	s7 =	simm.s32 $0x0;
	s21 =	sshll.u32 s5, $0x1;
	s5 =	sadd.s32 s22, s3  }
0x1b: {  	[timem:s7], [sflag:s23] =	dma.local [hbm:s5], s21  }
0x1c: {  	_ =	swait.ge [sflag:s23], s21  }
0x1d: {  	s4 =	ssub.s32 $0x0, s21;
	[sflag:s23] =	ssyncset.done $0x0  }
0x1e: {  	[sflag:s23] =	ssyncadd.s32 s4;
	_ =	sdelay $0x1  }
0x1f: {  	s24 =	simm.s32 $0x1B8B  }
0x20: {  	_ =	swait.ge [sflag:s24], $0x1  }
0x21: {  	[sflag:s24] =	ssyncset.done $0x0  }
0x22: {  	s26 =	simm.s32 $0x1B8E;
	s25 =	sld [smem:$0x3FFE];
	[sflag:s24] =	ssyncadd.s32 $0xFFFFFFFF  }
0x23: {  	s27 =	simm.s32 $execute0_lowered;
	[smem:$0x3FD2] =	sst s26  }
0x24: {  	s5 =	sshll.u32 s27, $0x1;
	_ =	strace $0x80000049;
	[dreg:$0x1] =	wrdreg $0xFFFFFFFF  }
0x25: {  	s28 =	simm.s32 $_size_execute0_lowered;
	s3 =	sadd.s32 s3, s5;
	[dreg:$0x0] =	wrdreg $0x0  }
0x26: {  	s5 =	sshll.u32 s28, $0x1;
	[dreg:$0x2] =	wrdreg s3  }
0x27: {  	[dreg:$0x3] =	wrdreg s5  }
0x28: {  	[dreg:$0x4] =	wrdreg $0xC0  }
0x29: {  	_ =	task [dreg:s7], $0x5FFFF  }
0x2a: {  	[dreg:$0x1] =	wrdreg $0xFFFFFFFF  }
0x2b: {  	[dreg:$0x0] =	wrdreg $0x60  }
0x2c: {  	[dreg:$0x2] =	wrdreg s25  }
0x2d: {  	[dreg:$0x3] =	wrdreg s17  }
0x2e: {  	[dreg:$0x4] =	wrdreg $0x9  }
0x2f: {  	_ =	task.clear_ibuf [dreg:s7], $0x5FFFF;
	_ =	strace $0x90000049  }
0x30: {  	s29 =	simm.s32 $0x9;
	_ =	strace $0x8000004B  }
0x31: {  	_ =	swait.ge [sflag:s29], $0x1  }
0x32: {  	[sflag:s29] =	ssyncadd.s32 $0xFFFFFFFF  }
0x33: {  	_ =	strace $0x9000004B  }
0x34: {  	_ =	sfence  }
0x35: {  	s30 =	sld [smem:$0x0];
	_ =	sdelay $0x2  }
0x36: {  	s31 =	sshll.u32 s1, $0xD;
	s1 =	sshrl.u32 s1, $0x2  }
0x37: {  	s3 =	sand.u32 $0x4000, s31;
	s1 =	sadd.s32 s1, s30  }
0x38: {  	s0 =	sor.u32 s3, s0;
	s1 =	sshll.u32 s1, $0x11  }
0x39: {  	s0 =	sor.u32 s1, s0  }
0x3a: {  	s0 =	sadd.s32 $0x8F2B, s0  }
0x3b: {  	[sflag:s0] =	ssyncadd.remote.s32 $0x1  }
0x3c: {  	_ =	sfence.sel $0xFFFF  }
0x3d: {  	[dreg:$0x0] =	wrdreg $0xFFFFFFFF;
	(pc) =	sbr.abs _section_cstart, $3  }
0x3e: {  	[dreg:$0x1] =	wrdreg $0xFFFFFFFF  }
0x3f: {  	_ =	task.clear_ibuf [dreg:s7], $0x2FFFF;
	_ =	strace $0x9FFFFFFF  }
0x40: {  	(tm) =	ssettm $0x7FFFFFFF  }
0x41: {  	_ =	shalt  }
tec
execute0_lowered:
.L_overlay_start_1:
0x0: {  	(tag) =	ssettag $0x1  }
0x1: {  	s0 =	srdreg.scid  }
0x2: {  	s1 =	sshll.u32 s0, $0x4  }
0x3: {  	s0 =	stileid.u32;
	s1 =	sand.u32 $0x10, s1  }
0x4: {  	s1 =	sor.u32 s0, s1  }
0x5: {  	s6 =	rddreg [dreg:$0x0];
	s4 =	simm.s32 $0x1;
	s2 =	sshll.u32 s1, $0x7  }
0x6: {  	s7 =	simm.s32 $0x2;
	s12 =	simm.s32 $0x0;
	s1 =	ssub.s32 $0x1000, s2  }
0x7: {  	s8 =	simm.s32 $0x8000;
	s13 =	simm.s32 $0x0;
	s3 =	sand.u32 $0xF80, s1  }
0x8: {  	s9 =	simm.s32 $0x0;
	s5 =	sshrl.u32 s1, $0xC;
	p0 =	sne.s32 s3, $0x0  }
.Ltmp0:
0x9: {  	s1 =	rddreg [dreg:$0x2];
	s4 =	simm.s32 @!p0 $0x0;
	(pc) =	sbr.rel .LBB1_1-.Ltmp0, $4  }
0xa: {  	s11 =	simm.s32 $0x0;
	s3 =	rddreg [dreg:$0x1];
	s5 =	sadd.s32 s4, s5  }
0xb: {  	_ =	strace $0x8000004A;
	s4 =	simm.s32 $0x1;
	s5 =	smul.u32 $0xC8, s5  }
0xc: {  	s6 =	sadd.s32 $0xE00, s6;
	s10 =	smov.u32 s2;
	[sflag:s4] =	ssyncpa.u1 $0x0  }
0xd: {  	p0 =	por $0x0, $0x0;
	[sflag:s7] =	ssyncpa.u1 $0x0;
	s7 =	sor.u32 $0x1, s5  }
.LBB1_4:
0xe: {  	s16 =	sshll.u32 s13, $0x3;
	s17 =	sand.u32 $0x78, s13  }
0xf: {  	s30 =	sand.u32 $0x7E00, s13;
	s12 =	sshll.u32 s12, $0xF;
	s16 =	sand.u32 $0xC00, s16  }
0x10: {  	[tilespmem:s15+$0x810 ss:$0x81] =	vst.msk $0xffff, v2;
	s31 =	sand.u32 $0x7, s13;
	s16 =	sor.u32 s17, s16;
	s17 =	sadd.s32 s3, s30  }
0x11: {  	[tilespmem:s15+$0x1020 ss:$0x81] =	vst.msk $0xffff, v0;
	s13 =	sshll.u32 s31, $0x12;
	s12 =	sadd.s32 s12, s17;
	s16 =	sshrl.u32 s16, $0x3  }
0x12: {  	[tilespmem:s15+$0x0 ss:$0x81] =	vst.msk $0xffff, v1;
	s13 =	sor.u32 $0x400, s13;
	s12 =	sadd.s32 s16, s12  }
0x13: {  	[hbm4b:s12+s13] =	stream.strided.scatter [tilespmem:s14], [sflag:$0x2], $0x2000, s8, s13, $0x20;
	[tilespmem:$0x8080] =	vst v63  }
.LBB1_5:
0x14: {  	s14 =	sadd.s32 $0x1, s9  }
0x15: {  	s12 =	sadd.s32 $0x1000, s10;
	s16 =	smov.u32 s10;
	p2 =	sgt.s32 s14, $0xC7  }
0x16: {  	s16 =	smov.u32 @p2 s12  }
0x17: {  	s14 =	simm.s32 @p2 $0x0;
	p2 =	sgt.s32 s16, $0xFFF  }
0x18: {  	s16 =	smov.u32 @p2 s2;
	p2 =	sne.s32 s11, s7  }
.Ltmp1:
0x19: {  	p1 =	slt.u32 s11, $0x2;
	(pc) =	sbr.rel @!p2 .LBB1_6-.Ltmp1, $4  }
0x1a: {  	s15 =	simm.s32 @!p1 $0x2  }
0x1b: {  	s13 =	smov.u32 s10;
	p0 =	por !p0, !p0;
	_ =	swait.ge @!p1 [sflag:s15], $0x2000  }
0x1c: {  	s12 =	smov.u32 s9;
	[sflag:s15] =	ssyncset.done @!p1 $0x0;
	s9 =	smov.u32 s14  }
0x1d: {  	s11 =	sadd.s32 $0x1, s11;
	[sflag:s15] =	ssyncadd.s32 @!p1 $0xFFFFE000;
	s10 =	smov.u32 s16  }
.LBB1_1:
0x1e: {  	p1 =	sge.u32 s11, s5  }
0x1f: {  	s14 =	sand.u32 @!p1 $0x1FFFFFF, s9  }
0x20: {  	s15 =	smulhi.u32 @!p1 $0x147AE15, s14;
	_ =	sdelay $0x1  }
0x21: {  	s15 =	smul.u32 @!p1 $0xC8, s15  }
0x22: {  	s16 =	sxor.u32 @!p1 $0xFFFFFFFF, s11;
	s17 =	smul.u32 @!p1 $0xC80, s10  }
0x23: {  	s31 =	sadd.s32 $0xFFFFFFFF, s11;
	s16 =	sshll.u32 @!p1 s16, $0xD;
	s14 =	ssub.s32 @!p1 s14, s15  }
0x24: {  	s15 =	sand.u32 @!p1 $0x2000, s16;
	s16 =	sadd.s32 @!p1 s6, s17;
	s14 =	sshll.u32 @!p1 s14, $0x4  }
0x25: {  	s17 =	simm.s32 @!p1 $0x6400;
	s14 =	sadd.s32 @!p1 s14, s16;
	s16 =	simm.s32 @!p1 $0x40  }
0x26: {  	[tilespmem:s15], [sflag:$0x1] =	stream.strided.gather @!p1 [hbm4b:s14+s16], $0x2000, s17, s16, $0x38;
	[tilespmem:$0x8080] =	vst v63  }
0x27: {  	p1 =	sge.u32 s31, s5  }
.Ltmp2:
0x28: {  	_ = 	snop;
	(pc) =	sbr.rel @p1 .LBB1_5-.Ltmp2, $1  }
0x29: {  	_ =	sdelay $0x3  }
0x2a: {  	s14 =	simm.s32 $0x1  }
0x2b: {  	_ =	swait.ge [sflag:s4], $0x2000;
	s14 =	simm.s32 @!p0 $0x0  }
0x2c: {  	[sflag:s4] =	ssyncset.done $0x0;
	s15 =	sshll.u32 s14, $0xD  }
0x2d: {  	[sflag:s4] =	ssyncadd.s32 $0xFFFFE000;
	s18 =	sor.u32 $0x20, s15  }
0x2e: {  	s14 =	smul.u32 $0x8100, s14;
	v3 =	vld [tilespmem:s18+$0x10]  }
0x2f: {  	s30 =	sand.u32 $0x1, s11;
	v2 =	vld [tilespmem:s18+$0xFFFFFFF0]  }
0x30: {  	s15 =	smul.u32 $0x8100, s30;
	s14 =	sshrl.u32 s14, $0x2;
	v0 =	vld [tilespmem:s18+$0x0]  }
0x31: {  	v1 =	vld [tilespmem:s18+$0xFFFFFFE0];
	s16 =	sor.u32 $0x4000, s14  }
0x32: {  	s31 =	sshrl.u32 s15, $0x2;
	s15 =	sadd.s32 $0x0, s16  }
0x33: {  	s17 =	simm.s32 $0x4;
	s18 =	sadd.s32 $0x40, s18;
	s14 =	sor.u32 $0x4000, s31;
	[tilespmem:s15+$0x1830 ss:$0x81] =	vst.msk $0xffff, v3  }
.LBB1_3:
0x34: {  	v3 =	vld [tilespmem:s18+$0x10];
	p1 =	sne.s32 s17, $0x1FC;
	[tilespmem:s15+$0x810 ss:$0x81] =	vst.msk $0xffff, v2;
	s19 =	smov.u32 s17;
	s17 =	sadd.s32 $0x4, s17  }
.Ltmp3:
0x35: {  	v2 =	vld [tilespmem:s18+$0xFFFFFFF0];
	[tilespmem:s15+$0x1020 ss:$0x81] =	vst.msk $0xffff, v0;
	(pc) =	sbr.rel @p1 .LBB1_3-.Ltmp3, $4  }
0x36: {  	v0 =	vld [tilespmem:s18+$0x0];
	[tilespmem:s15+$0x0 ss:$0x81] =	vst.msk $0xffff, v1  }
0x37: {  	s15 =	sshra.s32 s19, $0x2;
	v1 =	vld [tilespmem:s18+$0xFFFFFFE0]  }
0x38: {  	s15 =	sadd.s32 s15, s16  }
0x39: {  	s18 =	sadd.s32 $0x40, s18;
	[tilespmem:s15+$0x1830 ss:$0x81] =	vst.msk $0xffff, v3  }
.Ltmp4:
0x3a: {  	_ = 	snop;
	(pc) =	sbr.rel .LBB1_4-.Ltmp4, $1  }
0x3b: {  	_ =	sdelay $0x3  }
.LBB1_6:
0x3c: {  	_ =	sfence.sel $0x180000  }
0x3d: {  	s2 =	simm.s32 $0x1;
	[bflag:$0x0] =	sbarrier.arrive $0xFFFF  }
0x3e: {  	s31 =	simm.s32 $0x2;
	[sflag:s2] =	ssyncpa.u1 $0x1  }
0x3f: {  	[sflag:s31] =	ssyncpa.u1 $0x1  }
0x40: {  	p0 =	sne.s32 s0, $0x0;
	_ =	strace $0x9000004A  }
0x41: {  	s0 =	sadd.s32 @!p0 $0x100000, s1;
	[bflag:$0x2] =	sbarrier.arrive $0xFFFF  }
0x42: {  	[sflag:s0] =	ssyncadd.tile.s32 @!p0 $0x1;
	_ =	shalt  }
.Lfunc_end1:
_tile_overlayer_lowered:
.L_overlay_start_2:
0x43: {  	(tag) =	ssettag $0x2  }
0x44: {  	s0 =	rddreg [dreg:$0x0];
	s2 =	stileid.u32  }
0x45: {  	s1 =	rddreg [dreg:$0x1];
	p0 =	sne.s32 s2, $0x0  }
0x46: {  	s3 =	rddreg [dreg:$0x2];
	[bflag:$0x3] =	sbarrier.arrive $0xFFFF;
	s2 =	simm.s32 @!p0 $0x1C01  }
0x47: {  	[timem:s3], [sflag:s2] =	dma.local @!p0 [hbm:s0], s1  }
0x48: {  	s0 =	simm.s32 @!p0 $0x1  }
0x49: {  	_ =	swait.ge @!p0 [sflag:s0], s1  }
0x4a: {  	s1 =	ssub.s32 @!p0 $0x0, s1;
	[sflag:s0] =	ssyncset.done @!p0 $0x0  }
0x4b: {  	[sflag:s0] =	ssyncadd.s32 @!p0 s1  }
0x4c: {  	[bflag:$0x3] =	sbarrier.arrive $0xFFFF  }
0x4d: {  	_ =	shalt  }

</sc_bundles>
